<compile_context>
chip_gen: v7x
topology: tpu7x:2x2x1
jax: 0.10.2.dev20260603
libtpu: 0.0.44.dev20260713+nightly
codegen_flags: <defaults>
</compile_context>

<pallas_src>
import jax
import jax.numpy as jnp
from jax import lax
from jax.experimental import pallas as pl
from jax.experimental.pallas import tpu as pltpu
from jax.experimental.pallas import tpu_sc as plsc
import functools

VOCAB = 1000
DIM = 16
CHARS = 20
NC = 2
NS = 16
NW = NC * NS
BT = 128


@functools.partial(jax.jit, static_argnames=("chunk",))
def _sc_embed_max(xt, Wp, *, chunk):
    _, S, B = xt.shape
    nch = S // chunk

    mesh = plsc.VectorSubcoreMesh(core_axis_name="c", subcore_axis_name="s")

    @functools.partial(
        pl.kernel,
        out_type=jax.ShapeDtypeStruct((S, DIM // 8, B // BT, 8, BT),
                                      jnp.float32),
        mesh=mesh,
        scratch_types=[
            pltpu.VMEM((VOCAB, DIM), jnp.int32),
            pltpu.VMEM((2, CHARS, chunk, BT), jnp.int32),
            pltpu.VMEM((chunk, DIM // 8, 1, 8, BT), jnp.float32),
            pltpu.VMEM((16, 17), jnp.float32),
            pltpu.SemaphoreType.DMA((2,)),
        ],
        compiler_params=pltpu.CompilerParams(
            needs_layout_passes=False, use_tc_tiling_on_sc=False),
    )
    def k(x_hbm, w_hbm, out_hbm, w_v, idx_v, out_v, st_v, sem):
        wid = lax.axis_index("s") * NC + lax.axis_index("c")
        pltpu.sync_copy(w_hbm, w_v)
        col = lax.iota(jnp.int32, 16)
        col8 = jnp.bitwise_and(col, 7)
        half = jnp.where(col < 8, 0, 1)
        cols_even = jnp.left_shift(col8, 1)
        cols_odd = cols_even + 1
        gcols = cols_even + half
        hi_mask = jnp.int32(-65536)
        b0 = wid * BT

        def idx_copy(ch, sl):
            return pltpu.make_async_copy(
                x_hbm.at[:, pl.ds(ch * chunk, chunk), pl.ds(b0, BT)],
                idx_v.at[sl], sem.at[sl])

        idx_copy(0, 0).start()

        @pl.loop(0, nch)
        def chunk_loop(ch):
            s0 = ch * chunk
            sl = lax.rem(ch, 2)

            @pl.when(ch + 1 < nch)
            def _():
                idx_copy(ch + 1, 1 - sl).start()

            idx_copy(ch, sl).wait()

            @pl.loop(0, chunk)
            def s_loop(s):

                @pl.loop(0, BT // 16)
                def blk_loop(l):
                    ivs = [idx_v[sl, c, s, pl.ds(l * 16, 16)]
                           for c in range(CHARS)]
                    for p in range(8):
                        patt = half + (2 * p)
                        rows = []
                        for c in range(CHARS):
                            sp = jnp.take_along_axis(
                                ivs[c], patt, axis=0,
                                mode="promise_in_bounds")
                            g = plsc.load_gather(w_v, [sp, gcols])
                            rows.append(plsc.bitcast(g, jnp.bfloat16))
                        while len(rows) > 1:
                            rows = [
                                jnp.maximum(rows[i], rows[i + 1])
                                if i + 1 < len(rows) else rows[i]
                                for i in range(0, len(rows), 2)
                            ]
                        mu = plsc.bitcast(rows[0], jnp.int32)
                        lo = plsc.bitcast(
                            jnp.left_shift(mu, 16), jnp.float32)
                        hi = plsc.bitcast(
                            jnp.bitwise_and(mu, hi_mask), jnp.float32)
                        plsc.store_scatter(st_v, [patt, cols_even], lo)
                        plsc.store_scatter(st_v, [patt, cols_odd], hi)
                    for d in range(DIM):
                        tv = plsc.load_gather(
                            st_v, [col, jnp.full((16,), d, jnp.int32)])
                        out_v[s, d // 8, 0, d % 8, pl.ds(l * 16, 16)] = tv

            pltpu.sync_copy(
                out_v,
                out_hbm.at[pl.ds(s0, chunk), :, pl.ds(wid, 1)])

    return k(xt, Wp)


def kernel(x, W):
    B, S, _ = x.shape
    xt = jnp.transpose(x.astype(jnp.int32), (2, 1, 0))
    Wb = W.astype(jnp.bfloat16).reshape(VOCAB, DIM // 2, 2)
    Wp = lax.bitcast_convert_type(Wb, jnp.int32)
    o = _sc_embed_max(xt, jnp.repeat(Wp, 2, axis=1), chunk=10)
    out = jnp.transpose(o, (2, 4, 0, 1, 3)).reshape(B, S, DIM)
    return out

# --- scband reference (transcript-rebuilt; emitter-appended) ---
"""Pipeline reference for scband-char-embedding-35072702939583 (READ-ONLY COPY).

The authoritative reference and input builder live on the scoring server;
editing this copy changes nothing except your own understanding.
"""

import jax, jax.numpy as jnp
import numpy as np

CHAR_VOCAB = 1000
EMBED_DIM = 16

def setup_inputs(seed: int = 0) -> dict:
    key = jax.random.key(seed)
    k1, k2 = jax.random.split(key)
    x = jax.random.randint(k1, (4096, 50, 20), 0, CHAR_VOCAB, dtype=jnp.int64)
    W = jax.random.normal(k2, (CHAR_VOCAB, EMBED_DIM), dtype=jnp.float32)
    return {"x": x, "W": W}

def reference(x, W):
    # flat_x = x.view(-1, x.size()[-1])
    flat_x = x.reshape(-1, x.shape[-1])
    # flat_out = self.embedding(flat_x)
    flat_out = jnp.take(W, flat_x, axis=0)
    # out = flat_out.view(x.size() + (embed_dim,))
    out = flat_out.reshape(x.shape + (flat_out.shape[-1],))
    # out, _ = torch.max(out, -2)
    out = jnp.max(out, axis=-2)
    return out

if __name__ == "__main__":
    import jax
    _d = setup_inputs()
    print(jax.jit(kernel)(*tuple(_d.values())))

</pallas_src>

<mosaic_0001>
#map = affine_map<(d0, d1) -> (0, 0, 0)>
#map1 = affine_map<(d0, d1) -> (0, 0)>
#map2 = affine_map<(d0, d1) -> (0, 0, 0, 0, 0)>
module attributes {stable_mosaic.version = 14 : i64} {
  func.func @k(%arg0: i32, %arg1: i32, %arg2: memref<20x50x4096xi32, #tpu.memory_space<hbm>>, %arg3: memref<1000x16xi32, #tpu.memory_space<hbm>>, %arg4: memref<50x2x32x8x128xf32, #tpu.memory_space<hbm>>, %arg5: memref<1000x16xi32, #tpu.memory_space<vmem>>, %arg6: memref<2x20x10x128xi32, #tpu.memory_space<vmem>>, %arg7: memref<10x2x1x8x128xf32, #tpu.memory_space<vmem>>, %arg8: memref<16x17xf32, #tpu.memory_space<vmem>>, %arg9: memref<2x!tpu.dma_semaphore, #tpu.memory_space<semaphore_mem>>) attributes {dimension_semantics = [#tpu.dimension_semantics<core_parallel>, #tpu.dimension_semantics<subcore_parallel>], iteration_bounds = array<i64: 2, 16>, scalar_prefetch = 0 : i64, scratch_operands = 5 : i64, tpu.core_type = #tpu.core_type<sc_vector_subcore>, window_params = [{transform_indices = #map}, {transform_indices = #map1}, {transform_indices = #map2}]} {
    %mul3A = arith.constant 2 : i32
    %mul3A_0 = arith.muli %arg1, %mul3A : i32
    %add3A = arith.addi %mul3A_0, %arg0 : i32
    "tpu.region"() ({
      %run_scoped3A = tpu.sem_alloc : memref<!tpu.dma_semaphore, #tpu.memory_space<semaphore_mem>>
      tpu.enqueue_dma source(%arg3 : memref<1000x16xi32, #tpu.memory_space<hbm>>) target(%arg5 : memref<1000x16xi32, #tpu.memory_space<vmem>>) target_semaphore(%run_scoped3A : memref<!tpu.dma_semaphore, #tpu.memory_space<semaphore_mem>>)
      tpu.wait_dma2 semaphore(%run_scoped3A : memref<!tpu.dma_semaphore, #tpu.memory_space<semaphore_mem>>) src(%arg3 : memref<1000x16xi32, #tpu.memory_space<hbm>>) dst(%arg5 : memref<1000x16xi32, #tpu.memory_space<vmem>>)
      tpu.yield
    }) : () -> ()
    %iota3A = tpu.iota {dimensions = array<i32: 0>} : vector<16xi32>
    %and3A = arith.constant 7 : i32
    %and3A_1 = vector.broadcast %and3A : i32 to vector<16xi32>
    %and3A_2 = arith.andi %iota3A, %and3A_1 : vector<16xi32>
    %lt3A = arith.constant 8 : i32
    %lt3A_3 = vector.broadcast %lt3A : i32 to vector<16xi32>
    %lt3A_4 = arith.cmpi slt, %iota3A, %lt3A_3 : vector<16xi32>
    %jit3A = arith.constant 0 : i32
    %jit3A_5 = arith.constant 1 : i32
    %broadcast_in_dim3A = vector.broadcast %jit3A : i32 to vector<16xi32>
    %broadcast_in_dim3A_6 = vector.broadcast %jit3A_5 : i32 to vector<16xi32>
    %select_n3A = arith.select %lt3A_4, %broadcast_in_dim3A, %broadcast_in_dim3A_6 : vector<16xi1>, vector<16xi32>
    %shift_left3A = arith.constant 1 : i32
    %shift_left3A_7 = vector.broadcast %shift_left3A : i32 to vector<16xi32>
    %shift_left3A_8 = arith.shli %and3A_2, %shift_left3A_7 : vector<16xi32>
    %add3A_9 = arith.constant 1 : i32
    %add3A_10 = vector.broadcast %add3A_9 : i32 to vector<16xi32>
    %add3A_11 = arith.addi %shift_left3A_8, %add3A_10 : vector<16xi32>
    %add3A_12 = arith.addi %shift_left3A_8, %select_n3A : vector<16xi32>
    %mul3A_13 = arith.constant 128 : i32
    %mul3A_14 = arith.muli %add3A, %mul3A_13 : i32
    %dma_start3A = arith.constant 0 : i32
    %dma_start3A_15 = arith.constant 0 : i32
    %dma_start3A_16 = arith.constant 0 : i32
    %dma_start3A_17 = arith.constant 0 : i32
    %dma_start3A_18 = arith.constant 0 : i32
    %dma_start3A_19 = tpu.memref_slice %arg6[%dma_start3A, %dma_start3A_16, %dma_start3A_17, %dma_start3A_18] : memref<2x20x10x128xi32, #tpu.memory_space<vmem>> -> memref<1x20x10x128xi32, #tpu.memory_space<vmem>>
    %dma_start3A_20 = tpu.memref_squeeze %dma_start3A_19 : memref<1x20x10x128xi32, #tpu.memory_space<vmem>> -> memref<20x10x128xi32, #tpu.memory_space<vmem>>
    %dma_start3A_21 = arith.constant 0 : i32
    %dma_start3A_22 = arith.constant 0 : i32
    %dma_start3A_23 = tpu.memref_slice %arg2[%dma_start3A_21, %dma_start3A_22, %mul3A_14] : memref<20x50x4096xi32, #tpu.memory_space<hbm>> -> memref<20x10x128xi32, #tpu.memory_space<hbm>>
    %dma_start3A_24 = tpu.memref_slice %arg9[%dma_start3A_15] : memref<2x!tpu.dma_semaphore, #tpu.memory_space<semaphore_mem>> -> memref<1x!tpu.dma_semaphore, #tpu.memory_space<semaphore_mem>>
    %dma_start3A_25 = tpu.memref_squeeze %dma_start3A_24 : memref<1x!tpu.dma_semaphore, #tpu.memory_space<semaphore_mem>> -> memref<!tpu.dma_semaphore, #tpu.memory_space<semaphore_mem>>
    %dma_start3A_26 = arith.constant 0 : i32
    %dma_start3A_27 = arith.constant 0 : i32
    %dma_start3A_28 = arith.constant 0 : i32
    %dma_start3A_29 = tpu.memref_slice %arg6[%dma_start3A, %dma_start3A_26, %dma_start3A_27, %dma_start3A_28] : memref<2x20x10x128xi32, #tpu.memory_space<vmem>> -> memref<1x20x10x128xi32, #tpu.memory_space<vmem>>
    %dma_start3A_30 = tpu.memref_squeeze %dma_start3A_29 : memref<1x20x10x128xi32, #tpu.memory_space<vmem>> -> memref<20x10x128xi32, #tpu.memory_space<vmem>>
    %dma_start3A_31 = arith.constant 0 : i32
    %dma_start3A_32 = arith.constant 0 : i32
    %dma_start3A_33 = tpu.memref_slice %arg2[%dma_start3A_31, %dma_start3A_32, %mul3A_14] : memref<20x50x4096xi32, #tpu.memory_space<hbm>> -> memref<20x10x128xi32, #tpu.memory_space<hbm>>
    tpu.enqueue_dma source(%dma_start3A_33 : memref<20x10x128xi32, #tpu.memory_space<hbm>>) target(%dma_start3A_30 : memref<20x10x128xi32, #tpu.memory_space<vmem>>) target_semaphore(%dma_start3A_25 : memref<!tpu.dma_semaphore, #tpu.memory_space<semaphore_mem>>)
    %scan3A = arith.constant -65536 : i32
    %scan3A_34 = arith.constant 0 : i32
    %scan3A_35 = arith.constant 5 : i32
    %scan3A_36 = arith.addi %scan3A_34, %scan3A_35 : i32
    %scan3A_37 = arith.constant 1 : i32
    scf.for %scan3A_39 = %scan3A_34 to %scan3A_36 step %scan3A_37  : i32 {
      %mul3A_40 = arith.constant 1 : i32
      %mul3A_41 = arith.muli %scan3A_39, %mul3A_40 : i32
      %add3A_42 = arith.constant 0 : i32
      %add3A_43 = arith.addi %add3A_42, %mul3A_41 : i32
      %mul3A_44 = arith.constant 10 : i32
      %mul3A_45 = arith.muli %add3A_43, %mul3A_44 : i32
      %rem3A = arith.constant 2 : i32
      %rem3A_46 = arith.remsi %add3A_43, %rem3A : i32
      %add3A_47 = arith.constant 1 : i32
      %add3A_48 = arith.addi %add3A_43, %add3A_47 : i32
      %lt3A_49 = arith.constant 5 : i32
      %lt3A_50 = arith.cmpi slt, %add3A_48, %lt3A_49 : i32
      %convert_element_type3A = arith.extui %lt3A_50 : i1 to i32
      %cond3A = arith.constant 0 : i32
      %cond3A_51 = arith.cmpi ne, %convert_element_type3A, %cond3A : i32
      scf.if %cond3A_51 {
        %add3A_74 = arith.constant 1 : i32
        %add3A_75 = arith.addi %add3A_43, %add3A_74 : i32
        %sub3A = arith.constant 1 : i32
        %sub3A_76 = arith.subi %sub3A, %rem3A_46 : i32
        %mul3A_77 = arith.constant 10 : i32
        %mul3A_78 = arith.muli %add3A_75, %mul3A_77 : i32
        %dma_start3A_79 = arith.constant 0 : i32
        %dma_start3A_80 = arith.constant 0 : i32
        %dma_start3A_81 = arith.constant 0 : i32
        %dma_start3A_82 = tpu.memref_slice %arg6[%sub3A_76, %dma_start3A_79, %dma_start3A_80, %dma_start3A_81] : memref<2x20x10x128xi32, #tpu.memory_space<vmem>> -> memref<1x20x10x128xi32, #tpu.memory_space<vmem>>
        %dma_start3A_83 = tpu.memref_squeeze %dma_start3A_82 : memref<1x20x10x128xi32, #tpu.memory_space<vmem>> -> memref<20x10x128xi32, #tpu.memory_space<vmem>>
        %dma_start3A_84 = arith.constant 0 : i32
        %dma_start3A_85 = tpu.memref_slice %arg2[%dma_start3A_84, %mul3A_78, %mul3A_14] : memref<20x50x4096xi32, #tpu.memory_space<hbm>> -> memref<20x10x128xi32, #tpu.memory_space<hbm>>
        %dma_start3A_86 = tpu.memref_slice %arg9[%sub3A_76] : memref<2x!tpu.dma_semaphore, #tpu.memory_space<semaphore_mem>> -> memref<1x!tpu.dma_semaphore, #tpu.memory_space<semaphore_mem>>
        %dma_start3A_87 = tpu.memref_squeeze %dma_start3A_86 : memref<1x!tpu.dma_semaphore, #tpu.memory_space<semaphore_mem>> -> memref<!tpu.dma_semaphore, #tpu.memory_space<semaphore_mem>>
        %dma_start3A_88 = arith.constant 0 : i32
        %dma_start3A_89 = arith.constant 0 : i32
        %dma_start3A_90 = arith.constant 0 : i32
        %dma_start3A_91 = tpu.memref_slice %arg6[%sub3A_76, %dma_start3A_88, %dma_start3A_89, %dma_start3A_90] : memref<2x20x10x128xi32, #tpu.memory_space<vmem>> -> memref<1x20x10x128xi32, #tpu.memory_space<vmem>>
        %dma_start3A_92 = tpu.memref_squeeze %dma_start3A_91 : memref<1x20x10x128xi32, #tpu.memory_space<vmem>> -> memref<20x10x128xi32, #tpu.memory_space<vmem>>
        %dma_start3A_93 = arith.constant 0 : i32
        %dma_start3A_94 = tpu.memref_slice %arg2[%dma_start3A_93, %mul3A_78, %mul3A_14] : memref<20x50x4096xi32, #tpu.memory_space<hbm>> -> memref<20x10x128xi32, #tpu.memory_space<hbm>>
        tpu.enqueue_dma source(%dma_start3A_94 : memref<20x10x128xi32, #tpu.memory_space<hbm>>) target(%dma_start3A_92 : memref<20x10x128xi32, #tpu.memory_space<vmem>>) target_semaphore(%dma_start3A_87 : memref<!tpu.dma_semaphore, #tpu.memory_space<semaphore_mem>>)
      } else {
      }
      %mul3A_52 = arith.constant 10 : i32
      %mul3A_53 = arith.muli %add3A_43, %mul3A_52 : i32
      %dma_wait3A = arith.constant 0 : i32
      %dma_wait3A_54 = arith.constant 0 : i32
      %dma_wait3A_55 = arith.constant 0 : i32
      %dma_wait3A_56 = tpu.memref_slice %arg6[%rem3A_46, %dma_wait3A, %dma_wait3A_54, %dma_wait3A_55] : memref<2x20x10x128xi32, #tpu.memory_space<vmem>> -> memref<1x20x10x128xi32, #tpu.memory_space<vmem>>
      %dma_wait3A_57 = tpu.memref_squeeze %dma_wait3A_56 : memref<1x20x10x128xi32, #tpu.memory_space<vmem>> -> memref<20x10x128xi32, #tpu.memory_space<vmem>>
      %dma_wait3A_58 = arith.constant 0 : i32
      %dma_wait3A_59 = tpu.memref_slice %arg2[%dma_wait3A_58, %mul3A_53, %mul3A_14] : memref<20x50x4096xi32, #tpu.memory_space<hbm>> -> memref<20x10x128xi32, #tpu.memory_space<hbm>>
      %dma_wait3A_60 = tpu.memref_slice %arg9[%rem3A_46] : memref<2x!tpu.dma_semaphore, #tpu.memory_space<semaphore_mem>> -> memref<1x!tpu.dma_semaphore, #tpu.memory_space<semaphore_mem>>
      %dma_wait3A_61 = tpu.memref_squeeze %dma_wait3A_60 : memref<1x!tpu.dma_semaphore, #tpu.memory_space<semaphore_mem>> -> memref<!tpu.dma_semaphore, #tpu.memory_space<semaphore_mem>>
      %dma_wait3A_62 = arith.constant 0 : i32
      %dma_wait3A_63 = arith.constant 0 : i32
      %dma_wait3A_64 = arith.constant 0 : i32
      %dma_wait3A_65 = tpu.memref_slice %arg6[%rem3A_46, %dma_wait3A_62, %dma_wait3A_63, %dma_wait3A_64] : memref<2x20x10x128xi32, #tpu.memory_space<vmem>> -> memref<1x20x10x128xi32, #tpu.memory_space<vmem>>
      %dma_wait3A_66 = tpu.memref_squeeze %dma_wait3A_65 : memref<1x20x10x128xi32, #tpu.memory_space<vmem>> -> memref<20x10x128xi32, #tpu.memory_space<vmem>>
      %dma_wait3A_67 = arith.constant 0 : i32
      %dma_wait3A_68 = tpu.memref_slice %arg2[%dma_wait3A_67, %mul3A_53, %mul3A_14] : memref<20x50x4096xi32, #tpu.memory_space<hbm>> -> memref<20x10x128xi32, #tpu.memory_space<hbm>>
      tpu.wait_dma2 semaphore(%dma_wait3A_61 : memref<!tpu.dma_semaphore, #tpu.memory_space<semaphore_mem>>) src(%dma_wait3A_68 : memref<20x10x128xi32, #tpu.memory_space<hbm>>) dst(%dma_wait3A_66 : memref<20x10x128xi32, #tpu.memory_space<vmem>>)
      %scan3A_69 = arith.constant 0 : i32
      %scan3A_70 = arith.constant 10 : i32
      %scan3A_71 = arith.addi %scan3A_69, %scan3A_70 : i32
      %scan3A_72 = arith.constant 1 : i32
      scf.for %scan3A_74 = %scan3A_69 to %scan3A_71 step %scan3A_72  : i32 {
        %mul3A_75 = arith.constant 1 : i32
        %mul3A_76 = arith.muli %scan3A_74, %mul3A_75 : i32
        %add3A_77 = arith.constant 0 : i32
        %add3A_78 = arith.addi %add3A_77, %mul3A_76 : i32
        %scan3A_79 = arith.constant 0 : i32
        %scan3A_80 = arith.constant 8 : i32
        %scan3A_81 = arith.addi %scan3A_79, %scan3A_80 : i32
        %scan3A_82 = arith.constant 1 : i32
        scf.for %scan3A_84 = %scan3A_79 to %scan3A_81 step %scan3A_82  : i32 {
          %mul3A_85 = arith.constant 1 : i32
          %mul3A_86 = arith.muli %scan3A_84, %mul3A_85 : i32
          %add3A_87 = arith.constant 0 : i32
          %add3A_88 = arith.addi %add3A_87, %mul3A_86 : i32
          %mul3A_89 = arith.constant 16 : i32
          %mul3A_90 = arith.muli %add3A_88, %mul3A_89 : i32
          %get3A = arith.constant 0 : i32
          %get3A_91 = arith.index_cast %rem3A_46 : i32 to index
          %get3A_92 = arith.index_cast %get3A : i32 to index
          %get3A_93 = arith.index_cast %add3A_78 : i32 to index
          %get3A_94 = arith.index_cast %mul3A_90 : i32 to index
          %get3A_95 = tpu.vector_load %arg6[%get3A_91, %get3A_92, %get3A_93, %get3A_94] {strides = array<i32>} : memref<2x20x10x128xi32, #tpu.memory_space<vmem>>, vector<16xi32>,
          %mul3A_96 = arith.constant 16 : i32
          %mul3A_97 = arith.muli %add3A_88, %mul3A_96 : i32
          %get3A_98 = arith.constant 1 : i32
          %get3A_99 = arith.index_cast %rem3A_46 : i32 to index
          %get3A_100 = arith.index_cast %get3A_98 : i32 to index
          %get3A_101 = arith.index_cast %add3A_78 : i32 to index
          %get3A_102 = arith.index_cast %mul3A_97 : i32 to index
          %get3A_103 = tpu.vector_load %arg6[%get3A_99, %get3A_100, %get3A_101, %get3A_102] {strides = array<i32>} : memref<2x20x10x128xi32, #tpu.memory_space<vmem>>, vector<16xi32>,
          %mul3A_104 = arith.constant 16 : i32
          %mul3A_105 = arith.muli %add3A_88, %mul3A_104 : i32
          %get3A_106 = arith.constant 2 : i32
          %get3A_107 = arith.index_cast %rem3A_46 : i32 to index
          %get3A_108 = arith.index_cast %get3A_106 : i32 to index
          %get3A_109 = arith.index_cast %add3A_78 : i32 to index
          %get3A_110 = arith.index_cast %mul3A_105 : i32 to index
          %get3A_111 = tpu.vector_load %arg6[%get3A_107, %get3A_108, %get3A_109, %get3A_110] {strides = array<i32>} : memref<2x20x10x128xi32, #tpu.memory_space<vmem>>, vector<16xi32>,
          %mul3A_112 = arith.constant 16 : i32
          %mul3A_113 = arith.muli %add3A_88, %mul3A_112 : i32
          %get3A_114 = arith.constant 3 : i32
          %get3A_115 = arith.index_cast %rem3A_46 : i32 to index
          %get3A_116 = arith.index_cast %get3A_114 : i32 to index
          %get3A_117 = arith.index_cast %add3A_78 : i32 to index
          %get3A_118 = arith.index_cast %mul3A_113 : i32 to index
          %get3A_119 = tpu.vector_load %arg6[%get3A_115, %get3A_116, %get3A_117, %get3A_118] {strides = array<i32>} : memref<2x20x10x128xi32, #tpu.memory_space<vmem>>, vector<16xi32>,
          %mul3A_120 = arith.constant 16 : i32
          %mul3A_121 = arith.muli %add3A_88, %mul3A_120 : i32
          %get3A_122 = arith.constant 4 : i32
          %get3A_123 = arith.index_cast %rem3A_46 : i32 to index
          %get3A_124 = arith.index_cast %get3A_122 : i32 to index
          %get3A_125 = arith.index_cast %add3A_78 : i32 to index
          %get3A_126 = arith.index_cast %mul3A_121 : i32 to index
          %get3A_127 = tpu.vector_load %arg6[%get3A_123, %get3A_124, %get3A_125, %get3A_126] {strides = array<i32>} : memref<2x20x10x128xi32, #tpu.memory_space<vmem>>, vector<16xi32>,
          %mul3A_128 = arith.constant 16 : i32
          %mul3A_129 = arith.muli %add3A_88, %mul3A_128 : i32
          %get3A_130 = arith.constant 5 : i32
          %get3A_131 = arith.index_cast %rem3A_46 : i32 to index
          %get3A_132 = arith.index_cast %get3A_130 : i32 to index
          %get3A_133 = arith.index_cast %add3A_78 : i32 to index
          %get3A_134 = arith.index_cast %mul3A_129 : i32 to index
          %get3A_135 = tpu.vector_load %arg6[%get3A_131, %get3A_132, %get3A_133, %get3A_134] {strides = array<i32>} : memref<2x20x10x128xi32, #tpu.memory_space<vmem>>, vector<16xi32>,
          %mul3A_136 = arith.constant 16 : i32
          %mul3A_137 = arith.muli %add3A_88, %mul3A_136 : i32
          %get3A_138 = arith.constant 6 : i32
          %get3A_139 = arith.index_cast %rem3A_46 : i32 to index
          %get3A_140 = arith.index_cast %get3A_138 : i32 to index
          %get3A_141 = arith.index_cast %add3A_78 : i32 to index
          %get3A_142 = arith.index_cast %mul3A_137 : i32 to index
          %get3A_143 = tpu.vector_load %arg6[%get3A_139, %get3A_140, %get3A_141, %get3A_142] {strides = array<i32>} : memref<2x20x10x128xi32, #tpu.memory_space<vmem>>, vector<16xi32>,
          %mul3A_144 = arith.constant 16 : i32
          %mul3A_145 = arith.muli %add3A_88, %mul3A_144 : i32
          %get3A_146 = arith.constant 7 : i32
          %get3A_147 = arith.index_cast %rem3A_46 : i32 to index
          %get3A_148 = arith.index_cast %get3A_146 : i32 to index
          %get3A_149 = arith.index_cast %add3A_78 : i32 to index
          %get3A_150 = arith.index_cast %mul3A_145 : i32 to index
          %get3A_151 = tpu.vector_load %arg6[%get3A_147, %get3A_148, %get3A_149, %get3A_150] {strides = array<i32>} : memref<2x20x10x128xi32, #tpu.memory_space<vmem>>, vector<16xi32>,
          %mul3A_152 = arith.constant 16 : i32
          %mul3A_153 = arith.muli %add3A_88, %mul3A_152 : i32
          %get3A_154 = arith.constant 8 : i32
          %get3A_155 = arith.index_cast %rem3A_46 : i32 to index
          %get3A_156 = arith.index_cast %get3A_154 : i32 to index
          %get3A_157 = arith.index_cast %add3A_78 : i32 to index
          %get3A_158 = arith.index_cast %mul3A_153 : i32 to index
          %get3A_159 = tpu.vector_load %arg6[%get3A_155, %get3A_156, %get3A_157, %get3A_158] {strides = array<i32>} : memref<2x20x10x128xi32, #tpu.memory_space<vmem>>, vector<16xi32>,
          %mul3A_160 = arith.constant 16 : i32
          %mul3A_161 = arith.muli %add3A_88, %mul3A_160 : i32
          %get3A_162 = arith.constant 9 : i32
          %get3A_163 = arith.index_cast %rem3A_46 : i32 to index
          %get3A_164 = arith.index_cast %get3A_162 : i32 to index
          %get3A_165 = arith.index_cast %add3A_78 : i32 to index
          %get3A_166 = arith.index_cast %mul3A_161 : i32 to index
          %get3A_167 = tpu.vector_load %arg6[%get3A_163, %get3A_164, %get3A_165, %get3A_166] {strides = array<i32>} : memref<2x20x10x128xi32, #tpu.memory_space<vmem>>, vector<16xi32>,
          %mul3A_168 = arith.constant 16 : i32
          %mul3A_169 = arith.muli %add3A_88, %mul3A_168 : i32
          %get3A_170 = arith.constant 10 : i32
          %get3A_171 = arith.index_cast %rem3A_46 : i32 to index
          %get3A_172 = arith.index_cast %get3A_170 : i32 to index
          %get3A_173 = arith.index_cast %add3A_78 : i32 to index
          %get3A_174 = arith.index_cast %mul3A_169 : i32 to index
          %get3A_175 = tpu.vector_load %arg6[%get3A_171, %get3A_172, %get3A_173, %get3A_174] {strides = array<i32>} : memref<2x20x10x128xi32, #tpu.memory_space<vmem>>, vector<16xi32>,
          %mul3A_176 = arith.constant 16 : i32
          %mul3A_177 = arith.muli %add3A_88, %mul3A_176 : i32
          %get3A_178 = arith.constant 11 : i32
          %get3A_179 = arith.index_cast %rem3A_46 : i32 to index
          %get3A_180 = arith.index_cast %get3A_178 : i32 to index
          %get3A_181 = arith.index_cast %add3A_78 : i32 to index
          %get3A_182 = arith.index_cast %mul3A_177 : i32 to index
          %get3A_183 = tpu.vector_load %arg6[%get3A_179, %get3A_180, %get3A_181, %get3A_182] {strides = array<i32>} : memref<2x20x10x128xi32, #tpu.memory_space<vmem>>, vector<16xi32>,
          %mul3A_184 = arith.constant 16 : i32
          %mul3A_185 = arith.muli %add3A_88, %mul3A_184 : i32
          %get3A_186 = arith.constant 12 : i32
          %get3A_187 = arith.index_cast %rem3A_46 : i32 to index
          %get3A_188 = arith.index_cast %get3A_186 : i32 to index
          %get3A_189 = arith.index_cast %add3A_78 : i32 to index
          %get3A_190 = arith.index_cast %mul3A_185 : i32 to index
          %get3A_191 = tpu.vector_load %arg6[%get3A_187, %get3A_188, %get3A_189, %get3A_190] {strides = array<i32>} : memref<2x20x10x128xi32, #tpu.memory_space<vmem>>, vector<16xi32>,
          %mul3A_192 = arith.constant 16 : i32
          %mul3A_193 = arith.muli %add3A_88, %mul3A_192 : i32
          %get3A_194 = arith.constant 13 : i32
          %get3A_195 = arith.index_cast %rem3A_46 : i32 to index
          %get3A_196 = arith.index_cast %get3A_194 : i32 to index
          %get3A_197 = arith.index_cast %add3A_78 : i32 to index
          %get3A_198 = arith.index_cast %mul3A_193 : i32 to index
          %get3A_199 = tpu.vector_load %arg6[%get3A_195, %get3A_196, %get3A_197, %get3A_198] {strides = array<i32>} : memref<2x20x10x128xi32, #tpu.memory_space<vmem>>, vector<16xi32>,
          %mul3A_200 = arith.constant 16 : i32
          %mul3A_201 = arith.muli %add3A_88, %mul3A_200 : i32
          %get3A_202 = arith.constant 14 : i32
          %get3A_203 = arith.index_cast %rem3A_46 : i32 to index
          %get3A_204 = arith.index_cast %get3A_202 : i32 to index
          %get3A_205 = arith.index_cast %add3A_78 : i32 to index
          %get3A_206 = arith.index_cast %mul3A_201 : i32 to index
          %get3A_207 = tpu.vector_load %arg6[%get3A_203, %get3A_204, %get3A_205, %get3A_206] {strides = array<i32>} : memref<2x20x10x128xi32, #tpu.memory_space<vmem>>, vector<16xi32>,
          %mul3A_208 = arith.constant 16 : i32
          %mul3A_209 = arith.muli %add3A_88, %mul3A_208 : i32
          %get3A_210 = arith.constant 15 : i32
          %get3A_211 = arith.index_cast %rem3A_46 : i32 to index
          %get3A_212 = arith.index_cast %get3A_210 : i32 to index
          %get3A_213 = arith.index_cast %add3A_78 : i32 to index
          %get3A_214 = arith.index_cast %mul3A_209 : i32 to index
          %get3A_215 = tpu.vector_load %arg6[%get3A_211, %get3A_212, %get3A_213, %get3A_214] {strides = array<i32>} : memref<2x20x10x128xi32, #tpu.memory_space<vmem>>, vector<16xi32>,
          %mul3A_216 = arith.constant 16 : i32
          %mul3A_217 = arith.muli %add3A_88, %mul3A_216 : i32
          %get3A_218 = arith.constant 16 : i32
          %get3A_219 = arith.index_cast %rem3A_46 : i32 to index
          %get3A_220 = arith.index_cast %get3A_218 : i32 to index
          %get3A_221 = arith.index_cast %add3A_78 : i32 to index
          %get3A_222 = arith.index_cast %mul3A_217 : i32 to index
          %get3A_223 = tpu.vector_load %arg6[%get3A_219, %get3A_220, %get3A_221, %get3A_222] {strides = array<i32>} : memref<2x20x10x128xi32, #tpu.memory_space<vmem>>, vector<16xi32>,
          %mul3A_224 = arith.constant 16 : i32
          %mul3A_225 = arith.muli %add3A_88, %mul3A_224 : i32
          %get3A_226 = arith.constant 17 : i32
          %get3A_227 = arith.index_cast %rem3A_46 : i32 to index
          %get3A_228 = arith.index_cast %get3A_226 : i32 to index
          %get3A_229 = arith.index_cast %add3A_78 : i32 to index
          %get3A_230 = arith.index_cast %mul3A_225 : i32 to index
          %get3A_231 = tpu.vector_load %arg6[%get3A_227, %get3A_228, %get3A_229, %get3A_230] {strides = array<i32>} : memref<2x20x10x128xi32, #tpu.memory_space<vmem>>, vector<16xi32>,
          %mul3A_232 = arith.constant 16 : i32
          %mul3A_233 = arith.muli %add3A_88, %mul3A_232 : i32
          %get3A_234 = arith.constant 18 : i32
          %get3A_235 = arith.index_cast %rem3A_46 : i32 to index
          %get3A_236 = arith.index_cast %get3A_234 : i32 to index
          %get3A_237 = arith.index_cast %add3A_78 : i32 to index
          %get3A_238 = arith.index_cast %mul3A_233 : i32 to index
          %get3A_239 = tpu.vector_load %arg6[%get3A_235, %get3A_236, %get3A_237, %get3A_238] {strides = array<i32>} : memref<2x20x10x128xi32, #tpu.memory_space<vmem>>, vector<16xi32>,
          %mul3A_240 = arith.constant 16 : i32
          %mul3A_241 = arith.muli %add3A_88, %mul3A_240 : i32
          %get3A_242 = arith.constant 19 : i32
          %get3A_243 = arith.index_cast %rem3A_46 : i32 to index
          %get3A_244 = arith.index_cast %get3A_242 : i32 to index
          %get3A_245 = arith.index_cast %add3A_78 : i32 to index
          %get3A_246 = arith.index_cast %mul3A_241 : i32 to index
          %get3A_247 = tpu.vector_load %arg6[%get3A_243, %get3A_244, %get3A_245, %get3A_246] {strides = array<i32>} : memref<2x20x10x128xi32, #tpu.memory_space<vmem>>, vector<16xi32>,
          %add3A_248 = arith.constant 0 : i32
          %add3A_249 = vector.broadcast %add3A_248 : i32 to vector<16xi32>
          %add3A_250 = arith.addi %select_n3A, %add3A_249 : vector<16xi32>
          %reshape3A = vector.shape_cast %add3A_250 : vector<16xi32> to vector<16x1xi32>
          %gather3A = vector.shape_cast %reshape3A : vector<16x1xi32> to vector<16xi32>
          %gather3A_251 = tpu.dynamic_gather %get3A_95[%gather3A] in [0] : vector<16xi32>, vector<16xi32> -> vector<16xi32>
          %gather3A_252 = tpu.vector_load_idx %arg5[%gather3A_251, %add3A_12] : memref<1000x16xi32, #tpu.memory_space<vmem>>[vector<16xi32>, vector<16xi32>], vector<16xi32>,
          %bitcast3A = vector.bitcast %gather3A_252 : vector<16xi32> to vector<32xbf16>
          %reshape3A_253 = vector.shape_cast %add3A_250 : vector<16xi32> to vector<16x1xi32>
          %gather3A_254 = vector.shape_cast %reshape3A_253 : vector<16x1xi32> to vector<16xi32>
          %gather3A_255 = tpu.dynamic_gather %get3A_103[%gather3A_254] in [0] : vector<16xi32>, vector<16xi32> -> vector<16xi32>
          %gather3A_256 = tpu.vector_load_idx %arg5[%gather3A_255, %add3A_12] : memref<1000x16xi32, #tpu.memory_space<vmem>>[vector<16xi32>, vector<16xi32>], vector<16xi32>,
          %bitcast3A_257 = vector.bitcast %gather3A_256 : vector<16xi32> to vector<32xbf16>
          %reshape3A_258 = vector.shape_cast %add3A_250 : vector<16xi32> to vector<16x1xi32>
          %gather3A_259 = vector.shape_cast %reshape3A_258 : vector<16x1xi32> to vector<16xi32>
          %gather3A_260 = tpu.dynamic_gather %get3A_111[%gather3A_259] in [0] : vector<16xi32>, vector<16xi32> -> vector<16xi32>
          %gather3A_261 = tpu.vector_load_idx %arg5[%gather3A_260, %add3A_12] : memref<1000x16xi32, #tpu.memory_space<vmem>>[vector<16xi32>, vector<16xi32>], vector<16xi32>,
          %bitcast3A_262 = vector.bitcast %gather3A_261 : vector<16xi32> to vector<32xbf16>
          %reshape3A_263 = vector.shape_cast %add3A_250 : vector<16xi32> to vector<16x1xi32>
          %gather3A_264 = vector.shape_cast %reshape3A_263 : vector<16x1xi32> to vector<16xi32>
          %gather3A_265 = tpu.dynamic_gather %get3A_119[%gather3A_264] in [0] : vector<16xi32>, vector<16xi32> -> vector<16xi32>
          %gather3A_266 = tpu.vector_load_idx %arg5[%gather3A_265, %add3A_12] : memref<1000x16xi32, #tpu.memory_space<vmem>>[vector<16xi32>, vector<16xi32>], vector<16xi32>,
          %bitcast3A_267 = vector.bitcast %gather3A_266 : vector<16xi32> to vector<32xbf16>
          %reshape3A_268 = vector.shape_cast %add3A_250 : vector<16xi32> to vector<16x1xi32>
          %gather3A_269 = vector.shape_cast %reshape3A_268 : vector<16x1xi32> to vector<16xi32>
          %gather3A_270 = tpu.dynamic_gather %get3A_127[%gather3A_269] in [0] : vector<16xi32>, vector<16xi32> -> vector<16xi32>
          %gather3A_271 = tpu.vector_load_idx %arg5[%gather3A_270, %add3A_12] : memref<1000x16xi32, #tpu.memory_space<vmem>>[vector<16xi32>, vector<16xi32>], vector<16xi32>,
          %bitcast3A_272 = vector.bitcast %gather3A_271 : vector<16xi32> to vector<32xbf16>
          %reshape3A_273 = vector.shape_cast %add3A_250 : vector<16xi32> to vector<16x1xi32>
          %gather3A_274 = vector.shape_cast %reshape3A_273 : vector<16x1xi32> to vector<16xi32>
          %gather3A_275 = tpu.dynamic_gather %get3A_135[%gather3A_274] in [0] : vector<16xi32>, vector<16xi32> -> vector<16xi32>
          %gather3A_276 = tpu.vector_load_idx %arg5[%gather3A_275, %add3A_12] : memref<1000x16xi32, #tpu.memory_space<vmem>>[vector<16xi32>, vector<16xi32>], vector<16xi32>,
          %bitcast3A_277 = vector.bitcast %gather3A_276 : vector<16xi32> to vector<32xbf16>
          %reshape3A_278 = vector.shape_cast %add3A_250 : vector<16xi32> to vector<16x1xi32>
          %gather3A_279 = vector.shape_cast %reshape3A_278 : vector<16x1xi32> to vector<16xi32>
          %gather3A_280 = tpu.dynamic_gather %get3A_143[%gather3A_279] in [0] : vector<16xi32>, vector<16xi32> -> vector<16xi32>
          %gather3A_281 = tpu.vector_load_idx %arg5[%gather3A_280, %add3A_12] : memref<1000x16xi32, #tpu.memory_space<vmem>>[vector<16xi32>, vector<16xi32>], vector<16xi32>,
          %bitcast3A_282 = vector.bitcast %gather3A_281 : vector<16xi32> to vector<32xbf16>
          %reshape3A_283 = vector.shape_cast %add3A_250 : vector<16xi32> to vector<16x1xi32>
          %gather3A_284 = vector.shape_cast %reshape3A_283 : vector<16x1xi32> to vector<16xi32>
          %gather3A_285 = tpu.dynamic_gather %get3A_151[%gather3A_284] in [0] : vector<16xi32>, vector<16xi32> -> vector<16xi32>
          %gather3A_286 = tpu.vector_load_idx %arg5[%gather3A_285, %add3A_12] : memref<1000x16xi32, #tpu.memory_space<vmem>>[vector<16xi32>, vector<16xi32>], vector<16xi32>,
          %bitcast3A_287 = vector.bitcast %gather3A_286 : vector<16xi32> to vector<32xbf16>
          %reshape3A_288 = vector.shape_cast %add3A_250 : vector<16xi32> to vector<16x1xi32>
          %gather3A_289 = vector.shape_cast %reshape3A_288 : vector<16x1xi32> to vector<16xi32>
          %gather3A_290 = tpu.dynamic_gather %get3A_159[%gather3A_289] in [0] : vector<16xi32>, vector<16xi32> -> vector<16xi32>
          %gather3A_291 = tpu.vector_load_idx %arg5[%gather3A_290, %add3A_12] : memref<1000x16xi32, #tpu.memory_space<vmem>>[vector<16xi32>, vector<16xi32>], vector<16xi32>,
          %bitcast3A_292 = vector.bitcast %gather3A_291 : vector<16xi32> to vector<32xbf16>
          %reshape3A_293 = vector.shape_cast %add3A_250 : vector<16xi32> to vector<16x1xi32>
          %gather3A_294 = vector.shape_cast %reshape3A_293 : vector<16x1xi32> to vector<16xi32>
          %gather3A_295 = tpu.dynamic_gather %get3A_167[%gather3A_294] in [0] : vector<16xi32>, vector<16xi32> -> vector<16xi32>
          %gather3A_296 = tpu.vector_load_idx %arg5[%gather3A_295, %add3A_12] : memref<1000x16xi32, #tpu.memory_space<vmem>>[vector<16xi32>, vector<16xi32>], vector<16xi32>,
          %bitcast3A_297 = vector.bitcast %gather3A_296 : vector<16xi32> to vector<32xbf16>
          %reshape3A_298 = vector.shape_cast %add3A_250 : vector<16xi32> to vector<16x1xi32>
          %gather3A_299 = vector.shape_cast %reshape3A_298 : vector<16x1xi32> to vector<16xi32>
          %gather3A_300 = tpu.dynamic_gather %get3A_175[%gather3A_299] in [0] : vector<16xi32>, vector<16xi32> -> vector<16xi32>
          %gather3A_301 = tpu.vector_load_idx %arg5[%gather3A_300, %add3A_12] : memref<1000x16xi32, #tpu.memory_space<vmem>>[vector<16xi32>, vector<16xi32>], vector<16xi32>,
          %bitcast3A_302 = vector.bitcast %gather3A_301 : vector<16xi32> to vector<32xbf16>
          %reshape3A_303 = vector.shape_cast %add3A_250 : vector<16xi32> to vector<16x1xi32>
          %gather3A_304 = vector.shape_cast %reshape3A_303 : vector<16x1xi32> to vector<16xi32>
          %gather3A_305 = tpu.dynamic_gather %get3A_183[%gather3A_304] in [0] : vector<16xi32>, vector<16xi32> -> vector<16xi32>
          %gather3A_306 = tpu.vector_load_idx %arg5[%gather3A_305, %add3A_12] : memref<1000x16xi32, #tpu.memory_space<vmem>>[vector<16xi32>, vector<16xi32>], vector<16xi32>,
          %bitcast3A_307 = vector.bitcast %gather3A_306 : vector<16xi32> to vector<32xbf16>
          %reshape3A_308 = vector.shape_cast %add3A_250 : vector<16xi32> to vector<16x1xi32>
          %gather3A_309 = vector.shape_cast %reshape3A_308 : vector<16x1xi32> to vector<16xi32>
          %gather3A_310 = tpu.dynamic_gather %get3A_191[%gather3A_309] in [0] : vector<16xi32>, vector<16xi32> -> vector<16xi32>
          %gather3A_311 = tpu.vector_load_idx %arg5[%gather3A_310, %add3A_12] : memref<1000x16xi32, #tpu.memory_space<vmem>>[vector<16xi32>, vector<16xi32>], vector<16xi32>,
          %bitcast3A_312 = vector.bitcast %gather3A_311 : vector<16xi32> to vector<32xbf16>
          %reshape3A_313 = vector.shape_cast %add3A_250 : vector<16xi32> to vector<16x1xi32>
          %gather3A_314 = vector.shape_cast %reshape3A_313 : vector<16x1xi32> to vector<16xi32>
          %gather3A_315 = tpu.dynamic_gather %get3A_199[%gather3A_314] in [0] : vector<16xi32>, vector<16xi32> -> vector<16xi32>
          %gather3A_316 = tpu.vector_load_idx %arg5[%gather3A_315, %add3A_12] : memref<1000x16xi32, #tpu.memory_space<vmem>>[vector<16xi32>, vector<16xi32>], vector<16xi32>,
          %bitcast3A_317 = vector.bitcast %gather3A_316 : vector<16xi32> to vector<32xbf16>
          %reshape3A_318 = vector.shape_cast %add3A_250 : vector<16xi32> to vector<16x1xi32>
          %gather3A_319 = vector.shape_cast %reshape3A_318 : vector<16x1xi32> to vector<16xi32>
          %gather3A_320 = tpu.dynamic_gather %get3A_207[%gather3A_319] in [0] : vector<16xi32>, vector<16xi32> -> vector<16xi32>
          %gather3A_321 = tpu.vector_load_idx %arg5[%gather3A_320, %add3A_12] : memref<1000x16xi32, #tpu.memory_space<vmem>>[vector<16xi32>, vector<16xi32>], vector<16xi32>,
          %bitcast3A_322 = vector.bitcast %gather3A_321 : vector<16xi32> to vector<32xbf16>
          %reshape3A_323 = vector.shape_cast %add3A_250 : vector<16xi32> to vector<16x1xi32>
          %gather3A_324 = vector.shape_cast %reshape3A_323 : vector<16x1xi32> to vector<16xi32>
          %gather3A_325 = tpu.dynamic_gather %get3A_215[%gather3A_324] in [0] : vector<16xi32>, vector<16xi32> -> vector<16xi32>
          %gather3A_326 = tpu.vector_load_idx %arg5[%gather3A_325, %add3A_12] : memref<1000x16xi32, #tpu.memory_space<vmem>>[vector<16xi32>, vector<16xi32>], vector<16xi32>,
          %bitcast3A_327 = vector.bitcast %gather3A_326 : vector<16xi32> to vector<32xbf16>
          %reshape3A_328 = vector.shape_cast %add3A_250 : vector<16xi32> to vector<16x1xi32>
          %gather3A_329 = vector.shape_cast %reshape3A_328 : vector<16x1xi32> to vector<16xi32>
          %gather3A_330 = tpu.dynamic_gather %get3A_223[%gather3A_329] in [0] : vector<16xi32>, vector<16xi32> -> vector<16xi32>
          %gather3A_331 = tpu.vector_load_idx %arg5[%gather3A_330, %add3A_12] : memref<1000x16xi32, #tpu.memory_space<vmem>>[vector<16xi32>, vector<16xi32>], vector<16xi32>,
          %bitcast3A_332 = vector.bitcast %gather3A_331 : vector<16xi32> to vector<32xbf16>
          %reshape3A_333 = vector.shape_cast %add3A_250 : vector<16xi32> to vector<16x1xi32>
          %gather3A_334 = vector.shape_cast %reshape3A_333 : vector<16x1xi32> to vector<16xi32>
          %gather3A_335 = tpu.dynamic_gather %get3A_231[%gather3A_334] in [0] : vector<16xi32>, vector<16xi32> -> vector<16xi32>
          %gather3A_336 = tpu.vector_load_idx %arg5[%gather3A_335, %add3A_12] : memref<1000x16xi32, #tpu.memory_space<vmem>>[vector<16xi32>, vector<16xi32>], vector<16xi32>,
          %bitcast3A_337 = vector.bitcast %gather3A_336 : vector<16xi32> to vector<32xbf16>
          %reshape3A_338 = vector.shape_cast %add3A_250 : vector<16xi32> to vector<16x1xi32>
          %gather3A_339 = vector.shape_cast %reshape3A_338 : vector<16x1xi32> to vector<16xi32>
          %gather3A_340 = tpu.dynamic_gather %get3A_239[%gather3A_339] in [0] : vector<16xi32>, vector<16xi32> -> vector<16xi32>
          %gather3A_341 = tpu.vector_load_idx %arg5[%gather3A_340, %add3A_12] : memref<1000x16xi32, #tpu.memory_space<vmem>>[vector<16xi32>, vector<16xi32>], vector<16xi32>,
          %bitcast3A_342 = vector.bitcast %gather3A_341 : vector<16xi32> to vector<32xbf16>
          %reshape3A_343 = vector.shape_cast %add3A_250 : vector<16xi32> to vector<16x1xi32>
          %gather3A_344 = vector.shape_cast %reshape3A_343 : vector<16x1xi32> to vector<16xi32>
          %gather3A_345 = tpu.dynamic_gather %get3A_247[%gather3A_344] in [0] : vector<16xi32>, vector<16xi32> -> vector<16xi32>
          %gather3A_346 = tpu.vector_load_idx %arg5[%gather3A_345, %add3A_12] : memref<1000x16xi32, #tpu.memory_space<vmem>>[vector<16xi32>, vector<16xi32>], vector<16xi32>,
          %bitcast3A_347 = vector.bitcast %gather3A_346 : vector<16xi32> to vector<32xbf16>
          %max3A = arith.maximumf %bitcast3A, %bitcast3A_257 : vector<32xbf16>
          %max3A_348 = arith.maximumf %bitcast3A_262, %bitcast3A_267 : vector<32xbf16>
          %max3A_349 = arith.maximumf %bitcast3A_272, %bitcast3A_277 : vector<32xbf16>
          %max3A_350 = arith.maximumf %bitcast3A_282, %bitcast3A_287 : vector<32xbf16>
          %max3A_351 = arith.maximumf %bitcast3A_292, %bitcast3A_297 : vector<32xbf16>
          %max3A_352 = arith.maximumf %bitcast3A_302, %bitcast3A_307 : vector<32xbf16>
          %max3A_353 = arith.maximumf %bitcast3A_312, %bitcast3A_317 : vector<32xbf16>
          %max3A_354 = arith.maximumf %bitcast3A_322, %bitcast3A_327 : vector<32xbf16>
          %max3A_355 = arith.maximumf %bitcast3A_332, %bitcast3A_337 : vector<32xbf16>
          %max3A_356 = arith.maximumf %bitcast3A_342, %bitcast3A_347 : vector<32xbf16>
          %max3A_357 = arith.maximumf %max3A, %max3A_348 : vector<32xbf16>
          %max3A_358 = arith.maximumf %max3A_349, %max3A_350 : vector<32xbf16>
          %max3A_359 = arith.maximumf %max3A_351, %max3A_352 : vector<32xbf16>
          %max3A_360 = arith.maximumf %max3A_353, %max3A_354 : vector<32xbf16>
          %max3A_361 = arith.maximumf %max3A_355, %max3A_356 : vector<32xbf16>
          %max3A_362 = arith.maximumf %max3A_357, %max3A_358 : vector<32xbf16>
          %max3A_363 = arith.maximumf %max3A_359, %max3A_360 : vector<32xbf16>
          %max3A_364 = arith.maximumf %max3A_362, %max3A_363 : vector<32xbf16>
          %max3A_365 = arith.maximumf %max3A_364, %max3A_361 : vector<32xbf16>
          %bitcast3A_366 = vector.bitcast %max3A_365 : vector<32xbf16> to vector<16xi32>
          %shift_left3A_367 = arith.constant 16 : i32
          %shift_left3A_368 = vector.broadcast %shift_left3A_367 : i32 to vector<16xi32>
          %shift_left3A_369 = arith.shli %bitcast3A_366, %shift_left3A_368 : vector<16xi32>
          %bitcast3A_370 = vector.bitcast %shift_left3A_369 : vector<16xi32> to vector<16xf32>
          %and3A_371 = vector.broadcast %scan3A : i32 to vector<16xi32>
          %and3A_372 = arith.andi %bitcast3A_366, %and3A_371 : vector<16xi32>
          %bitcast3A_373 = vector.bitcast %and3A_372 : vector<16xi32> to vector<16xf32>
          tpu.vector_store_idx %arg8[%add3A_250, %shift_left3A_8], %bitcast3A_370 : memref<16x17xf32, #tpu.memory_space<vmem>>[vector<16xi32>, vector<16xi32>], vector<16xf32>,
          tpu.vector_store_idx %arg8[%add3A_250, %add3A_11], %bitcast3A_373 : memref<16x17xf32, #tpu.memory_space<vmem>>[vector<16xi32>, vector<16xi32>], vector<16xf32>,
          %add3A_374 = arith.constant 2 : i32
          %add3A_375 = vector.broadcast %add3A_374 : i32 to vector<16xi32>
          %add3A_376 = arith.addi %select_n3A, %add3A_375 : vector<16xi32>
          %reshape3A_377 = vector.shape_cast %add3A_376 : vector<16xi32> to vector<16x1xi32>
          %gather3A_378 = vector.shape_cast %reshape3A_377 : vector<16x1xi32> to vector<16xi32>
          %gather3A_379 = tpu.dynamic_gather %get3A_95[%gather3A_378] in [0] : vector<16xi32>, vector<16xi32> -> vector<16xi32>
          %gather3A_380 = tpu.vector_load_idx %arg5[%gather3A_379, %add3A_12] : memref<1000x16xi32, #tpu.memory_space<vmem>>[vector<16xi32>, vector<16xi32>], vector<16xi32>,
          %bitcast3A_381 = vector.bitcast %gather3A_380 : vector<16xi32> to vector<32xbf16>
          %reshape3A_382 = vector.shape_cast %add3A_376 : vector<16xi32> to vector<16x1xi32>
          %gather3A_383 = vector.shape_cast %reshape3A_382 : vector<16x1xi32> to vector<16xi32>
          %gather3A_384 = tpu.dynamic_gather %get3A_103[%gather3A_383] in [0] : vector<16xi32>, vector<16xi32> -> vector<16xi32>
          %gather3A_385 = tpu.vector_load_idx %arg5[%gather3A_384, %add3A_12] : memref<1000x16xi32, #tpu.memory_space<vmem>>[vector<16xi32>, vector<16xi32>], vector<16xi32>,
          %bitcast3A_386 = vector.bitcast %gather3A_385 : vector<16xi32> to vector<32xbf16>
          %reshape3A_387 = vector.shape_cast %add3A_376 : vector<16xi32> to vector<16x1xi32>
          %gather3A_388 = vector.shape_cast %reshape3A_387 : vector<16x1xi32> to vector<16xi32>
          %gather3A_389 = tpu.dynamic_gather %get3A_111[%gather3A_388] in [0] : vector<16xi32>, vector<16xi32> -> vector<16xi32>
          %gather3A_390 = tpu.vector_load_idx %arg5[%gather3A_389, %add3A_12] : memref<1000x16xi32, #tpu.memory_space<vmem>>[vector<16xi32>, vector<16xi32>], vector<16xi32>,
          %bitcast3A_391 = vector.bitcast %gather3A_390 : vector<16xi32> to vector<32xbf16>
          %reshape3A_392 = vector.shape_cast %add3A_376 : vector<16xi32> to vector<16x1xi32>
          %gather3A_393 = vector.shape_cast %reshape3A_392 : vector<16x1xi32> to vector<16xi32>
          %gather3A_394 = tpu.dynamic_gather %get3A_119[%gather3A_393] in [0] : vector<16xi32>, vector<16xi32> -> vector<16xi32>
          %gather3A_395 = tpu.vector_load_idx %arg5[%gather3A_394, %add3A_12] : memref<1000x16xi32, #tpu.memory_space<vmem>>[vector<16xi32>, vector<16xi32>], vector<16xi32>,
          %bitcast3A_396 = vector.bitcast %gather3A_395 : vector<16xi32> to vector<32xbf16>
          %reshape3A_397 = vector.shape_cast %add3A_376 : vector<16xi32> to vector<16x1xi32>
          %gather3A_398 = vector.shape_cast %reshape3A_397 : vector<16x1xi32> to vector<16xi32>
          %gather3A_399 = tpu.dynamic_gather %get3A_127[%gather3A_398] in [0] : vector<16xi32>, vector<16xi32> -> vector<16xi32>
          %gather3A_400 = tpu.vector_load_idx %arg5[%gather3A_399, %add3A_12] : memref<1000x16xi32, #tpu.memory_space<vmem>>[vector<16xi32>, vector<16xi32>], vector<16xi32>,
          %bitcast3A_401 = vector.bitcast %gather3A_400 : vector<16xi32> to vector<32xbf16>
          %reshape3A_402 = vector.shape_cast %add3A_376 : vector<16xi32> to vector<16x1xi32>
          %gather3A_403 = vector.shape_cast %reshape3A_402 : vector<16x1xi32> to vector<16xi32>
          %gather3A_404 = tpu.dynamic_gather %get3A_135[%gather3A_403] in [0] : vector<16xi32>, vector<16xi32> -> vector<16xi32>
          %gather3A_405 = tpu.vector_load_idx %arg5[%gather3A_404, %add3A_12] : memref<1000x16xi32, #tpu.memory_space<vmem>>[vector<16xi32>, vector<16xi32>], vector<16xi32>,
          %bitcast3A_406 = vector.bitcast %gather3A_405 : vector<16xi32> to vector<32xbf16>
          %reshape3A_407 = vector.shape_cast %add3A_376 : vector<16xi32> to vector<16x1xi32>
          %gather3A_408 = vector.shape_cast %reshape3A_407 : vector<16x1xi32> to vector<16xi32>
          %gather3A_409 = tpu.dynamic_gather %get3A_143[%gather3A_408] in [0] : vector<16xi32>, vector<16xi32> -> vector<16xi32>
          %gather3A_410 = tpu.vector_load_idx %arg5[%gather3A_409, %add3A_12] : memref<1000x16xi32, #tpu.memory_space<vmem>>[vector<16xi32>, vector<16xi32>], vector<16xi32>,
          %bitcast3A_411 = vector.bitcast %gather3A_410 : vector<16xi32> to vector<32xbf16>
          %reshape3A_412 = vector.shape_cast %add3A_376 : vector<16xi32> to vector<16x1xi32>
          %gather3A_413 = vector.shape_cast %reshape3A_412 : vector<16x1xi32> to vector<16xi32>
          %gather3A_414 = tpu.dynamic_gather %get3A_151[%gather3A_413] in [0] : vector<16xi32>, vector<16xi32> -> vector<16xi32>
          %gather3A_415 = tpu.vector_load_idx %arg5[%gather3A_414, %add3A_12] : memref<1000x16xi32, #tpu.memory_space<vmem>>[vector<16xi32>, vector<16xi32>], vector<16xi32>,
          %bitcast3A_416 = vector.bitcast %gather3A_415 : vector<16xi32> to vector<32xbf16>
          %reshape3A_417 = vector.shape_cast %add3A_376 : vector<16xi32> to vector<16x1xi32>
          %gather3A_418 = vector.shape_cast %reshape3A_417 : vector<16x1xi32> to vector<16xi32>
          %gather3A_419 = tpu.dynamic_gather %get3A_159[%gather3A_418] in [0] : vector<16xi32>, vector<16xi32> -> vector<16xi32>
          %gather3A_420 = tpu.vector_load_idx %arg5[%gather3A_419, %add3A_12] : memref<1000x16xi32, #tpu.memory_space<vmem>>[vector<16xi32>, vector<16xi32>], vector<16xi32>,
          %bitcast3A_421 = vector.bitcast %gather3A_420 : vector<16xi32> to vector<32xbf16>
          %reshape3A_422 = vector.shape_cast %add3A_376 : vector<16xi32> to vector<16x1xi32>
          %gather3A_423 = vector.shape_cast %reshape3A_422 : vector<16x1xi32> to vector<16xi32>
          %gather3A_424 = tpu.dynamic_gather %get3A_167[%gather3A_423] in [0] : vector<16xi32>, vector<16xi32> -> vector<16xi32>
          %gather3A_425 = tpu.vector_load_idx %arg5[%gather3A_424, %add3A_12] : memref<1000x16xi32, #tpu.memory_space<vmem>>[vector<16xi32>, vector<16xi32>], vector<16xi32>,
          %bitcast3A_426 = vector.bitcast %gather3A_425 : vector<16xi32> to vector<32xbf16>
          %reshape3A_427 = vector.shape_cast %add3A_376 : vector<16xi32> to vector<16x1xi32>
          %gather3A_428 = vector.shape_cast %reshape3A_427 : vector<16x1xi32> to vector<16xi32>
          %gather3A_429 = tpu.dynamic_gather %get3A_175[%gather3A_428] in [0] : vector<16xi32>, vector<16xi32> -> vector<16xi32>
          %gather3A_430 = tpu.vector_load_idx %arg5[%gather3A_429, %add3A_12] : memref<1000x16xi32, #tpu.memory_space<vmem>>[vector<16xi32>, vector<16xi32>], vector<16xi32>,
          %bitcast3A_431 = vector.bitcast %gather3A_430 : vector<16xi32> to vector<32xbf16>
          %reshape3A_432 = vector.shape_cast %add3A_376 : vector<16xi32> to vector<16x1xi32>
          %gather3A_433 = vector.shape_cast %reshape3A_432 : vector<16x1xi32> to vector<16xi32>
          %gather3A_434 = tpu.dynamic_gather %get3A_183[%gather3A_433] in [0] : vector<16xi32>, vector<16xi32> -> vector<16xi32>
          %gather3A_435 = tpu.vector_load_idx %arg5[%gather3A_434, %add3A_12] : memref<1000x16xi32, #tpu.memory_space<vmem>>[vector<16xi32>, vector<16xi32>], vector<16xi32>,
          %bitcast3A_436 = vector.bitcast %gather3A_435 : vector<16xi32> to vector<32xbf16>
          %reshape3A_437 = vector.shape_cast %add3A_376 : vector<16xi32> to vector<16x1xi32>
          %gather3A_438 = vector.shape_cast %reshape3A_437 : vector<16x1xi32> to vector<16xi32>
          %gather3A_439 = tpu.dynamic_gather %get3A_191[%gather3A_438] in [0] : vector<16xi32>, vector<16xi32> -> vector<16xi32>
          %gather3A_440 = tpu.vector_load_idx %arg5[%gather3A_439, %add3A_12] : memref<1000x16xi32, #tpu.memory_space<vmem>>[vector<16xi32>, vector<16xi32>], vector<16xi32>,
          %bitcast3A_441 = vector.bitcast %gather3A_440 : vector<16xi32> to vector<32xbf16>
          %reshape3A_442 = vector.shape_cast %add3A_376 : vector<16xi32> to vector<16x1xi32>
          %gather3A_443 = vector.shape_cast %reshape3A_442 : vector<16x1xi32> to vector<16xi32>
          %gather3A_444 = tpu.dynamic_gather %get3A_199[%gather3A_443] in [0] : vector<16xi32>, vector<16xi32> -> vector<16xi32>
          %gather3A_445 = tpu.vector_load_idx %arg5[%gather3A_444, %add3A_12] : memref<1000x16xi32, #tpu.memory_space<vmem>>[vector<16xi32>, vector<16xi32>], vector<16xi32>,
          %bitcast3A_446 = vector.bitcast %gather3A_445 : vector<16xi32> to vector<32xbf16>
          %reshape3A_447 = vector.shape_cast %add3A_376 : vector<16xi32> to vector<16x1xi32>
          %gather3A_448 = vector.shape_cast %reshape3A_447 : vector<16x1xi32> to vector<16xi32>
          %gather3A_449 = tpu.dynamic_gather %get3A_207[%gather3A_448] in [0] : vector<16xi32>, vector<16xi32> -> vector<16xi32>
          %gather3A_450 = tpu.vector_load_idx %arg5[%gather3A_449, %add3A_12] : memref<1000x16xi32, #tpu.memory_space<vmem>>[vector<16xi32>, vector<16xi32>], vector<16xi32>,
          %bitcast3A_451 = vector.bitcast %gather3A_450 : vector<16xi32> to vector<32xbf16>
          %reshape3A_452 = vector.shape_cast %add3A_376 : vector<16xi32> to vector<16x1xi32>
          %gather3A_453 = vector.shape_cast %reshape3A_452 : vector<16x1xi32> to vector<16xi32>
          %gather3A_454 = tpu.dynamic_gather %get3A_215[%gather3A_453] in [0] : vector<16xi32>, vector<16xi32> -> vector<16xi32>
          %gather3A_455 = tpu.vector_load_idx %arg5[%gather3A_454, %add3A_12] : memref<1000x16xi32, #tpu.memory_space<vmem>>[vector<16xi32>, vector<16xi32>], vector<16xi32>,
          %bitcast3A_456 = vector.bitcast %gather3A_455 : vector<16xi32> to vector<32xbf16>
          %reshape3A_457 = vector.shape_cast %add3A_376 : vector<16xi32> to vector<16x1xi32>
          %gather3A_458 = vector.shape_cast %reshape3A_457 : vector<16x1xi32> to vector<16xi32>
          %gather3A_459 = tpu.dynamic_gather %get3A_223[%gather3A_458] in [0] : vector<16xi32>, vector<16xi32> -> vector<16xi32>
          %gather3A_460 = tpu.vector_load_idx %arg5[%gather3A_459, %add3A_12] : memref<1000x16xi32, #tpu.memory_space<vmem>>[vector<16xi32>, vector<16xi32>], vector<16xi32>,
          %bitcast3A_461 = vector.bitcast %gather3A_460 : vector<16xi32> to vector<32xbf16>
          %reshape3A_462 = vector.shape_cast %add3A_376 : vector<16xi32> to vector<16x1xi32>
          %gather3A_463 = vector.shape_cast %reshape3A_462 : vector<16x1xi32> to vector<16xi32>
          %gather3A_464 = tpu.dynamic_gather %get3A_231[%gather3A_463] in [0] : vector<16xi32>, vector<16xi32> -> vector<16xi32>
          %gather3A_465 = tpu.vector_load_idx %arg5[%gather3A_464, %add3A_12] : memref<1000x16xi32, #tpu.memory_space<vmem>>[vector<16xi32>, vector<16xi32>], vector<16xi32>,
          %bitcast3A_466 = vector.bitcast %gather3A_465 : vector<16xi32> to vector<32xbf16>
          %reshape3A_467 = vector.shape_cast %add3A_376 : vector<16xi32> to vector<16x1xi32>
          %gather3A_468 = vector.shape_cast %reshape3A_467 : vector<16x1xi32> to vector<16xi32>
          %gather3A_469 = tpu.dynamic_gather %get3A_239[%gather3A_468] in [0] : vector<16xi32>, vector<16xi32> -> vector<16xi32>
          %gather3A_470 = tpu.vector_load_idx %arg5[%gather3A_469, %add3A_12] : memref<1000x16xi32, #tpu.memory_space<vmem>>[vector<16xi32>, vector<16xi32>], vector<16xi32>,
          %bitcast3A_471 = vector.bitcast %gather3A_470 : vector<16xi32> to vector<32xbf16>
          %reshape3A_472 = vector.shape_cast %add3A_376 : vector<16xi32> to vector<16x1xi32>
          %gather3A_473 = vector.shape_cast %reshape3A_472 : vector<16x1xi32> to vector<16xi32>
          %gather3A_474 = tpu.dynamic_gather %get3A_247[%gather3A_473] in [0] : vector<16xi32>, vector<16xi32> -> vector<16xi32>
          %gather3A_475 = tpu.vector_load_idx %arg5[%gather3A_474, %add3A_12] : memref<1000x16xi32, #tpu.memory_space<vmem>>[vector<16xi32>, vector<16xi32>], vector<16xi32>,
          %bitcast3A_476 = vector.bitcast %gather3A_475 : vector<16xi32> to vector<32xbf16>
          %max3A_477 = arith.maximumf %bitcast3A_381, %bitcast3A_386 : vector<32xbf16>
          %max3A_478 = arith.maximumf %bitcast3A_391, %bitcast3A_396 : vector<32xbf16>
          %max3A_479 = arith.maximumf %bitcast3A_401, %bitcast3A_406 : vector<32xbf16>
          %max3A_480 = arith.maximumf %bitcast3A_411, %bitcast3A_416 : vector<32xbf16>
          %max3A_481 = arith.maximumf %bitcast3A_421, %bitcast3A_426 : vector<32xbf16>
          %max3A_482 = arith.maximumf %bitcast3A_431, %bitcast3A_436 : vector<32xbf16>
          %max3A_483 = arith.maximumf %bitcast3A_441, %bitcast3A_446 : vector<32xbf16>
          %max3A_484 = arith.maximumf %bitcast3A_451, %bitcast3A_456 : vector<32xbf16>
          %max3A_485 = arith.maximumf %bitcast3A_461, %bitcast3A_466 : vector<32xbf16>
          %max3A_486 = arith.maximumf %bitcast3A_471, %bitcast3A_476 : vector<32xbf16>
          %max3A_487 = arith.maximumf %max3A_477, %max3A_478 : vector<32xbf16>
          %max3A_488 = arith.maximumf %max3A_479, %max3A_480 : vector<32xbf16>
          %max3A_489 = arith.maximumf %max3A_481, %max3A_482 : vector<32xbf16>
          %max3A_490 = arith.maximumf %max3A_483, %max3A_484 : vector<32xbf16>
          %max3A_491 = arith.maximumf %max3A_485, %max3A_486 : vector<32xbf16>
          %max3A_492 = arith.maximumf %max3A_487, %max3A_488 : vector<32xbf16>
          %max3A_493 = arith.maximumf %max3A_489, %max3A_490 : vector<32xbf16>
          %max3A_494 = arith.maximumf %max3A_492, %max3A_493 : vector<32xbf16>
          %max3A_495 = arith.maximumf %max3A_494, %max3A_491 : vector<32xbf16>
          %bitcast3A_496 = vector.bitcast %max3A_495 : vector<32xbf16> to vector<16xi32>
          %shift_left3A_497 = arith.constant 16 : i32
          %shift_left3A_498 = vector.broadcast %shift_left3A_497 : i32 to vector<16xi32>
          %shift_left3A_499 = arith.shli %bitcast3A_496, %shift_left3A_498 : vector<16xi32>
          %bitcast3A_500 = vector.bitcast %shift_left3A_499 : vector<16xi32> to vector<16xf32>
          %and3A_501 = vector.broadcast %scan3A : i32 to vector<16xi32>
          %and3A_502 = arith.andi %bitcast3A_496, %and3A_501 : vector<16xi32>
          %bitcast3A_503 = vector.bitcast %and3A_502 : vector<16xi32> to vector<16xf32>
          tpu.vector_store_idx %arg8[%add3A_376, %shift_left3A_8], %bitcast3A_500 : memref<16x17xf32, #tpu.memory_space<vmem>>[vector<16xi32>, vector<16xi32>], vector<16xf32>,
          tpu.vector_store_idx %arg8[%add3A_376, %add3A_11], %bitcast3A_503 : memref<16x17xf32, #tpu.memory_space<vmem>>[vector<16xi32>, vector<16xi32>], vector<16xf32>,
          %add3A_504 = arith.constant 4 : i32
          %add3A_505 = vector.broadcast %add3A_504 : i32 to vector<16xi32>
          %add3A_506 = arith.addi %select_n3A, %add3A_505 : vector<16xi32>
          %reshape3A_507 = vector.shape_cast %add3A_506 : vector<16xi32> to vector<16x1xi32>
          %gather3A_508 = vector.shape_cast %reshape3A_507 : vector<16x1xi32> to vector<16xi32>
          %gather3A_509 = tpu.dynamic_gather %get3A_95[%gather3A_508] in [0] : vector<16xi32>, vector<16xi32> -> vector<16xi32>
          %gather3A_510 = tpu.vector_load_idx %arg5[%gather3A_509, %add3A_12] : memref<1000x16xi32, #tpu.memory_space<vmem>>[vector<16xi32>, vector<16xi32>], vector<16xi32>,
          %bitcast3A_511 = vector.bitcast %gather3A_510 : vector<16xi32> to vector<32xbf16>
          %reshape3A_512 = vector.shape_cast %add3A_506 : vector<16xi32> to vector<16x1xi32>
          %gather3A_513 = vector.shape_cast %reshape3A_512 : vector<16x1xi32> to vector<16xi32>
          %gather3A_514 = tpu.dynamic_gather %get3A_103[%gather3A_513] in [0] : vector<16xi32>, vector<16xi32> -> vector<16xi32>
          %gather3A_515 = tpu.vector_load_idx %arg5[%gather3A_514, %add3A_12] : memref<1000x16xi32, #tpu.memory_space<vmem>>[vector<16xi32>, vector<16xi32>], vector<16xi32>,
          %bitcast3A_516 = vector.bitcast %gather3A_515 : vector<16xi32> to vector<32xbf16>
          %reshape3A_517 = vector.shape_cast %add3A_506 : vector<16xi32> to vector<16x1xi32>
          %gather3A_518 = vector.shape_cast %reshape3A_517 : vector<16x1xi32> to vector<16xi32>
          %gather3A_519 = tpu.dynamic_gather %get3A_111[%gather3A_518] in [0] : vector<16xi32>, vector<16xi32> -> vector<16xi32>
          %gather3A_520 = tpu.vector_load_idx %arg5[%gather3A_519, %add3A_12] : memref<1000x16xi32, #tpu.memory_space<vmem>>[vector<16xi32>, vector<16xi32>], vector<16xi32>,
          %bitcast3A_521 = vector.bitcast %gather3A_520 : vector<16xi32> to vector<32xbf16>
          %reshape3A_522 = vector.shape_cast %add3A_506 : vector<16xi32> to vector<16x1xi32>
          %gather3A_523 = vector.shape_cast %reshape3A_522 : vector<16x1xi32> to vector<16xi32>
          %gather3A_524 = tpu.dynamic_gather %get3A_119[%gather3A_523] in [0] : vector<16xi32>, vector<16xi32> -> vector<16xi32>
          %gather3A_525 = tpu.vector_load_idx %arg5[%gather3A_524, %add3A_12] : memref<1000x16xi32, #tpu.memory_space<vmem>>[vector<16xi32>, vector<16xi32>], vector<16xi32>,
          %bitcast3A_526 = vector.bitcast %gather3A_525 : vector<16xi32> to vector<32xbf16>
          %reshape3A_527 = vector.shape_cast %add3A_506 : vector<16xi32> to vector<16x1xi32>
          %gather3A_528 = vector.shape_cast %reshape3A_527 : vector<16x1xi32> to vector<16xi32>
          %gather3A_529 = tpu.dynamic_gather %get3A_127[%gather3A_528] in [0] : vector<16xi32>, vector<16xi32> -> vector<16xi32>
          %gather3A_530 = tpu.vector_load_idx %arg5[%gather3A_529, %add3A_12] : memref<1000x16xi32, #tpu.memory_space<vmem>>[vector<16xi32>, vector<16xi32>], vector<16xi32>,
          %bitcast3A_531 = vector.bitcast %gather3A_530 : vector<16xi32> to vector<32xbf16>
          %reshape3A_532 = vector.shape_cast %add3A_506 : vector<16xi32> to vector<16x1xi32>
          %gather3A_533 = vector.shape_cast %reshape3A_532 : vector<16x1xi32> to vector<16xi32>
          %gather3A_534 = tpu.dynamic_gather %get3A_135[%gather3A_533] in [0] : vector<16xi32>, vector<16xi32> -> vector<16xi32>
          %gather3A_535 = tpu.vector_load_idx %arg5[%gather3A_534, %add3A_12] : memref<1000x16xi32, #tpu.memory_space<vmem>>[vector<16xi32>, vector<16xi32>], vector<16xi32>,
          %bitcast3A_536 = vector.bitcast %gather3A_535 : vector<16xi32> to vector<32xbf16>
          %reshape3A_537 = vector.shape_cast %add3A_506 : vector<16xi32> to vector<16x1xi32>
          %gather3A_538 = vector.shape_cast %reshape3A_537 : vector<16x1xi32> to vector<16xi32>
          %gather3A_539 = tpu.dynamic_gather %get3A_143[%gather3A_538] in [0] : vector<16xi32>, vector<16xi32> -> vector<16xi32>
          %gather3A_540 = tpu.vector_load_idx %arg5[%gather3A_539, %add3A_12] : memref<1000x16xi32, #tpu.memory_space<vmem>>[vector<16xi32>, vector<16xi32>], vector<16xi32>,
          %bitcast3A_541 = vector.bitcast %gather3A_540 : vector<16xi32> to vector<32xbf16>
          %reshape3A_542 = vector.shape_cast %add3A_506 : vector<16xi32> to vector<16x1xi32>
          %gather3A_543 = vector.shape_cast %reshape3A_542 : vector<16x1xi32> to vector<16xi32>
          %gather3A_544 = tpu.dynamic_gather %get3A_151[%gather3A_543] in [0] : vector<16xi32>, vector<16xi32> -> vector<16xi32>
          %gather3A_545 = tpu.vector_load_idx %arg5[%gather3A_544, %add3A_12] : memref<1000x16xi32, #tpu.memory_space<vmem>>[vector<16xi32>, vector<16xi32>], vector<16xi32>,
          %bitcast3A_546 = vector.bitcast %gather3A_545 : vector<16xi32> to vector<32xbf16>
          %reshape3A_547 = vector.shape_cast %add3A_506 : vector<16xi32> to vector<16x1xi32>
          %gather3A_548 = vector.shape_cast %reshape3A_547 : vector<16x1xi32> to vector<16xi32>
          %gather3A_549 = tpu.dynamic_gather %get3A_159[%gather3A_548] in [0] : vector<16xi32>, vector<16xi32> -> vector<16xi32>
          %gather3A_550 = tpu.vector_load_idx %arg5[%gather3A_549, %add3A_12] : memref<1000x16xi32, #tpu.memory_space<vmem>>[vector<16xi32>, vector<16xi32>], vector<16xi32>,
          %bitcast3A_551 = vector.bitcast %gather3A_550 : vector<16xi32> to vector<32xbf16>
          %reshape3A_552 = vector.shape_cast %add3A_506 : vector<16xi32> to vector<16x1xi32>
          %gather3A_553 = vector.shape_cast %reshape3A_552 : vector<16x1xi32> to vector<16xi32>
          %gather3A_554 = tpu.dynamic_gather %get3A_167[%gather3A_553] in [0] : vector<16xi32>, vector<16xi32> -> vector<16xi32>
          %gather3A_555 = tpu.vector_load_idx %arg5[%gather3A_554, %add3A_12] : memref<1000x16xi32, #tpu.memory_space<vmem>>[vector<16xi32>, vector<16xi32>], vector<16xi32>,
          %bitcast3A_556 = vector.bitcast %gather3A_555 : vector<16xi32> to vector<32xbf16>
          %reshape3A_557 = vector.shape_cast %add3A_506 : vector<16xi32> to vector<16x1xi32>
          %gather3A_558 = vector.shape_cast %reshape3A_557 : vector<16x1xi32> to vector<16xi32>
          %gather3A_559 = tpu.dynamic_gather %get3A_175[%gather3A_558] in [0] : vector<16xi32>, vector<16xi32> -> vector<16xi32>
          %gather3A_560 = tpu.vector_load_idx %arg5[%gather3A_559, %add3A_12] : memref<1000x16xi32, #tpu.memory_space<vmem>>[vector<16xi32>, vector<16xi32>], vector<16xi32>,
          %bitcast3A_561 = vector.bitcast %gather3A_560 : vector<16xi32> to vector<32xbf16>
          %reshape3A_562 = vector.shape_cast %add3A_506 : vector<16xi32> to vector<16x1xi32>
          %gather3A_563 = vector.shape_cast %reshape3A_562 : vector<16x1xi32> to vector<16xi32>
          %gather3A_564 = tpu.dynamic_gather %get3A_183[%gather3A_563] in [0] : vector<16xi32>, vector<16xi32> -> vector<16xi32>
          %gather3A_565 = tpu.vector_load_idx %arg5[%gather3A_564, %add3A_12] : memref<1000x16xi32, #tpu.memory_space<vmem>>[vector<16xi32>, vector<16xi32>], vector<16xi32>,
          %bitcast3A_566 = vector.bitcast %gather3A_565 : vector<16xi32> to vector<32xbf16>
          %reshape3A_567 = vector.shape_cast %add3A_506 : vector<16xi32> to vector<16x1xi32>
          %gather3A_568 = vector.shape_cast %reshape3A_567 : vector<16x1xi32> to vector<16xi32>
          %gather3A_569 = tpu.dynamic_gather %get3A_191[%gather3A_568] in [0] : vector<16xi32>, vector<16xi32> -> vector<16xi32>
          %gather3A_570 = tpu.vector_load_idx %arg5[%gather3A_569, %add3A_12] : memref<1000x16xi32, #tpu.memory_space<vmem>>[vector<16xi32>, vector<16xi32>], vector<16xi32>,
          %bitcast3A_571 = vector.bitcast %gather3A_570 : vector<16xi32> to vector<32xbf16>
          %reshape3A_572 = vector.shape_cast %add3A_506 : vector<16xi32> to vector<16x1xi32>
          %gather3A_573 = vector.shape_cast %reshape3A_572 : vector<16x1xi32> to vector<16xi32>
          %gather3A_574 = tpu.dynamic_gather %get3A_199[%gather3A_573] in [0] : vector<16xi32>, vector<16xi32> -> vector<16xi32>
          %gather3A_575 = tpu.vector_load_idx %arg5[%gather3A_574, %add3A_12] : memref<1000x16xi32, #tpu.memory_space<vmem>>[vector<16xi32>, vector<16xi32>], vector<16xi32>,
          %bitcast3A_576 = vector.bitcast %gather3A_575 : vector<16xi32> to vector<32xbf16>
          %reshape3A_577 = vector.shape_cast %add3A_506 : vector<16xi32> to vector<16x1xi32>
          %gather3A_578 = vector.shape_cast %reshape3A_577 : vector<16x1xi32> to vector<16xi32>
          %gather3A_579 = tpu.dynamic_gather %get3A_207[%gather3A_578] in [0] : vector<16xi32>, vector<16xi32> -> vector<16xi32>
          %gather3A_580 = tpu.vector_load_idx %arg5[%gather3A_579, %add3A_12] : memref<1000x16xi32, #tpu.memory_space<vmem>>[vector<16xi32>, vector<16xi32>], vector<16xi32>,
          %bitcast3A_581 = vector.bitcast %gather3A_580 : vector<16xi32> to vector<32xbf16>
          %reshape3A_582 = vector.shape_cast %add3A_506 : vector<16xi32> to vector<16x1xi32>
          %gather3A_583 = vector.shape_cast %reshape3A_582 : vector<16x1xi32> to vector<16xi32>
          %gather3A_584 = tpu.dynamic_gather %get3A_215[%gather3A_583] in [0] : vector<16xi32>, vector<16xi32> -> vector<16xi32>
          %gather3A_585 = tpu.vector_load_idx %arg5[%gather3A_584, %add3A_12] : memref<1000x16xi32, #tpu.memory_space<vmem>>[vector<16xi32>, vector<16xi32>], vector<16xi32>,
          %bitcast3A_586 = vector.bitcast %gather3A_585 : vector<16xi32> to vector<32xbf16>
          %reshape3A_587 = vector.shape_cast %add3A_506 : vector<16xi32> to vector<16x1xi32>
          %gather3A_588 = vector.shape_cast %reshape3A_587 : vector<16x1xi32> to vector<16xi32>
          %gather3A_589 = tpu.dynamic_gather %get3A_223[%gather3A_588] in [0] : vector<16xi32>, vector<16xi32> -> vector<16xi32>
          %gather3A_590 = tpu.vector_load_idx %arg5[%gather3A_589, %add3A_12] : memref<1000x16xi32, #tpu.memory_space<vmem>>[vector<16xi32>, vector<16xi32>], vector<16xi32>,
          %bitcast3A_591 = vector.bitcast %gather3A_590 : vector<16xi32> to vector<32xbf16>
          %reshape3A_592 = vector.shape_cast %add3A_506 : vector<16xi32> to vector<16x1xi32>
          %gather3A_593 = vector.shape_cast %reshape3A_592 : vector<16x1xi32> to vector<16xi32>
          %gather3A_594 = tpu.dynamic_gather %get3A_231[%gather3A_593] in [0] : vector<16xi32>, vector<16xi32> -> vector<16xi32>
          %gather3A_595 = tpu.vector_load_idx %arg5[%gather3A_594, %add3A_12] : memref<1000x16xi32, #tpu.memory_space<vmem>>[vector<16xi32>, vector<16xi32>], vector<16xi32>,
          %bitcast3A_596 = vector.bitcast %gather3A_595 : vector<16xi32> to vector<32xbf16>
          %reshape3A_597 = vector.shape_cast %add3A_506 : vector<16xi32> to vector<16x1xi32>
          %gather3A_598 = vector.shape_cast %reshape3A_597 : vector<16x1xi32> to vector<16xi32>
          %gather3A_599 = tpu.dynamic_gather %get3A_239[%gather3A_598] in [0] : vector<16xi32>, vector<16xi32> -> vector<16xi32>
          %gather3A_600 = tpu.vector_load_idx %arg5[%gather3A_599, %add3A_12] : memref<1000x16xi32, #tpu.memory_space<vmem>>[vector<16xi32>, vector<16xi32>], vector<16xi32>,
          %bitcast3A_601 = vector.bitcast %gather3A_600 : vector<16xi32> to vector<32xbf16>
          %reshape3A_602 = vector.shape_cast %add3A_506 : vector<16xi32> to vector<16x1xi32>
          %gather3A_603 = vector.shape_cast %reshape3A_602 : vector<16x1xi32> to vector<16xi32>
          %gather3A_604 = tpu.dynamic_gather %get3A_247[%gather3A_603] in [0] : vector<16xi32>, vector<16xi32> -> vector<16xi32>
          %gather3A_605 = tpu.vector_load_idx %arg5[%gather3A_604, %add3A_12] : memref<1000x16xi32, #tpu.memory_space<vmem>>[vector<16xi32>, vector<16xi32>], vector<16xi32>,
          %bitcast3A_606 = vector.bitcast %gather3A_605 : vector<16xi32> to vector<32xbf16>
          %max3A_607 = arith.maximumf %bitcast3A_511, %bitcast3A_516 : vector<32xbf16>
          %max3A_608 = arith.maximumf %bitcast3A_521, %bitcast3A_526 : vector<32xbf16>
          %max3A_609 = arith.maximumf %bitcast3A_531, %bitcast3A_536 : vector<32xbf16>
          %max3A_610 = arith.maximumf %bitcast3A_541, %bitcast3A_546 : vector<32xbf16>
          %max3A_611 = arith.maximumf %bitcast3A_551, %bitcast3A_556 : vector<32xbf16>
          %max3A_612 = arith.maximumf %bitcast3A_561, %bitcast3A_566 : vector<32xbf16>
          %max3A_613 = arith.maximumf %bitcast3A_571, %bitcast3A_576 : vector<32xbf16>
          %max3A_614 = arith.maximumf %bitcast3A_581, %bitcast3A_586 : vector<32xbf16>
          %max3A_615 = arith.maximumf %bitcast3A_591, %bitcast3A_596 : vector<32xbf16>
          %max3A_616 = arith.maximumf %bitcast3A_601, %bitcast3A_606 : vector<32xbf16>
          %max3A_617 = arith.maximumf %max3A_607, %max3A_608 : vector<32xbf16>
          %max3A_618 = arith.maximumf %max3A_609, %max3A_610 : vector<32xbf16>
          %max3A_619 = arith.maximumf %max3A_611, %max3A_612 : vector<32xbf16>
          %max3A_620 = arith.maximumf %max3A_613, %max3A_614 : vector<32xbf16>
          %max3A_621 = arith.maximumf %max3A_615, %max3A_616 : vector<32xbf16>
          %max3A_622 = arith.maximumf %max3A_617, %max3A_618 : vector<32xbf16>
          %max3A_623 = arith.maximumf %max3A_619, %max3A_620 : vector<32xbf16>
          %max3A_624 = arith.maximumf %max3A_622, %max3A_623 : vector<32xbf16>
          %max3A_625 = arith.maximumf %max3A_624, %max3A_621 : vector<32xbf16>
          %bitcast3A_626 = vector.bitcast %max3A_625 : vector<32xbf16> to vector<16xi32>
          %shift_left3A_627 = arith.constant 16 : i32
          %shift_left3A_628 = vector.broadcast %shift_left3A_627 : i32 to vector<16xi32>
          %shift_left3A_629 = arith.shli %bitcast3A_626, %shift_left3A_628 : vector<16xi32>
          %bitcast3A_630 = vector.bitcast %shift_left3A_629 : vector<16xi32> to vector<16xf32>
          %and3A_631 = vector.broadcast %scan3A : i32 to vector<16xi32>
          %and3A_632 = arith.andi %bitcast3A_626, %and3A_631 : vector<16xi32>
          %bitcast3A_633 = vector.bitcast %and3A_632 : vector<16xi32> to vector<16xf32>
          tpu.vector_store_idx %arg8[%add3A_506, %shift_left3A_8], %bitcast3A_630 : memref<16x17xf32, #tpu.memory_space<vmem>>[vector<16xi32>, vector<16xi32>], vector<16xf32>,
          tpu.vector_store_idx %arg8[%add3A_506, %add3A_11], %bitcast3A_633 : memref<16x17xf32, #tpu.memory_space<vmem>>[vector<16xi32>, vector<16xi32>], vector<16xf32>,
          %add3A_634 = arith.constant 6 : i32
          %add3A_635 = vector.broadcast %add3A_634 : i32 to vector<16xi32>
          %add3A_636 = arith.addi %select_n3A, %add3A_635 : vector<16xi32>
          %reshape3A_637 = vector.shape_cast %add3A_636 : vector<16xi32> to vector<16x1xi32>
          %gather3A_638 = vector.shape_cast %reshape3A_637 : vector<16x1xi32> to vector<16xi32>
          %gather3A_639 = tpu.dynamic_gather %get3A_95[%gather3A_638] in [0] : vector<16xi32>, vector<16xi32> -> vector<16xi32>
          %gather3A_640 = tpu.vector_load_idx %arg5[%gather3A_639, %add3A_12] : memref<1000x16xi32, #tpu.memory_space<vmem>>[vector<16xi32>, vector<16xi32>], vector<16xi32>,
          %bitcast3A_641 = vector.bitcast %gather3A_640 : vector<16xi32> to vector<32xbf16>
          %reshape3A_642 = vector.shape_cast %add3A_636 : vector<16xi32> to vector<16x1xi32>
          %gather3A_643 = vector.shape_cast %reshape3A_642 : vector<16x1xi32> to vector<16xi32>
          %gather3A_644 = tpu.dynamic_gather %get3A_103[%gather3A_643] in [0] : vector<16xi32>, vector<16xi32> -> vector<16xi32>
          %gather3A_645 = tpu.vector_load_idx %arg5[%gather3A_644, %add3A_12] : memref<1000x16xi32, #tpu.memory_space<vmem>>[vector<16xi32>, vector<16xi32>], vector<16xi32>,
          %bitcast3A_646 = vector.bitcast %gather3A_645 : vector<16xi32> to vector<32xbf16>
          %reshape3A_647 = vector.shape_cast %add3A_636 : vector<16xi32> to vector<16x1xi32>
          %gather3A_648 = vector.shape_cast %reshape3A_647 : vector<16x1xi32> to vector<16xi32>
          %gather3A_649 = tpu.dynamic_gather %get3A_111[%gather3A_648] in [0] : vector<16xi32>, vector<16xi32> -> vector<16xi32>
          %gather3A_650 = tpu.vector_load_idx %arg5[%gather3A_649, %add3A_12] : memref<1000x16xi32, #tpu.memory_space<vmem>>[vector<16xi32>, vector<16xi32>], vector<16xi32>,
          %bitcast3A_651 = vector.bitcast %gather3A_650 : vector<16xi32> to vector<32xbf16>
          %reshape3A_652 = vector.shape_cast %add3A_636 : vector<16xi32> to vector<16x1xi32>
          %gather3A_653 = vector.shape_cast %reshape3A_652 : vector<16x1xi32> to vector<16xi32>
          %gather3A_654 = tpu.dynamic_gather %get3A_119[%gather3A_653] in [0] : vector<16xi32>, vector<16xi32> -> vector<16xi32>
          %gather3A_655 = tpu.vector_load_idx %arg5[%gather3A_654, %add3A_12] : memref<1000x16xi32, #tpu.memory_space<vmem>>[vector<16xi32>, vector<16xi32>], vector<16xi32>,
          %bitcast3A_656 = vector.bitcast %gather3A_655 : vector<16xi32> to vector<32xbf16>
          %reshape3A_657 = vector.shape_cast %add3A_636 : vector<16xi32> to vector<16x1xi32>
          %gather3A_658 = vector.shape_cast %reshape3A_657 : vector<16x1xi32> to vector<16xi32>
          %gather3A_659 = tpu.dynamic_gather %get3A_127[%gather3A_658] in [0] : vector<16xi32>, vector<16xi32> -> vector<16xi32>
          %gather3A_660 = tpu.vector_load_idx %arg5[%gather3A_659, %add3A_12] : memref<1000x16xi32, #tpu.memory_space<vmem>>[vector<16xi32>, vector<16xi32>], vector<16xi32>,
          %bitcast3A_661 = vector.bitcast %gather3A_660 : vector<16xi32> to vector<32xbf16>
          %reshape3A_662 = vector.shape_cast %add3A_636 : vector<16xi32> to vector<16x1xi32>
          %gather3A_663 = vector.shape_cast %reshape3A_662 : vector<16x1xi32> to vector<16xi32>
          %gather3A_664 = tpu.dynamic_gather %get3A_135[%gather3A_663] in [0] : vector<16xi32>, vector<16xi32> -> vector<16xi32>
          %gather3A_665 = tpu.vector_load_idx %arg5[%gather3A_664, %add3A_12] : memref<1000x16xi32, #tpu.memory_space<vmem>>[vector<16xi32>, vector<16xi32>], vector<16xi32>,
          %bitcast3A_666 = vector.bitcast %gather3A_665 : vector<16xi32> to vector<32xbf16>
          %reshape3A_667 = vector.shape_cast %add3A_636 : vector<16xi32> to vector<16x1xi32>
          %gather3A_668 = vector.shape_cast %reshape3A_667 : vector<16x1xi32> to vector<16xi32>
          %gather3A_669 = tpu.dynamic_gather %get3A_143[%gather3A_668] in [0] : vector<16xi32>, vector<16xi32> -> vector<16xi32>
          %gather3A_670 = tpu.vector_load_idx %arg5[%gather3A_669, %add3A_12] : memref<1000x16xi32, #tpu.memory_space<vmem>>[vector<16xi32>, vector<16xi32>], vector<16xi32>,
          %bitcast3A_671 = vector.bitcast %gather3A_670 : vector<16xi32> to vector<32xbf16>
          %reshape3A_672 = vector.shape_cast %add3A_636 : vector<16xi32> to vector<16x1xi32>
          %gather3A_673 = vector.shape_cast %reshape3A_672 : vector<16x1xi32> to vector<16xi32>
          %gather3A_674 = tpu.dynamic_gather %get3A_151[%gather3A_673] in [0] : vector<16xi32>, vector<16xi32> -> vector<16xi32>
          %gather3A_675 = tpu.vector_load_idx %arg5[%gather3A_674, %add3A_12] : memref<1000x16xi32, #tpu.memory_space<vmem>>[vector<16xi32>, vector<16xi32>], vector<16xi32>,
          %bitcast3A_676 = vector.bitcast %gather3A_675 : vector<16xi32> to vector<32xbf16>
          %reshape3A_677 = vector.shape_cast %add3A_636 : vector<16xi32> to vector<16x1xi32>
          %gather3A_678 = vector.shape_cast %reshape3A_677 : vector<16x1xi32> to vector<16xi32>
          %gather3A_679 = tpu.dynamic_gather %get3A_159[%gather3A_678] in [0] : vector<16xi32>, vector<16xi32> -> vector<16xi32>
          %gather3A_680 = tpu.vector_load_idx %arg5[%gather3A_679, %add3A_12] : memref<1000x16xi32, #tpu.memory_space<vmem>>[vector<16xi32>, vector<16xi32>], vector<16xi32>,
          %bitcast3A_681 = vector.bitcast %gather3A_680 : vector<16xi32> to vector<32xbf16>
          %reshape3A_682 = vector.shape_cast %add3A_636 : vector<16xi32> to vector<16x1xi32>
          %gather3A_683 = vector.shape_cast %reshape3A_682 : vector<16x1xi32> to vector<16xi32>
          %gather3A_684 = tpu.dynamic_gather %get3A_167[%gather3A_683] in [0] : vector<16xi32>, vector<16xi32> -> vector<16xi32>
          %gather3A_685 = tpu.vector_load_idx %arg5[%gather3A_684, %add3A_12] : memref<1000x16xi32, #tpu.memory_space<vmem>>[vector<16xi32>, vector<16xi32>], vector<16xi32>,
          %bitcast3A_686 = vector.bitcast %gather3A_685 : vector<16xi32> to vector<32xbf16>
          %reshape3A_687 = vector.shape_cast %add3A_636 : vector<16xi32> to vector<16x1xi32>
          %gather3A_688 = vector.shape_cast %reshape3A_687 : vector<16x1xi32> to vector<16xi32>
          %gather3A_689 = tpu.dynamic_gather %get3A_175[%gather3A_688] in [0] : vector<16xi32>, vector<16xi32> -> vector<16xi32>
          %gather3A_690 = tpu.vector_load_idx %arg5[%gather3A_689, %add3A_12] : memref<1000x16xi32, #tpu.memory_space<vmem>>[vector<16xi32>, vector<16xi32>], vector<16xi32>,
          %bitcast3A_691 = vector.bitcast %gather3A_690 : vector<16xi32> to vector<32xbf16>
          %reshape3A_692 = vector.shape_cast %add3A_636 : vector<16xi32> to vector<16x1xi32>
          %gather3A_693 = vector.shape_cast %reshape3A_692 : vector<16x1xi32> to vector<16xi32>
          %gather3A_694 = tpu.dynamic_gather %get3A_183[%gather3A_693] in [0] : vector<16xi32>, vector<16xi32> -> vector<16xi32>
          %gather3A_695 = tpu.vector_load_idx %arg5[%gather3A_694, %add3A_12] : memref<1000x16xi32, #tpu.memory_space<vmem>>[vector<16xi32>, vector<16xi32>], vector<16xi32>,
          %bitcast3A_696 = vector.bitcast %gather3A_695 : vector<16xi32> to vector<32xbf16>
          %reshape3A_697 = vector.shape_cast %add3A_636 : vector<16xi32> to vector<16x1xi32>
          %gather3A_698 = vector.shape_cast %reshape3A_697 : vector<16x1xi32> to vector<16xi32>
          %gather3A_699 = tpu.dynamic_gather %get3A_191[%gather3A_698] in [0] : vector<16xi32>, vector<16xi32> -> vector<16xi32>
          %gather3A_700 = tpu.vector_load_idx %arg5[%gather3A_699, %add3A_12] : memref<1000x16xi32, #tpu.memory_space<vmem>>[vector<16xi32>, vector<16xi32>], vector<16xi32>,
          %bitcast3A_701 = vector.bitcast %gather3A_700 : vector<16xi32> to vector<32xbf16>
          %reshape3A_702 = vector.shape_cast %add3A_636 : vector<16xi32> to vector<16x1xi32>
          %gather3A_703 = vector.shape_cast %reshape3A_702 : vector<16x1xi32> to vector<16xi32>
          %gather3A_704 = tpu.dynamic_gather %get3A_199[%gather3A_703] in [0] : vector<16xi32>, vector<16xi32> -> vector<16xi32>
          %gather3A_705 = tpu.vector_load_idx %arg5[%gather3A_704, %add3A_12] : memref<1000x16xi32, #tpu.memory_space<vmem>>[vector<16xi32>, vector<16xi32>], vector<16xi32>,
          %bitcast3A_706 = vector.bitcast %gather3A_705 : vector<16xi32> to vector<32xbf16>
          %reshape3A_707 = vector.shape_cast %add3A_636 : vector<16xi32> to vector<16x1xi32>
          %gather3A_708 = vector.shape_cast %reshape3A_707 : vector<16x1xi32> to vector<16xi32>
          %gather3A_709 = tpu.dynamic_gather %get3A_207[%gather3A_708] in [0] : vector<16xi32>, vector<16xi32> -> vector<16xi32>
          %gather3A_710 = tpu.vector_load_idx %arg5[%gather3A_709, %add3A_12] : memref<1000x16xi32, #tpu.memory_space<vmem>>[vector<16xi32>, vector<16xi32>], vector<16xi32>,
          %bitcast3A_711 = vector.bitcast %gather3A_710 : vector<16xi32> to vector<32xbf16>
          %reshape3A_712 = vector.shape_cast %add3A_636 : vector<16xi32> to vector<16x1xi32>
          %gather3A_713 = vector.shape_cast %reshape3A_712 : vector<16x1xi32> to vector<16xi32>
          %gather3A_714 = tpu.dynamic_gather %get3A_215[%gather3A_713] in [0] : vector<16xi32>, vector<16xi32> -> vector<16xi32>
          %gather3A_715 = tpu.vector_load_idx %arg5[%gather3A_714, %add3A_12] : memref<1000x16xi32, #tpu.memory_space<vmem>>[vector<16xi32>, vector<16xi32>], vector<16xi32>,
          %bitcast3A_716 = vector.bitcast %gather3A_715 : vector<16xi32> to vector<32xbf16>
          %reshape3A_717 = vector.shape_cast %add3A_636 : vector<16xi32> to vector<16x1xi32>
          %gather3A_718 = vector.shape_cast %reshape3A_717 : vector<16x1xi32> to vector<16xi32>
          %gather3A_719 = tpu.dynamic_gather %get3A_223[%gather3A_718] in [0] : vector<16xi32>, vector<16xi32> -> vector<16xi32>
          %gather3A_720 = tpu.vector_load_idx %arg5[%gather3A_719, %add3A_12] : memref<1000x16xi32, #tpu.memory_space<vmem>>[vector<16xi32>, vector<16xi32>], vector<16xi32>,
          %bitcast3A_721 = vector.bitcast %gather3A_720 : vector<16xi32> to vector<32xbf16>
          %reshape3A_722 = vector.shape_cast %add3A_636 : vector<16xi32> to vector<16x1xi32>
          %gather3A_723 = vector.shape_cast %reshape3A_722 : vector<16x1xi32> to vector<16xi32>
          %gather3A_724 = tpu.dynamic_gather %get3A_231[%gather3A_723] in [0] : vector<16xi32>, vector<16xi32> -> vector<16xi32>
          %gather3A_725 = tpu.vector_load_idx %arg5[%gather3A_724, %add3A_12] : memref<1000x16xi32, #tpu.memory_space<vmem>>[vector<16xi32>, vector<16xi32>], vector<16xi32>,
          %bitcast3A_726 = vector.bitcast %gather3A_725 : vector<16xi32> to vector<32xbf16>
          %reshape3A_727 = vector.shape_cast %add3A_636 : vector<16xi32> to vector<16x1xi32>
          %gather3A_728 = vector.shape_cast %reshape3A_727 : vector<16x1xi32> to vector<16xi32>
          %gather3A_729 = tpu.dynamic_gather %get3A_239[%gather3A_728] in [0] : vector<16xi32>, vector<16xi32> -> vector<16xi32>
          %gather3A_730 = tpu.vector_load_idx %arg5[%gather3A_729, %add3A_12] : memref<1000x16xi32, #tpu.memory_space<vmem>>[vector<16xi32>, vector<16xi32>], vector<16xi32>,
          %bitcast3A_731 = vector.bitcast %gather3A_730 : vector<16xi32> to vector<32xbf16>
          %reshape3A_732 = vector.shape_cast %add3A_636 : vector<16xi32> to vector<16x1xi32>
          %gather3A_733 = vector.shape_cast %reshape3A_732 : vector<16x1xi32> to vector<16xi32>
          %gather3A_734 = tpu.dynamic_gather %get3A_247[%gather3A_733] in [0] : vector<16xi32>, vector<16xi32> -> vector<16xi32>
          %gather3A_735 = tpu.vector_load_idx %arg5[%gather3A_734, %add3A_12] : memref<1000x16xi32, #tpu.memory_space<vmem>>[vector<16xi32>, vector<16xi32>], vector<16xi32>,
          %bitcast3A_736 = vector.bitcast %gather3A_735 : vector<16xi32> to vector<32xbf16>
          %max3A_737 = arith.maximumf %bitcast3A_641, %bitcast3A_646 : vector<32xbf16>
          %max3A_738 = arith.maximumf %bitcast3A_651, %bitcast3A_656 : vector<32xbf16>
          %max3A_739 = arith.maximumf %bitcast3A_661, %bitcast3A_666 : vector<32xbf16>
          %max3A_740 = arith.maximumf %bitcast3A_671, %bitcast3A_676 : vector<32xbf16>
          %max3A_741 = arith.maximumf %bitcast3A_681, %bitcast3A_686 : vector<32xbf16>
          %max3A_742 = arith.maximumf %bitcast3A_691, %bitcast3A_696 : vector<32xbf16>
          %max3A_743 = arith.maximumf %bitcast3A_701, %bitcast3A_706 : vector<32xbf16>
          %max3A_744 = arith.maximumf %bitcast3A_711, %bitcast3A_716 : vector<32xbf16>
          %max3A_745 = arith.maximumf %bitcast3A_721, %bitcast3A_726 : vector<32xbf16>
          %max3A_746 = arith.maximumf %bitcast3A_731, %bitcast3A_736 : vector<32xbf16>
          %max3A_747 = arith.maximumf %max3A_737, %max3A_738 : vector<32xbf16>
          %max3A_748 = arith.maximumf %max3A_739, %max3A_740 : vector<32xbf16>
          %max3A_749 = arith.maximumf %max3A_741, %max3A_742 : vector<32xbf16>
          %max3A_750 = arith.maximumf %max3A_743, %max3A_744 : vector<32xbf16>
          %max3A_751 = arith.maximumf %max3A_745, %max3A_746 : vector<32xbf16>
          %max3A_752 = arith.maximumf %max3A_747, %max3A_748 : vector<32xbf16>
          %max3A_753 = arith.maximumf %max3A_749, %max3A_750 : vector<32xbf16>
          %max3A_754 = arith.maximumf %max3A_752, %max3A_753 : vector<32xbf16>
          %max3A_755 = arith.maximumf %max3A_754, %max3A_751 : vector<32xbf16>
          %bitcast3A_756 = vector.bitcast %max3A_755 : vector<32xbf16> to vector<16xi32>
          %shift_left3A_757 = arith.constant 16 : i32
          %shift_left3A_758 = vector.broadcast %shift_left3A_757 : i32 to vector<16xi32>
          %shift_left3A_759 = arith.shli %bitcast3A_756, %shift_left3A_758 : vector<16xi32>
          %bitcast3A_760 = vector.bitcast %shift_left3A_759 : vector<16xi32> to vector<16xf32>
          %and3A_761 = vector.broadcast %scan3A : i32 to vector<16xi32>
          %and3A_762 = arith.andi %bitcast3A_756, %and3A_761 : vector<16xi32>
          %bitcast3A_763 = vector.bitcast %and3A_762 : vector<16xi32> to vector<16xf32>
          tpu.vector_store_idx %arg8[%add3A_636, %shift_left3A_8], %bitcast3A_760 : memref<16x17xf32, #tpu.memory_space<vmem>>[vector<16xi32>, vector<16xi32>], vector<16xf32>,
          tpu.vector_store_idx %arg8[%add3A_636, %add3A_11], %bitcast3A_763 : memref<16x17xf32, #tpu.memory_space<vmem>>[vector<16xi32>, vector<16xi32>], vector<16xf32>,
          %add3A_764 = arith.constant 8 : i32
          %add3A_765 = vector.broadcast %add3A_764 : i32 to vector<16xi32>
          %add3A_766 = arith.addi %select_n3A, %add3A_765 : vector<16xi32>
          %reshape3A_767 = vector.shape_cast %add3A_766 : vector<16xi32> to vector<16x1xi32>
          %gather3A_768 = vector.shape_cast %reshape3A_767 : vector<16x1xi32> to vector<16xi32>
          %gather3A_769 = tpu.dynamic_gather %get3A_95[%gather3A_768] in [0] : vector<16xi32>, vector<16xi32> -> vector<16xi32>
          %gather3A_770 = tpu.vector_load_idx %arg5[%gather3A_769, %add3A_12] : memref<1000x16xi32, #tpu.memory_space<vmem>>[vector<16xi32>, vector<16xi32>], vector<16xi32>,
          %bitcast3A_771 = vector.bitcast %gather3A_770 : vector<16xi32> to vector<32xbf16>
          %reshape3A_772 = vector.shape_cast %add3A_766 : vector<16xi32> to vector<16x1xi32>
          %gather3A_773 = vector.shape_cast %reshape3A_772 : vector<16x1xi32> to vector<16xi32>
          %gather3A_774 = tpu.dynamic_gather %get3A_103[%gather3A_773] in [0] : vector<16xi32>, vector<16xi32> -> vector<16xi32>
          %gather3A_775 = tpu.vector_load_idx %arg5[%gather3A_774, %add3A_12] : memref<1000x16xi32, #tpu.memory_space<vmem>>[vector<16xi32>, vector<16xi32>], vector<16xi32>,
          %bitcast3A_776 = vector.bitcast %gather3A_775 : vector<16xi32> to vector<32xbf16>
          %reshape3A_777 = vector.shape_cast %add3A_766 : vector<16xi32> to vector<16x1xi32>
          %gather3A_778 = vector.shape_cast %reshape3A_777 : vector<16x1xi32> to vector<16xi32>
          %gather3A_779 = tpu.dynamic_gather %get3A_111[%gather3A_778] in [0] : vector<16xi32>, vector<16xi32> -> vector<16xi32>
          %gather3A_780 = tpu.vector_load_idx %arg5[%gather3A_779, %add3A_12] : memref<1000x16xi32, #tpu.memory_space<vmem>>[vector<16xi32>, vector<16xi32>], vector<16xi32>,
          %bitcast3A_781 = vector.bitcast %gather3A_780 : vector<16xi32> to vector<32xbf16>
          %reshape3A_782 = vector.shape_cast %add3A_766 : vector<16xi32> to vector<16x1xi32>
          %gather3A_783 = vector.shape_cast %reshape3A_782 : vector<16x1xi32> to vector<16xi32>
          %gather3A_784 = tpu.dynamic_gather %get3A_119[%gather3A_783] in [0] : vector<16xi32>, vector<16xi32> -> vector<16xi32>
          %gather3A_785 = tpu.vector_load_idx %arg5[%gather3A_784, %add3A_12] : memref<1000x16xi32, #tpu.memory_space<vmem>>[vector<16xi32>, vector<16xi32>], vector<16xi32>,
          %bitcast3A_786 = vector.bitcast %gather3A_785 : vector<16xi32> to vector<32xbf16>
          %reshape3A_787 = vector.shape_cast %add3A_766 : vector<16xi32> to vector<16x1xi32>
          %gather3A_788 = vector.shape_cast %reshape3A_787 : vector<16x1xi32> to vector<16xi32>
          %gather3A_789 = tpu.dynamic_gather %get3A_127[%gather3A_788] in [0] : vector<16xi32>, vector<16xi32> -> vector<16xi32>
          %gather3A_790 = tpu.vector_load_idx %arg5[%gather3A_789, %add3A_12] : memref<1000x16xi32, #tpu.memory_space<vmem>>[vector<16xi32>, vector<16xi32>], vector<16xi32>,
          %bitcast3A_791 = vector.bitcast %gather3A_790 : vector<16xi32> to vector<32xbf16>
          %reshape3A_792 = vector.shape_cast %add3A_766 : vector<16xi32> to vector<16x1xi32>
          %gather3A_793 = vector.shape_cast %reshape3A_792 : vector<16x1xi32> to vector<16xi32>
          %gather3A_794 = tpu.dynamic_gather %get3A_135[%gather3A_793] in [0] : vector<16xi32>, vector<16xi32> -> vector<16xi32>
          %gather3A_795 = tpu.vector_load_idx %arg5[%gather3A_794, %add3A_12] : memref<1000x16xi32, #tpu.memory_space<vmem>>[vector<16xi32>, vector<16xi32>], vector<16xi32>,
          %bitcast3A_796 = vector.bitcast %gather3A_795 : vector<16xi32> to vector<32xbf16>
          %reshape3A_797 = vector.shape_cast %add3A_766 : vector<16xi32> to vector<16x1xi32>
          %gather3A_798 = vector.shape_cast %reshape3A_797 : vector<16x1xi32> to vector<16xi32>
          %gather3A_799 = tpu.dynamic_gather %get3A_143[%gather3A_798] in [0] : vector<16xi32>, vector<16xi32> -> vector<16xi32>
          %gather3A_800 = tpu.vector_load_idx %arg5[%gather3A_799, %add3A_12] : memref<1000x16xi32, #tpu.memory_space<vmem>>[vector<16xi32>, vector<16xi32>], vector<16xi32>,
          %bitcast3A_801 = vector.bitcast %gather3A_800 : vector<16xi32> to vector<32xbf16>
          %reshape3A_802 = vector.shape_cast %add3A_766 : vector<16xi32> to vector<16x1xi32>
          %gather3A_803 = vector.shape_cast %reshape3A_802 : vector<16x1xi32> to vector<16xi32>
          %gather3A_804 = tpu.dynamic_gather %get3A_151[%gather3A_803] in [0] : vector<16xi32>, vector<16xi32> -> vector<16xi32>
          %gather3A_805 = tpu.vector_load_idx %arg5[%gather3A_804, %add3A_12] : memref<1000x16xi32, #tpu.memory_space<vmem>>[vector<16xi32>, vector<16xi32>], vector<16xi32>,
          %bitcast3A_806 = vector.bitcast %gather3A_805 : vector<16xi32> to vector<32xbf16>
          %reshape3A_807 = vector.shape_cast %add3A_766 : vector<16xi32> to vector<16x1xi32>
          %gather3A_808 = vector.shape_cast %reshape3A_807 : vector<16x1xi32> to vector<16xi32>
          %gather3A_809 = tpu.dynamic_gather %get3A_159[%gather3A_808] in [0] : vector<16xi32>, vector<16xi32> -> vector<16xi32>
          %gather3A_810 = tpu.vector_load_idx %arg5[%gather3A_809, %add3A_12] : memref<1000x16xi32, #tpu.memory_space<vmem>>[vector<16xi32>, vector<16xi32>], vector<16xi32>,
          %bitcast3A_811 = vector.bitcast %gather3A_810 : vector<16xi32> to vector<32xbf16>
          %reshape3A_812 = vector.shape_cast %add3A_766 : vector<16xi32> to vector<16x1xi32>
          %gather3A_813 = vector.shape_cast %reshape3A_812 : vector<16x1xi32> to vector<16xi32>
          %gather3A_814 = tpu.dynamic_gather %get3A_167[%gather3A_813] in [0] : vector<16xi32>, vector<16xi32> -> vector<16xi32>
          %gather3A_815 = tpu.vector_load_idx %arg5[%gather3A_814, %add3A_12] : memref<1000x16xi32, #tpu.memory_space<vmem>>[vector<16xi32>, vector<16xi32>], vector<16xi32>,
          %bitcast3A_816 = vector.bitcast %gather3A_815 : vector<16xi32> to vector<32xbf16>
          %reshape3A_817 = vector.shape_cast %add3A_766 : vector<16xi32> to vector<16x1xi32>
          %gather3A_818 = vector.shape_cast %reshape3A_817 : vector<16x1xi32> to vector<16xi32>
          %gather3A_819 = tpu.dynamic_gather %get3A_175[%gather3A_818] in [0] : vector<16xi32>, vector<16xi32> -> vector<16xi32>
          %gather3A_820 = tpu.vector_load_idx %arg5[%gather3A_819, %add3A_12] : memref<1000x16xi32, #tpu.memory_space<vmem>>[vector<16xi32>, vector<16xi32>], vector<16xi32>,
          %bitcast3A_821 = vector.bitcast %gather3A_820 : vector<16xi32> to vector<32xbf16>
          %reshape3A_822 = vector.shape_cast %add3A_766 : vector<16xi32> to vector<16x1xi32>
          %gather3A_823 = vector.shape_cast %reshape3A_822 : vector<16x1xi32> to vector<16xi32>
          %gather3A_824 = tpu.dynamic_gather %get3A_183[%gather3A_823] in [0] : vector<16xi32>, vector<16xi32> -> vector<16xi32>
          %gather3A_825 = tpu.vector_load_idx %arg5[%gather3A_824, %add3A_12] : memref<1000x16xi32, #tpu.memory_space<vmem>>[vector<16xi32>, vector<16xi32>], vector<16xi32>,
          %bitcast3A_826 = vector.bitcast %gather3A_825 : vector<16xi32> to vector<32xbf16>
          %reshape3A_827 = vector.shape_cast %add3A_766 : vector<16xi32> to vector<16x1xi32>
          %gather3A_828 = vector.shape_cast %reshape3A_827 : vector<16x1xi32> to vector<16xi32>
          %gather3A_829 = tpu.dynamic_gather %get3A_191[%gather3A_828] in [0] : vector<16xi32>, vector<16xi32> -> vector<16xi32>
          %gather3A_830 = tpu.vector_load_idx %arg5[%gather3A_829, %add3A_12] : memref<1000x16xi32, #tpu.memory_space<vmem>>[vector<16xi32>, vector<16xi32>], vector<16xi32>,
          %bitcast3A_831 = vector.bitcast %gather3A_830 : vector<16xi32> to vector<32xbf16>
          %reshape3A_832 = vector.shape_cast %add3A_766 : vector<16xi32> to vector<16x1xi32>
          %gather3A_833 = vector.shape_cast %reshape3A_832 : vector<16x1xi32> to vector<16xi32>
          %gather3A_834 = tpu.dynamic_gather %get3A_199[%gather3A_833] in [0] : vector<16xi32>, vector<16xi32> -> vector<16xi32>
          %gather3A_835 = tpu.vector_load_idx %arg5[%gather3A_834, %add3A_12] : memref<1000x16xi32, #tpu.memory_space<vmem>>[vector<16xi32>, vector<16xi32>], vector<16xi32>,
          %bitcast3A_836 = vector.bitcast %gather3A_835 : vector<16xi32> to vector<32xbf16>
          %reshape3A_837 = vector.shape_cast %add3A_766 : vector<16xi32> to vector<16x1xi32>
          %gather3A_838 = vector.shape_cast %reshape3A_837 : vector<16x1xi32> to vector<16xi32>
          %gather3A_839 = tpu.dynamic_gather %get3A_207[%gather3A_838] in [0] : vector<16xi32>, vector<16xi32> -> vector<16xi32>
          %gather3A_840 = tpu.vector_load_idx %arg5[%gather3A_839, %add3A_12] : memref<1000x16xi32, #tpu.memory_space<vmem>>[vector<16xi32>, vector<16xi32>], vector<16xi32>,
          %bitcast3A_841 = vector.bitcast %gather3A_840 : vector<16xi32> to vector<32xbf16>
          %reshape3A_842 = vector.shape_cast %add3A_766 : vector<16xi32> to vector<16x1xi32>
          %gather3A_843 = vector.shape_cast %reshape3A_842 : vector<16x1xi32> to vector<16xi32>
          %gather3A_844 = tpu.dynamic_gather %get3A_215[%gather3A_843] in [0] : vector<16xi32>, vector<16xi32> -> vector<16xi32>
          %gather3A_845 = tpu.vector_load_idx %arg5[%gather3A_844, %add3A_12] : memref<1000x16xi32, #tpu.memory_space<vmem>>[vector<16xi32>, vector<16xi32>], vector<16xi32>,
          %bitcast3A_846 = vector.bitcast %gather3A_845 : vector<16xi32> to vector<32xbf16>
          %reshape3A_847 = vector.shape_cast %add3A_766 : vector<16xi32> to vector<16x1xi32>
          %gather3A_848 = vector.shape_cast %reshape3A_847 : vector<16x1xi32> to vector<16xi32>
          %gather3A_849 = tpu.dynamic_gather %get3A_223[%gather3A_848] in [0] : vector<16xi32>, vector<16xi32> -> vector<16xi32>
          %gather3A_850 = tpu.vector_load_idx %arg5[%gather3A_849, %add3A_12] : memref<1000x16xi32, #tpu.memory_space<vmem>>[vector<16xi32>, vector<16xi32>], vector<16xi32>,
          %bitcast3A_851 = vector.bitcast %gather3A_850 : vector<16xi32> to vector<32xbf16>
          %reshape3A_852 = vector.shape_cast %add3A_766 : vector<16xi32> to vector<16x1xi32>
          %gather3A_853 = vector.shape_cast %reshape3A_852 : vector<16x1xi32> to vector<16xi32>
          %gather3A_854 = tpu.dynamic_gather %get3A_231[%gather3A_853] in [0] : vector<16xi32>, vector<16xi32> -> vector<16xi32>
          %gather3A_855 = tpu.vector_load_idx %arg5[%gather3A_854, %add3A_12] : memref<1000x16xi32, #tpu.memory_space<vmem>>[vector<16xi32>, vector<16xi32>], vector<16xi32>,
          %bitcast3A_856 = vector.bitcast %gather3A_855 : vector<16xi32> to vector<32xbf16>
          %reshape3A_857 = vector.shape_cast %add3A_766 : vector<16xi32> to vector<16x1xi32>
          %gather3A_858 = vector.shape_cast %reshape3A_857 : vector<16x1xi32> to vector<16xi32>
          %gather3A_859 = tpu.dynamic_gather %get3A_239[%gather3A_858] in [0] : vector<16xi32>, vector<16xi32> -> vector<16xi32>
          %gather3A_860 = tpu.vector_load_idx %arg5[%gather3A_859, %add3A_12] : memref<1000x16xi32, #tpu.memory_space<vmem>>[vector<16xi32>, vector<16xi32>], vector<16xi32>,
          %bitcast3A_861 = vector.bitcast %gather3A_860 : vector<16xi32> to vector<32xbf16>
          %reshape3A_862 = vector.shape_cast %add3A_766 : vector<16xi32> to vector<16x1xi32>
          %gather3A_863 = vector.shape_cast %reshape3A_862 : vector<16x1xi32> to vector<16xi32>
          %gather3A_864 = tpu.dynamic_gather %get3A_247[%gather3A_863] in [0] : vector<16xi32>, vector<16xi32> -> vector<16xi32>
          %gather3A_865 = tpu.vector_load_idx %arg5[%gather3A_864, %add3A_12] : memref<1000x16xi32, #tpu.memory_space<vmem>>[vector<16xi32>, vector<16xi32>], vector<16xi32>,
          %bitcast3A_866 = vector.bitcast %gather3A_865 : vector<16xi32> to vector<32xbf16>
          %max3A_867 = arith.maximumf %bitcast3A_771, %bitcast3A_776 : vector<32xbf16>
          %max3A_868 = arith.maximumf %bitcast3A_781, %bitcast3A_786 : vector<32xbf16>
          %max3A_869 = arith.maximumf %bitcast3A_791, %bitcast3A_796 : vector<32xbf16>
          %max3A_870 = arith.maximumf %bitcast3A_801, %bitcast3A_806 : vector<32xbf16>
          %max3A_871 = arith.maximumf %bitcast3A_811, %bitcast3A_816 : vector<32xbf16>
          %max3A_872 = arith.maximumf %bitcast3A_821, %bitcast3A_826 : vector<32xbf16>
          %max3A_873 = arith.maximumf %bitcast3A_831, %bitcast3A_836 : vector<32xbf16>
          %max3A_874 = arith.maximumf %bitcast3A_841, %bitcast3A_846 : vector<32xbf16>
          %max3A_875 = arith.maximumf %bitcast3A_851, %bitcast3A_856 : vector<32xbf16>
          %max3A_876 = arith.maximumf %bitcast3A_861, %bitcast3A_866 : vector<32xbf16>
          %max3A_877 = arith.maximumf %max3A_867, %max3A_868 : vector<32xbf16>
          %max3A_878 = arith.maximumf %max3A_869, %max3A_870 : vector<32xbf16>
          %max3A_879 = arith.maximumf %max3A_871, %max3A_872 : vector<32xbf16>
          %max3A_880 = arith.maximumf %max3A_873, %max3A_874 : vector<32xbf16>
          %max3A_881 = arith.maximumf %max3A_875, %max3A_876 : vector<32xbf16>
          %max3A_882 = arith.maximumf %max3A_877, %max3A_878 : vector<32xbf16>
          %max3A_883 = arith.maximumf %max3A_879, %max3A_880 : vector<32xbf16>
          %max3A_884 = arith.maximumf %max3A_882, %max3A_883 : vector<32xbf16>
          %max3A_885 = arith.maximumf %max3A_884, %max3A_881 : vector<32xbf16>
          %bitcast3A_886 = vector.bitcast %max3A_885 : vector<32xbf16> to vector<16xi32>
          %shift_left3A_887 = arith.constant 16 : i32
          %shift_left3A_888 = vector.broadcast %shift_left3A_887 : i32 to vector<16xi32>
          %shift_left3A_889 = arith.shli %bitcast3A_886, %shift_left3A_888 : vector<16xi32>
          %bitcast3A_890 = vector.bitcast %shift_left3A_889 : vector<16xi32> to vector<16xf32>
          %and3A_891 = vector.broadcast %scan3A : i32 to vector<16xi32>
          %and3A_892 = arith.andi %bitcast3A_886, %and3A_891 : vector<16xi32>
          %bitcast3A_893 = vector.bitcast %and3A_892 : vector<16xi32> to vector<16xf32>
          tpu.vector_store_idx %arg8[%add3A_766, %shift_left3A_8], %bitcast3A_890 : memref<16x17xf32, #tpu.memory_space<vmem>>[vector<16xi32>, vector<16xi32>], vector<16xf32>,
          tpu.vector_store_idx %arg8[%add3A_766, %add3A_11], %bitcast3A_893 : memref<16x17xf32, #tpu.memory_space<vmem>>[vector<16xi32>, vector<16xi32>], vector<16xf32>,
          %add3A_894 = arith.constant 10 : i32
          %add3A_895 = vector.broadcast %add3A_894 : i32 to vector<16xi32>
          %add3A_896 = arith.addi %select_n3A, %add3A_895 : vector<16xi32>
          %reshape3A_897 = vector.shape_cast %add3A_896 : vector<16xi32> to vector<16x1xi32>
          %gather3A_898 = vector.shape_cast %reshape3A_897 : vector<16x1xi32> to vector<16xi32>
          %gather3A_899 = tpu.dynamic_gather %get3A_95[%gather3A_898] in [0] : vector<16xi32>, vector<16xi32> -> vector<16xi32>
          %gather3A_900 = tpu.vector_load_idx %arg5[%gather3A_899, %add3A_12] : memref<1000x16xi32, #tpu.memory_space<vmem>>[vector<16xi32>, vector<16xi32>], vector<16xi32>,
          %bitcast3A_901 = vector.bitcast %gather3A_900 : vector<16xi32> to vector<32xbf16>
          %reshape3A_902 = vector.shape_cast %add3A_896 : vector<16xi32> to vector<16x1xi32>
          %gather3A_903 = vector.shape_cast %reshape3A_902 : vector<16x1xi32> to vector<16xi32>
          %gather3A_904 = tpu.dynamic_gather %get3A_103[%gather3A_903] in [0] : vector<16xi32>, vector<16xi32> -> vector<16xi32>
          %gather3A_905 = tpu.vector_load_idx %arg5[%gather3A_904, %add3A_12] : memref<1000x16xi32, #tpu.memory_space<vmem>>[vector<16xi32>, vector<16xi32>], vector<16xi32>,
          %bitcast3A_906 = vector.bitcast %gather3A_905 : vector<16xi32> to vector<32xbf16>
          %reshape3A_907 = vector.shape_cast %add3A_896 : vector<16xi32> to vector<16x1xi32>
          %gather3A_908 = vector.shape_cast %reshape3A_907 : vector<16x1xi32> to vector<16xi32>
          %gather3A_909 = tpu.dynamic_gather %get3A_111[%gather3A_908] in [0] : vector<16xi32>, vector<16xi32> -> vector<16xi32>
          %gather3A_910 = tpu.vector_load_idx %arg5[%gather3A_909, %add3A_12] : memref<1000x16xi32, #tpu.memory_space<vmem>>[vector<16xi32>, vector<16xi32>], vector<16xi32>,
          %bitcast3A_911 = vector.bitcast %gather3A_910 : vector<16xi32> to vector<32xbf16>
          %reshape3A_912 = vector.shape_cast %add3A_896 : vector<16xi32> to vector<16x1xi32>
          %gather3A_913 = vector.shape_cast %reshape3A_912 : vector<16x1xi32> to vector<16xi32>
          %gather3A_914 = tpu.dynamic_gather %get3A_119[%gather3A_913] in [0] : vector<16xi32>, vector<16xi32> -> vector<16xi32>
          %gather3A_915 = tpu.vector_load_idx %arg5[%gather3A_914, %add3A_12] : memref<1000x16xi32, #tpu.memory_space<vmem>>[vector<16xi32>, vector<16xi32>], vector<16xi32>,
          %bitcast3A_916 = vector.bitcast %gather3A_915 : vector<16xi32> to vector<32xbf16>
          %reshape3A_917 = vector.shape_cast %add3A_896 : vector<16xi32> to vector<16x1xi32>
          %gather3A_918 = vector.shape_cast %reshape3A_917 : vector<16x1xi32> to vector<16xi32>
          %gather3A_919 = tpu.dynamic_gather %get3A_127[%gather3A_918] in [0] : vector<16xi32>, vector<16xi32> -> vector<16xi32>
          %gather3A_920 = tpu.vector_load_idx %arg5[%gather3A_919, %add3A_12] : memref<1000x16xi32, #tpu.memory_space<vmem>>[vector<16xi32>, vector<16xi32>], vector<16xi32>,
          %bitcast3A_921 = vector.bitcast %gather3A_920 : vector<16xi32> to vector<32xbf16>
          %reshape3A_922 = vector.shape_cast %add3A_896 : vector<16xi32> to vector<16x1xi32>
          %gather3A_923 = vector.shape_cast %reshape3A_922 : vector<16x1xi32> to vector<16xi32>
          %gather3A_924 = tpu.dynamic_gather %get3A_135[%gather3A_923] in [0] : vector<16xi32>, vector<16xi32> -> vector<16xi32>
          %gather3A_925 = tpu.vector_load_idx %arg5[%gather3A_924, %add3A_12] : memref<1000x16xi32, #tpu.memory_space<vmem>>[vector<16xi32>, vector<16xi32>], vector<16xi32>,
          %bitcast3A_926 = vector.bitcast %gather3A_925 : vector<16xi32> to vector<32xbf16>
          %reshape3A_927 = vector.shape_cast %add3A_896 : vector<16xi32> to vector<16x1xi32>
          %gather3A_928 = vector.shape_cast %reshape3A_927 : vector<16x1xi32> to vector<16xi32>
          %gather3A_929 = tpu.dynamic_gather %get3A_143[%gather3A_928] in [0] : vector<16xi32>, vector<16xi32> -> vector<16xi32>
          %gather3A_930 = tpu.vector_load_idx %arg5[%gather3A_929, %add3A_12] : memref<1000x16xi32, #tpu.memory_space<vmem>>[vector<16xi32>, vector<16xi32>], vector<16xi32>,
          %bitcast3A_931 = vector.bitcast %gather3A_930 : vector<16xi32> to vector<32xbf16>
          %reshape3A_932 = vector.shape_cast %add3A_896 : vector<16xi32> to vector<16x1xi32>
          %gather3A_933 = vector.shape_cast %reshape3A_932 : vector<16x1xi32> to vector<16xi32>
          %gather3A_934 = tpu.dynamic_gather %get3A_151[%gather3A_933] in [0] : vector<16xi32>, vector<16xi32> -> vector<16xi32>
          %gather3A_935 = tpu.vector_load_idx %arg5[%gather3A_934, %add3A_12] : memref<1000x16xi32, #tpu.memory_space<vmem>>[vector<16xi32>, vector<16xi32>], vector<16xi32>,
          %bitcast3A_936 = vector.bitcast %gather3A_935 : vector<16xi32> to vector<32xbf16>
          %reshape3A_937 = vector.shape_cast %add3A_896 : vector<16xi32> to vector<16x1xi32>
          %gather3A_938 = vector.shape_cast %reshape3A_937 : vector<16x1xi32> to vector<16xi32>
          %gather3A_939 = tpu.dynamic_gather %get3A_159[%gather3A_938] in [0] : vector<16xi32>, vector<16xi32> -> vector<16xi32>
          %gather3A_940 = tpu.vector_load_idx %arg5[%gather3A_939, %add3A_12] : memref<1000x16xi32, #tpu.memory_space<vmem>>[vector<16xi32>, vector<16xi32>], vector<16xi32>,
          %bitcast3A_941 = vector.bitcast %gather3A_940 : vector<16xi32> to vector<32xbf16>
          %reshape3A_942 = vector.shape_cast %add3A_896 : vector<16xi32> to vector<16x1xi32>
          %gather3A_943 = vector.shape_cast %reshape3A_942 : vector<16x1xi32> to vector<16xi32>
          %gather3A_944 = tpu.dynamic_gather %get3A_167[%gather3A_943] in [0] : vector<16xi32>, vector<16xi32> -> vector<16xi32>
          %gather3A_945 = tpu.vector_load_idx %arg5[%gather3A_944, %add3A_12] : memref<1000x16xi32, #tpu.memory_space<vmem>>[vector<16xi32>, vector<16xi32>], vector<16xi32>,
          %bitcast3A_946 = vector.bitcast %gather3A_945 : vector<16xi32> to vector<32xbf16>
          %reshape3A_947 = vector.shape_cast %add3A_896 : vector<16xi32> to vector<16x1xi32>
          %gather3A_948 = vector.shape_cast %reshape3A_947 : vector<16x1xi32> to vector<16xi32>
          %gather3A_949 = tpu.dynamic_gather %get3A_175[%gather3A_948] in [0] : vector<16xi32>, vector<16xi32> -> vector<16xi32>
          %gather3A_950 = tpu.vector_load_idx %arg5[%gather3A_949, %add3A_12] : memref<1000x16xi32, #tpu.memory_space<vmem>>[vector<16xi32>, vector<16xi32>], vector<16xi32>,
          %bitcast3A_951 = vector.bitcast %gather3A_950 : vector<16xi32> to vector<32xbf16>
          %reshape3A_952 = vector.shape_cast %add3A_896 : vector<16xi32> to vector<16x1xi32>
          %gather3A_953 = vector.shape_cast %reshape3A_952 : vector<16x1xi32> to vector<16xi32>
          %gather3A_954 = tpu.dynamic_gather %get3A_183[%gather3A_953] in [0] : vector<16xi32>, vector<16xi32> -> vector<16xi32>
          %gather3A_955 = tpu.vector_load_idx %arg5[%gather3A_954, %add3A_12] : memref<1000x16xi32, #tpu.memory_space<vmem>>[vector<16xi32>, vector<16xi32>], vector<16xi32>,
          %bitcast3A_956 = vector.bitcast %gather3A_955 : vector<16xi32> to vector<32xbf16>
          %reshape3A_957 = vector.shape_cast %add3A_896 : vector<16xi32> to vector<16x1xi32>
          %gather3A_958 = vector.shape_cast %reshape3A_957 : vector<16x1xi32> to vector<16xi32>
          %gather3A_959 = tpu.dynamic_gather %get3A_191[%gather3A_958] in [0] : vector<16xi32>, vector<16xi32> -> vector<16xi32>
          %gather3A_960 = tpu.vector_load_idx %arg5[%gather3A_959, %add3A_12] : memref<1000x16xi32, #tpu.memory_space<vmem>>[vector<16xi32>, vector<16xi32>], vector<16xi32>,
          %bitcast3A_961 = vector.bitcast %gather3A_960 : vector<16xi32> to vector<32xbf16>
          %reshape3A_962 = vector.shape_cast %add3A_896 : vector<16xi32> to vector<16x1xi32>
          %gather3A_963 = vector.shape_cast %reshape3A_962 : vector<16x1xi32> to vector<16xi32>
          %gather3A_964 = tpu.dynamic_gather %get3A_199[%gather3A_963] in [0] : vector<16xi32>, vector<16xi32> -> vector<16xi32>
          %gather3A_965 = tpu.vector_load_idx %arg5[%gather3A_964, %add3A_12] : memref<1000x16xi32, #tpu.memory_space<vmem>>[vector<16xi32>, vector<16xi32>], vector<16xi32>,
          %bitcast3A_966 = vector.bitcast %gather3A_965 : vector<16xi32> to vector<32xbf16>
          %reshape3A_967 = vector.shape_cast %add3A_896 : vector<16xi32> to vector<16x1xi32>
          %gather3A_968 = vector.shape_cast %reshape3A_967 : vector<16x1xi32> to vector<16xi32>
          %gather3A_969 = tpu.dynamic_gather %get3A_207[%gather3A_968] in [0] : vector<16xi32>, vector<16xi32> -> vector<16xi32>
          %gather3A_970 = tpu.vector_load_idx %arg5[%gather3A_969, %add3A_12] : memref<1000x16xi32, #tpu.memory_space<vmem>>[vector<16xi32>, vector<16xi32>], vector<16xi32>,
          %bitcast3A_971 = vector.bitcast %gather3A_970 : vector<16xi32> to vector<32xbf16>
          %reshape3A_972 = vector.shape_cast %add3A_896 : vector<16xi32> to vector<16x1xi32>
          %gather3A_973 = vector.shape_cast %reshape3A_972 : vector<16x1xi32> to vector<16xi32>
          %gather3A_974 = tpu.dynamic_gather %get3A_215[%gather3A_973] in [0] : vector<16xi32>, vector<16xi32> -> vector<16xi32>
          %gather3A_975 = tpu.vector_load_idx %arg5[%gather3A_974, %add3A_12] : memref<1000x16xi32, #tpu.memory_space<vmem>>[vector<16xi32>, vector<16xi32>], vector<16xi32>,
          %bitcast3A_976 = vector.bitcast %gather3A_975 : vector<16xi32> to vector<32xbf16>
          %reshape3A_977 = vector.shape_cast %add3A_896 : vector<16xi32> to vector<16x1xi32>
          %gather3A_978 = vector.shape_cast %reshape3A_977 : vector<16x1xi32> to vector<16xi32>
          %gather3A_979 = tpu.dynamic_gather %get3A_223[%gather3A_978] in [0] : vector<16xi32>, vector<16xi32> -> vector<16xi32>
          %gather3A_980 = tpu.vector_load_idx %arg5[%gather3A_979, %add3A_12] : memref<1000x16xi32, #tpu.memory_space<vmem>>[vector<16xi32>, vector<16xi32>], vector<16xi32>,
          %bitcast3A_981 = vector.bitcast %gather3A_980 : vector<16xi32> to vector<32xbf16>
          %reshape3A_982 = vector.shape_cast %add3A_896 : vector<16xi32> to vector<16x1xi32>
          %gather3A_983 = vector.shape_cast %reshape3A_982 : vector<16x1xi32> to vector<16xi32>
          %gather3A_984 = tpu.dynamic_gather %get3A_231[%gather3A_983] in [0] : vector<16xi32>, vector<16xi32> -> vector<16xi32>
          %gather3A_985 = tpu.vector_load_idx %arg5[%gather3A_984, %add3A_12] : memref<1000x16xi32, #tpu.memory_space<vmem>>[vector<16xi32>, vector<16xi32>], vector<16xi32>,
          %bitcast3A_986 = vector.bitcast %gather3A_985 : vector<16xi32> to vector<32xbf16>
          %reshape3A_987 = vector.shape_cast %add3A_896 : vector<16xi32> to vector<16x1xi32>
          %gather3A_988 = vector.shape_cast %reshape3A_987 : vector<16x1xi32> to vector<16xi32>
          %gather3A_989 = tpu.dynamic_gather %get3A_239[%gather3A_988] in [0] : vector<16xi32>, vector<16xi32> -> vector<16xi32>
          %gather3A_990 = tpu.vector_load_idx %arg5[%gather3A_989, %add3A_12] : memref<1000x16xi32, #tpu.memory_space<vmem>>[vector<16xi32>, vector<16xi32>], vector<16xi32>,
          %bitcast3A_991 = vector.bitcast %gather3A_990 : vector<16xi32> to vector<32xbf16>
          %reshape3A_992 = vector.shape_cast %add3A_896 : vector<16xi32> to vector<16x1xi32>
          %gather3A_993 = vector.shape_cast %reshape3A_992 : vector<16x1xi32> to vector<16xi32>
          %gather3A_994 = tpu.dynamic_gather %get3A_247[%gather3A_993] in [0] : vector<16xi32>, vector<16xi32> -> vector<16xi32>
          %gather3A_995 = tpu.vector_load_idx %arg5[%gather3A_994, %add3A_12] : memref<1000x16xi32, #tpu.memory_space<vmem>>[vector<16xi32>, vector<16xi32>], vector<16xi32>,
          %bitcast3A_996 = vector.bitcast %gather3A_995 : vector<16xi32> to vector<32xbf16>
          %max3A_997 = arith.maximumf %bitcast3A_901, %bitcast3A_906 : vector<32xbf16>
          %max3A_998 = arith.maximumf %bitcast3A_911, %bitcast3A_916 : vector<32xbf16>
          %max3A_999 = arith.maximumf %bitcast3A_921, %bitcast3A_926 : vector<32xbf16>
          %max3A_1000 = arith.maximumf %bitcast3A_931, %bitcast3A_936 : vector<32xbf16>
          %max3A_1001 = arith.maximumf %bitcast3A_941, %bitcast3A_946 : vector<32xbf16>
          %max3A_1002 = arith.maximumf %bitcast3A_951, %bitcast3A_956 : vector<32xbf16>
          %max3A_1003 = arith.maximumf %bitcast3A_961, %bitcast3A_966 : vector<32xbf16>
          %max3A_1004 = arith.maximumf %bitcast3A_971, %bitcast3A_976 : vector<32xbf16>
          %max3A_1005 = arith.maximumf %bitcast3A_981, %bitcast3A_986 : vector<32xbf16>
          %max3A_1006 = arith.maximumf %bitcast3A_991, %bitcast3A_996 : vector<32xbf16>
          %max3A_1007 = arith.maximumf %max3A_997, %max3A_998 : vector<32xbf16>
          %max3A_1008 = arith.maximumf %max3A_999, %max3A_1000 : vector<32xbf16>
          %max3A_1009 = arith.maximumf %max3A_1001, %max3A_1002 : vector<32xbf16>
          %max3A_1010 = arith.maximumf %max3A_1003, %max3A_1004 : vector<32xbf16>
          %max3A_1011 = arith.maximumf %max3A_1005, %max3A_1006 : vector<32xbf16>
          %max3A_1012 = arith.maximumf %max3A_1007, %max3A_1008 : vector<32xbf16>
          %max3A_1013 = arith.maximumf %max3A_1009, %max3A_1010 : vector<32xbf16>
          %max3A_1014 = arith.maximumf %max3A_1012, %max3A_1013 : vector<32xbf16>
          %max3A_1015 = arith.maximumf %max3A_1014, %max3A_1011 : vector<32xbf16>
          %bitcast3A_1016 = vector.bitcast %max3A_1015 : vector<32xbf16> to vector<16xi32>
          %shift_left3A_1017 = arith.constant 16 : i32
          %shift_left3A_1018 = vector.broadcast %shift_left3A_1017 : i32 to vector<16xi32>
          %shift_left3A_1019 = arith.shli %bitcast3A_1016, %shift_left3A_1018 : vector<16xi32>
          %bitcast3A_1020 = vector.bitcast %shift_left3A_1019 : vector<16xi32> to vector<16xf32>
          %and3A_1021 = vector.broadcast %scan3A : i32 to vector<16xi32>
          %and3A_1022 = arith.andi %bitcast3A_1016, %and3A_1021 : vector<16xi32>
          %bitcast3A_1023 = vector.bitcast %and3A_1022 : vector<16xi32> to vector<16xf32>
          tpu.vector_store_idx %arg8[%add3A_896, %shift_left3A_8], %bitcast3A_1020 : memref<16x17xf32, #tpu.memory_space<vmem>>[vector<16xi32>, vector<16xi32>], vector<16xf32>,
          tpu.vector_store_idx %arg8[%add3A_896, %add3A_11], %bitcast3A_1023 : memref<16x17xf32, #tpu.memory_space<vmem>>[vector<16xi32>, vector<16xi32>], vector<16xf32>,
          %add3A_1024 = arith.constant 12 : i32
          %add3A_1025 = vector.broadcast %add3A_1024 : i32 to vector<16xi32>
          %add3A_1026 = arith.addi %select_n3A, %add3A_1025 : vector<16xi32>
          %reshape3A_1027 = vector.shape_cast %add3A_1026 : vector<16xi32> to vector<16x1xi32>
          %gather3A_1028 = vector.shape_cast %reshape3A_1027 : vector<16x1xi32> to vector<16xi32>
          %gather3A_1029 = tpu.dynamic_gather %get3A_95[%gather3A_1028] in [0] : vector<16xi32>, vector<16xi32> -> vector<16xi32>
          %gather3A_1030 = tpu.vector_load_idx %arg5[%gather3A_1029, %add3A_12] : memref<1000x16xi32, #tpu.memory_space<vmem>>[vector<16xi32>, vector<16xi32>], vector<16xi32>,
          %bitcast3A_1031 = vector.bitcast %gather3A_1030 : vector<16xi32> to vector<32xbf16>
          %reshape3A_1032 = vector.shape_cast %add3A_1026 : vector<16xi32> to vector<16x1xi32>
          %gather3A_1033 = vector.shape_cast %reshape3A_1032 : vector<16x1xi32> to vector<16xi32>
          %gather3A_1034 = tpu.dynamic_gather %get3A_103[%gather3A_1033] in [0] : vector<16xi32>, vector<16xi32> -> vector<16xi32>
          %gather3A_1035 = tpu.vector_load_idx %arg5[%gather3A_1034, %add3A_12] : memref<1000x16xi32, #tpu.memory_space<vmem>>[vector<16xi32>, vector<16xi32>], vector<16xi32>,
          %bitcast3A_1036 = vector.bitcast %gather3A_1035 : vector<16xi32> to vector<32xbf16>
          %reshape3A_1037 = vector.shape_cast %add3A_1026 : vector<16xi32> to vector<16x1xi32>
          %gather3A_1038 = vector.shape_cast %reshape3A_1037 : vector<16x1xi32> to vector<16xi32>
          %gather3A_1039 = tpu.dynamic_gather %get3A_111[%gather3A_1038] in [0] : vector<16xi32>, vector<16xi32> -> vector<16xi32>
          %gather3A_1040 = tpu.vector_load_idx %arg5[%gather3A_1039, %add3A_12] : memref<1000x16xi32, #tpu.memory_space<vmem>>[vector<16xi32>, vector<16xi32>], vector<16xi32>,
          %bitcast3A_1041 = vector.bitcast %gather3A_1040 : vector<16xi32> to vector<32xbf16>
          %reshape3A_1042 = vector.shape_cast %add3A_1026 : vector<16xi32> to vector<16x1xi32>
          %gather3A_1043 = vector.shape_cast %reshape3A_1042 : vector<16x1xi32> to vector<16xi32>
          %gather3A_1044 = tpu.dynamic_gather %get3A_119[%gather3A_1043] in [0] : vector<16xi32>, vector<16xi32> -> vector<16xi32>
          %gather3A_1045 = tpu.vector_load_idx %arg5[%gather3A_1044, %add3A_12] : memref<1000x16xi32, #tpu.memory_space<vmem>>[vector<16xi32>, vector<16xi32>], vector<16xi32>,
          %bitcast3A_1046 = vector.bitcast %gather3A_1045 : vector<16xi32> to vector<32xbf16>
          %reshape3A_1047 = vector.shape_cast %add3A_1026 : vector<16xi32> to vector<16x1xi32>
          %gather3A_1048 = vector.shape_cast %reshape3A_1047 : vector<16x1xi32> to vector<16xi32>
          %gather3A_1049 = tpu.dynamic_gather %get3A_127[%gather3A_1048] in [0] : vector<16xi32>, vector<16xi32> -> vector<16xi32>
          %gather3A_1050 = tpu.vector_load_idx %arg5[%gather3A_1049, %add3A_12] : memref<1000x16xi32, #tpu.memory_space<vmem>>[vector<16xi32>, vector<16xi32>], vector<16xi32>,
          %bitcast3A_1051 = vector.bitcast %gather3A_1050 : vector<16xi32> to vector<32xbf16>
          %reshape3A_1052 = vector.shape_cast %add3A_1026 : vector<16xi32> to vector<16x1xi32>
          %gather3A_1053 = vector.shape_cast %reshape3A_1052 : vector<16x1xi32> to vector<16xi32>
          %gather3A_1054 = tpu.dynamic_gather %get3A_135[%gather3A_1053] in [0] : vector<16xi32>, vector<16xi32> -> vector<16xi32>
          %gather3A_1055 = tpu.vector_load_idx %arg5[%gather3A_1054, %add3A_12] : memref<1000x16xi32, #tpu.memory_space<vmem>>[vector<16xi32>, vector<16xi32>], vector<16xi32>,
          %bitcast3A_1056 = vector.bitcast %gather3A_1055 : vector<16xi32> to vector<32xbf16>
          %reshape3A_1057 = vector.shape_cast %add3A_1026 : vector<16xi32> to vector<16x1xi32>
          %gather3A_1058 = vector.shape_cast %reshape3A_1057 : vector<16x1xi32> to vector<16xi32>
          %gather3A_1059 = tpu.dynamic_gather %get3A_143[%gather3A_1058] in [0] : vector<16xi32>, vector<16xi32> -> vector<16xi32>
          %gather3A_1060 = tpu.vector_load_idx %arg5[%gather3A_1059, %add3A_12] : memref<1000x16xi32, #tpu.memory_space<vmem>>[vector<16xi32>, vector<16xi32>], vector<16xi32>,
          %bitcast3A_1061 = vector.bitcast %gather3A_1060 : vector<16xi32> to vector<32xbf16>
          %reshape3A_1062 = vector.shape_cast %add3A_1026 : vector<16xi32> to vector<16x1xi32>
          %gather3A_1063 = vector.shape_cast %reshape3A_1062 : vector<16x1xi32> to vector<16xi32>
          %gather3A_1064 = tpu.dynamic_gather %get3A_151[%gather3A_1063] in [0] : vector<16xi32>, vector<16xi32> -> vector<16xi32>
          %gather3A_1065 = tpu.vector_load_idx %arg5[%gather3A_1064, %add3A_12] : memref<1000x16xi32, #tpu.memory_space<vmem>>[vector<16xi32>, vector<16xi32>], vector<16xi32>,
          %bitcast3A_1066 = vector.bitcast %gather3A_1065 : vector<16xi32> to vector<32xbf16>
          %reshape3A_1067 = vector.shape_cast %add3A_1026 : vector<16xi32> to vector<16x1xi32>
          %gather3A_1068 = vector.shape_cast %reshape3A_1067 : vector<16x1xi32> to vector<16xi32>
          %gather3A_1069 = tpu.dynamic_gather %get3A_159[%gather3A_1068] in [0] : vector<16xi32>, vector<16xi32> -> vector<16xi32>
          %gather3A_1070 = tpu.vector_load_idx %arg5[%gather3A_1069, %add3A_12] : memref<1000x16xi32, #tpu.memory_space<vmem>>[vector<16xi32>, vector<16xi32>], vector<16xi32>,
          %bitcast3A_1071 = vector.bitcast %gather3A_1070 : vector<16xi32> to vector<32xbf16>
          %reshape3A_1072 = vector.shape_cast %add3A_1026 : vector<16xi32> to vector<16x1xi32>
          %gather3A_1073 = vector.shape_cast %reshape3A_1072 : vector<16x1xi32> to vector<16xi32>
          %gather3A_1074 = tpu.dynamic_gather %get3A_167[%gather3A_1073] in [0] : vector<16xi32>, vector<16xi32> -> vector<16xi32>
          %gather3A_1075 = tpu.vector_load_idx %arg5[%gather3A_1074, %add3A_12] : memref<1000x16xi32, #tpu.memory_space<vmem>>[vector<16xi32>, vector<16xi32>], vector<16xi32>,
          %bitcast3A_1076 = vector.bitcast %gather3A_1075 : vector<16xi32> to vector<32xbf16>
          %reshape3A_1077 = vector.shape_cast %add3A_1026 : vector<16xi32> to vector<16x1xi32>
          %gather3A_1078 = vector.shape_cast %reshape3A_1077 : vector<16x1xi32> to vector<16xi32>
          %gather3A_1079 = tpu.dynamic_gather %get3A_175[%gather3A_1078] in [0] : vector<16xi32>, vector<16xi32> -> vector<16xi32>
          %gather3A_1080 = tpu.vector_load_idx %arg5[%gather3A_1079, %add3A_12] : memref<1000x16xi32, #tpu.memory_space<vmem>>[vector<16xi32>, vector<16xi32>], vector<16xi32>,
          %bitcast3A_1081 = vector.bitcast %gather3A_1080 : vector<16xi32> to vector<32xbf16>
          %reshape3A_1082 = vector.shape_cast %add3A_1026 : vector<16xi32> to vector<16x1xi32>
          %gather3A_1083 = vector.shape_cast %reshape3A_1082 : vector<16x1xi32> to vector<16xi32>
          %gather3A_1084 = tpu.dynamic_gather %get3A_183[%gather3A_1083] in [0] : vector<16xi32>, vector<16xi32> -> vector<16xi32>
          %gather3A_1085 = tpu.vector_load_idx %arg5[%gather3A_1084, %add3A_12] : memref<1000x16xi32, #tpu.memory_space<vmem>>[vector<16xi32>, vector<16xi32>], vector<16xi32>,
          %bitcast3A_1086 = vector.bitcast %gather3A_1085 : vector<16xi32> to vector<32xbf16>
          %reshape3A_1087 = vector.shape_cast %add3A_1026 : vector<16xi32> to vector<16x1xi32>
          %gather3A_1088 = vector.shape_cast %reshape3A_1087 : vector<16x1xi32> to vector<16xi32>
          %gather3A_1089 = tpu.dynamic_gather %get3A_191[%gather3A_1088] in [0] : vector<16xi32>, vector<16xi32> -> vector<16xi32>
          %gather3A_1090 = tpu.vector_load_idx %arg5[%gather3A_1089, %add3A_12] : memref<1000x16xi32, #tpu.memory_space<vmem>>[vector<16xi32>, vector<16xi32>], vector<16xi32>,
          %bitcast3A_1091 = vector.bitcast %gather3A_1090 : vector<16xi32> to vector<32xbf16>
          %reshape3A_1092 = vector.shape_cast %add3A_1026 : vector<16xi32> to vector<16x1xi32>
          %gather3A_1093 = vector.shape_cast %reshape3A_1092 : vector<16x1xi32> to vector<16xi32>
          %gather3A_1094 = tpu.dynamic_gather %get3A_199[%gather3A_1093] in [0] : vector<16xi32>, vector<16xi32> -> vector<16xi32>
          %gather3A_1095 = tpu.vector_load_idx %arg5[%gather3A_1094, %add3A_12] : memref<1000x16xi32, #tpu.memory_space<vmem>>[vector<16xi32>, vector<16xi32>], vector<16xi32>,
          %bitcast3A_1096 = vector.bitcast %gather3A_1095 : vector<16xi32> to vector<32xbf16>
          %reshape3A_1097 = vector.shape_cast %add3A_1026 : vector<16xi32> to vector<16x1xi32>
          %gather3A_1098 = vector.shape_cast %reshape3A_1097 : vector<16x1xi32> to vector<16xi32>
          %gather3A_1099 = tpu.dynamic_gather %get3A_207[%gather3A_1098] in [0] : vector<16xi32>, vector<16xi32> -> vector<16xi32>
          %gather3A_1100 = tpu.vector_load_idx %arg5[%gather3A_1099, %add3A_12] : memref<1000x16xi32, #tpu.memory_space<vmem>>[vector<16xi32>, vector<16xi32>], vector<16xi32>,
          %bitcast3A_1101 = vector.bitcast %gather3A_1100 : vector<16xi32> to vector<32xbf16>
          %reshape3A_1102 = vector.shape_cast %add3A_1026 : vector<16xi32> to vector<16x1xi32>
          %gather3A_1103 = vector.shape_cast %reshape3A_1102 : vector<16x1xi32> to vector<16xi32>
          %gather3A_1104 = tpu.dynamic_gather %get3A_215[%gather3A_1103] in [0] : vector<16xi32>, vector<16xi32> -> vector<16xi32>
          %gather3A_1105 = tpu.vector_load_idx %arg5[%gather3A_1104, %add3A_12] : memref<1000x16xi32, #tpu.memory_space<vmem>>[vector<16xi32>, vector<16xi32>], vector<16xi32>,
          %bitcast3A_1106 = vector.bitcast %gather3A_1105 : vector<16xi32> to vector<32xbf16>
          %reshape3A_1107 = vector.shape_cast %add3A_1026 : vector<16xi32> to vector<16x1xi32>
          %gather3A_1108 = vector.shape_cast %reshape3A_1107 : vector<16x1xi32> to vector<16xi32>
          %gather3A_1109 = tpu.dynamic_gather %get3A_223[%gather3A_1108] in [0] : vector<16xi32>, vector<16xi32> -> vector<16xi32>
          %gather3A_1110 = tpu.vector_load_idx %arg5[%gather3A_1109, %add3A_12] : memref<1000x16xi32, #tpu.memory_space<vmem>>[vector<16xi32>, vector<16xi32>], vector<16xi32>,
          %bitcast3A_1111 = vector.bitcast %gather3A_1110 : vector<16xi32> to vector<32xbf16>
          %reshape3A_1112 = vector.shape_cast %add3A_1026 : vector<16xi32> to vector<16x1xi32>
          %gather3A_1113 = vector.shape_cast %reshape3A_1112 : vector<16x1xi32> to vector<16xi32>
          %gather3A_1114 = tpu.dynamic_gather %get3A_231[%gather3A_1113] in [0] : vector<16xi32>, vector<16xi32> -> vector<16xi32>
          %gather3A_1115 = tpu.vector_load_idx %arg5[%gather3A_1114, %add3A_12] : memref<1000x16xi32, #tpu.memory_space<vmem>>[vector<16xi32>, vector<16xi32>], vector<16xi32>,
          %bitcast3A_1116 = vector.bitcast %gather3A_1115 : vector<16xi32> to vector<32xbf16>
          %reshape3A_1117 = vector.shape_cast %add3A_1026 : vector<16xi32> to vector<16x1xi32>
          %gather3A_1118 = vector.shape_cast %reshape3A_1117 : vector<16x1xi32> to vector<16xi32>
          %gather3A_1119 = tpu.dynamic_gather %get3A_239[%gather3A_1118] in [0] : vector<16xi32>, vector<16xi32> -> vector<16xi32>
          %gather3A_1120 = tpu.vector_load_idx %arg5[%gather3A_1119, %add3A_12] : memref<1000x16xi32, #tpu.memory_space<vmem>>[vector<16xi32>, vector<16xi32>], vector<16xi32>,
          %bitcast3A_1121 = vector.bitcast %gather3A_1120 : vector<16xi32> to vector<32xbf16>
          %reshape3A_1122 = vector.shape_cast %add3A_1026 : vector<16xi32> to vector<16x1xi32>
          %gather3A_1123 = vector.shape_cast %reshape3A_1122 : vector<16x1xi32> to vector<16xi32>
          %gather3A_1124 = tpu.dynamic_gather %get3A_247[%gather3A_1123] in [0] : vector<16xi32>, vector<16xi32> -> vector<16xi32>
          %gather3A_1125 = tpu.vector_load_idx %arg5[%gather3A_1124, %add3A_12] : memref<1000x16xi32, #tpu.memory_space<vmem>>[vector<16xi32>, vector<16xi32>], vector<16xi32>,
          %bitcast3A_1126 = vector.bitcast %gather3A_1125 : vector<16xi32> to vector<32xbf16>
          %max3A_1127 = arith.maximumf %bitcast3A_1031, %bitcast3A_1036 : vector<32xbf16>
          %max3A_1128 = arith.maximumf %bitcast3A_1041, %bitcast3A_1046 : vector<32xbf16>
          %max3A_1129 = arith.maximumf %bitcast3A_1051, %bitcast3A_1056 : vector<32xbf16>
          %max3A_1130 = arith.maximumf %bitcast3A_1061, %bitcast3A_1066 : vector<32xbf16>
          %max3A_1131 = arith.maximumf %bitcast3A_1071, %bitcast3A_1076 : vector<32xbf16>
          %max3A_1132 = arith.maximumf %bitcast3A_1081, %bitcast3A_1086 : vector<32xbf16>
          %max3A_1133 = arith.maximumf %bitcast3A_1091, %bitcast3A_1096 : vector<32xbf16>
          %max3A_1134 = arith.maximumf %bitcast3A_1101, %bitcast3A_1106 : vector<32xbf16>
          %max3A_1135 = arith.maximumf %bitcast3A_1111, %bitcast3A_1116 : vector<32xbf16>
          %max3A_1136 = arith.maximumf %bitcast3A_1121, %bitcast3A_1126 : vector<32xbf16>
          %max3A_1137 = arith.maximumf %max3A_1127, %max3A_1128 : vector<32xbf16>
          %max3A_1138 = arith.maximumf %max3A_1129, %max3A_1130 : vector<32xbf16>
          %max3A_1139 = arith.maximumf %max3A_1131, %max3A_1132 : vector<32xbf16>
          %max3A_1140 = arith.maximumf %max3A_1133, %max3A_1134 : vector<32xbf16>
          %max3A_1141 = arith.maximumf %max3A_1135, %max3A_1136 : vector<32xbf16>
          %max3A_1142 = arith.maximumf %max3A_1137, %max3A_1138 : vector<32xbf16>
          %max3A_1143 = arith.maximumf %max3A_1139, %max3A_1140 : vector<32xbf16>
          %max3A_1144 = arith.maximumf %max3A_1142, %max3A_1143 : vector<32xbf16>
          %max3A_1145 = arith.maximumf %max3A_1144, %max3A_1141 : vector<32xbf16>
          %bitcast3A_1146 = vector.bitcast %max3A_1145 : vector<32xbf16> to vector<16xi32>
          %shift_left3A_1147 = arith.constant 16 : i32
          %shift_left3A_1148 = vector.broadcast %shift_left3A_1147 : i32 to vector<16xi32>
          %shift_left3A_1149 = arith.shli %bitcast3A_1146, %shift_left3A_1148 : vector<16xi32>
          %bitcast3A_1150 = vector.bitcast %shift_left3A_1149 : vector<16xi32> to vector<16xf32>
          %and3A_1151 = vector.broadcast %scan3A : i32 to vector<16xi32>
          %and3A_1152 = arith.andi %bitcast3A_1146, %and3A_1151 : vector<16xi32>
          %bitcast3A_1153 = vector.bitcast %and3A_1152 : vector<16xi32> to vector<16xf32>
          tpu.vector_store_idx %arg8[%add3A_1026, %shift_left3A_8], %bitcast3A_1150 : memref<16x17xf32, #tpu.memory_space<vmem>>[vector<16xi32>, vector<16xi32>], vector<16xf32>,
          tpu.vector_store_idx %arg8[%add3A_1026, %add3A_11], %bitcast3A_1153 : memref<16x17xf32, #tpu.memory_space<vmem>>[vector<16xi32>, vector<16xi32>], vector<16xf32>,
          %add3A_1154 = arith.constant 14 : i32
          %add3A_1155 = vector.broadcast %add3A_1154 : i32 to vector<16xi32>
          %add3A_1156 = arith.addi %select_n3A, %add3A_1155 : vector<16xi32>
          %reshape3A_1157 = vector.shape_cast %add3A_1156 : vector<16xi32> to vector<16x1xi32>
          %gather3A_1158 = vector.shape_cast %reshape3A_1157 : vector<16x1xi32> to vector<16xi32>
          %gather3A_1159 = tpu.dynamic_gather %get3A_95[%gather3A_1158] in [0] : vector<16xi32>, vector<16xi32> -> vector<16xi32>
          %gather3A_1160 = tpu.vector_load_idx %arg5[%gather3A_1159, %add3A_12] : memref<1000x16xi32, #tpu.memory_space<vmem>>[vector<16xi32>, vector<16xi32>], vector<16xi32>,
          %bitcast3A_1161 = vector.bitcast %gather3A_1160 : vector<16xi32> to vector<32xbf16>
          %reshape3A_1162 = vector.shape_cast %add3A_1156 : vector<16xi32> to vector<16x1xi32>
          %gather3A_1163 = vector.shape_cast %reshape3A_1162 : vector<16x1xi32> to vector<16xi32>
          %gather3A_1164 = tpu.dynamic_gather %get3A_103[%gather3A_1163] in [0] : vector<16xi32>, vector<16xi32> -> vector<16xi32>
          %gather3A_1165 = tpu.vector_load_idx %arg5[%gather3A_1164, %add3A_12] : memref<1000x16xi32, #tpu.memory_space<vmem>>[vector<16xi32>, vector<16xi32>], vector<16xi32>,
          %bitcast3A_1166 = vector.bitcast %gather3A_1165 : vector<16xi32> to vector<32xbf16>
          %reshape3A_1167 = vector.shape_cast %add3A_1156 : vector<16xi32> to vector<16x1xi32>
          %gather3A_1168 = vector.shape_cast %reshape3A_1167 : vector<16x1xi32> to vector<16xi32>
          %gather3A_1169 = tpu.dynamic_gather %get3A_111[%gather3A_1168] in [0] : vector<16xi32>, vector<16xi32> -> vector<16xi32>
          %gather3A_1170 = tpu.vector_load_idx %arg5[%gather3A_1169, %add3A_12] : memref<1000x16xi32, #tpu.memory_space<vmem>>[vector<16xi32>, vector<16xi32>], vector<16xi32>,
          %bitcast3A_1171 = vector.bitcast %gather3A_1170 : vector<16xi32> to vector<32xbf16>
          %reshape3A_1172 = vector.shape_cast %add3A_1156 : vector<16xi32> to vector<16x1xi32>
          %gather3A_1173 = vector.shape_cast %reshape3A_1172 : vector<16x1xi32> to vector<16xi32>
          %gather3A_1174 = tpu.dynamic_gather %get3A_119[%gather3A_1173] in [0] : vector<16xi32>, vector<16xi32> -> vector<16xi32>
          %gather3A_1175 = tpu.vector_load_idx %arg5[%gather3A_1174, %add3A_12] : memref<1000x16xi32, #tpu.memory_space<vmem>>[vector<16xi32>, vector<16xi32>], vector<16xi32>,
          %bitcast3A_1176 = vector.bitcast %gather3A_1175 : vector<16xi32> to vector<32xbf16>
          %reshape3A_1177 = vector.shape_cast %add3A_1156 : vector<16xi32> to vector<16x1xi32>
          %gather3A_1178 = vector.shape_cast %reshape3A_1177 : vector<16x1xi32> to vector<16xi32>
          %gather3A_1179 = tpu.dynamic_gather %get3A_127[%gather3A_1178] in [0] : vector<16xi32>, vector<16xi32> -> vector<16xi32>
          %gather3A_1180 = tpu.vector_load_idx %arg5[%gather3A_1179, %add3A_12] : memref<1000x16xi32, #tpu.memory_space<vmem>>[vector<16xi32>, vector<16xi32>], vector<16xi32>,
          %bitcast3A_1181 = vector.bitcast %gather3A_1180 : vector<16xi32> to vector<32xbf16>
          %reshape3A_1182 = vector.shape_cast %add3A_1156 : vector<16xi32> to vector<16x1xi32>
          %gather3A_1183 = vector.shape_cast %reshape3A_1182 : vector<16x1xi32> to vector<16xi32>
          %gather3A_1184 = tpu.dynamic_gather %get3A_135[%gather3A_1183] in [0] : vector<16xi32>, vector<16xi32> -> vector<16xi32>
          %gather3A_1185 = tpu.vector_load_idx %arg5[%gather3A_1184, %add3A_12] : memref<1000x16xi32, #tpu.memory_space<vmem>>[vector<16xi32>, vector<16xi32>], vector<16xi32>,
          %bitcast3A_1186 = vector.bitcast %gather3A_1185 : vector<16xi32> to vector<32xbf16>
          %reshape3A_1187 = vector.shape_cast %add3A_1156 : vector<16xi32> to vector<16x1xi32>
          %gather3A_1188 = vector.shape_cast %reshape3A_1187 : vector<16x1xi32> to vector<16xi32>
          %gather3A_1189 = tpu.dynamic_gather %get3A_143[%gather3A_1188] in [0] : vector<16xi32>, vector<16xi32> -> vector<16xi32>
          %gather3A_1190 = tpu.vector_load_idx %arg5[%gather3A_1189, %add3A_12] : memref<1000x16xi32, #tpu.memory_space<vmem>>[vector<16xi32>, vector<16xi32>], vector<16xi32>,
          %bitcast3A_1191 = vector.bitcast %gather3A_1190 : vector<16xi32> to vector<32xbf16>
          %reshape3A_1192 = vector.shape_cast %add3A_1156 : vector<16xi32> to vector<16x1xi32>
          %gather3A_1193 = vector.shape_cast %reshape3A_1192 : vector<16x1xi32> to vector<16xi32>
          %gather3A_1194 = tpu.dynamic_gather %get3A_151[%gather3A_1193] in [0] : vector<16xi32>, vector<16xi32> -> vector<16xi32>
          %gather3A_1195 = tpu.vector_load_idx %arg5[%gather3A_1194, %add3A_12] : memref<1000x16xi32, #tpu.memory_space<vmem>>[vector<16xi32>, vector<16xi32>], vector<16xi32>,
          %bitcast3A_1196 = vector.bitcast %gather3A_1195 : vector<16xi32> to vector<32xbf16>
          %reshape3A_1197 = vector.shape_cast %add3A_1156 : vector<16xi32> to vector<16x1xi32>
          %gather3A_1198 = vector.shape_cast %reshape3A_1197 : vector<16x1xi32> to vector<16xi32>
          %gather3A_1199 = tpu.dynamic_gather %get3A_159[%gather3A_1198] in [0] : vector<16xi32>, vector<16xi32> -> vector<16xi32>
          %gather3A_1200 = tpu.vector_load_idx %arg5[%gather3A_1199, %add3A_12] : memref<1000x16xi32, #tpu.memory_space<vmem>>[vector<16xi32>, vector<16xi32>], vector<16xi32>,
          %bitcast3A_1201 = vector.bitcast %gather3A_1200 : vector<16xi32> to vector<32xbf16>
          %reshape3A_1202 = vector.shape_cast %add3A_1156 : vector<16xi32> to vector<16x1xi32>
          %gather3A_1203 = vector.shape_cast %reshape3A_1202 : vector<16x1xi32> to vector<16xi32>
          %gather3A_1204 = tpu.dynamic_gather %get3A_167[%gather3A_1203] in [0] : vector<16xi32>, vector<16xi32> -> vector<16xi32>
          %gather3A_1205 = tpu.vector_load_idx %arg5[%gather3A_1204, %add3A_12] : memref<1000x16xi32, #tpu.memory_space<vmem>>[vector<16xi32>, vector<16xi32>], vector<16xi32>,
          %bitcast3A_1206 = vector.bitcast %gather3A_1205 : vector<16xi32> to vector<32xbf16>
          %reshape3A_1207 = vector.shape_cast %add3A_1156 : vector<16xi32> to vector<16x1xi32>
          %gather3A_1208 = vector.shape_cast %reshape3A_1207 : vector<16x1xi32> to vector<16xi32>
          %gather3A_1209 = tpu.dynamic_gather %get3A_175[%gather3A_1208] in [0] : vector<16xi32>, vector<16xi32> -> vector<16xi32>
          %gather3A_1210 = tpu.vector_load_idx %arg5[%gather3A_1209, %add3A_12] : memref<1000x16xi32, #tpu.memory_space<vmem>>[vector<16xi32>, vector<16xi32>], vector<16xi32>,
          %bitcast3A_1211 = vector.bitcast %gather3A_1210 : vector<16xi32> to vector<32xbf16>
          %reshape3A_1212 = vector.shape_cast %add3A_1156 : vector<16xi32> to vector<16x1xi32>
          %gather3A_1213 = vector.shape_cast %reshape3A_1212 : vector<16x1xi32> to vector<16xi32>
          %gather3A_1214 = tpu.dynamic_gather %get3A_183[%gather3A_1213] in [0] : vector<16xi32>, vector<16xi32> -> vector<16xi32>
          %gather3A_1215 = tpu.vector_load_idx %arg5[%gather3A_1214, %add3A_12] : memref<1000x16xi32, #tpu.memory_space<vmem>>[vector<16xi32>, vector<16xi32>], vector<16xi32>,
          %bitcast3A_1216 = vector.bitcast %gather3A_1215 : vector<16xi32> to vector<32xbf16>
          %reshape3A_1217 = vector.shape_cast %add3A_1156 : vector<16xi32> to vector<16x1xi32>
          %gather3A_1218 = vector.shape_cast %reshape3A_1217 : vector<16x1xi32> to vector<16xi32>
          %gather3A_1219 = tpu.dynamic_gather %get3A_191[%gather3A_1218] in [0] : vector<16xi32>, vector<16xi32> -> vector<16xi32>
          %gather3A_1220 = tpu.vector_load_idx %arg5[%gather3A_1219, %add3A_12] : memref<1000x16xi32, #tpu.memory_space<vmem>>[vector<16xi32>, vector<16xi32>], vector<16xi32>,
          %bitcast3A_1221 = vector.bitcast %gather3A_1220 : vector<16xi32> to vector<32xbf16>
          %reshape3A_1222 = vector.shape_cast %add3A_1156 : vector<16xi32> to vector<16x1xi32>
          %gather3A_1223 = vector.shape_cast %reshape3A_1222 : vector<16x1xi32> to vector<16xi32>
          %gather3A_1224 = tpu.dynamic_gather %get3A_199[%gather3A_1223] in [0] : vector<16xi32>, vector<16xi32> -> vector<16xi32>
          %gather3A_1225 = tpu.vector_load_idx %arg5[%gather3A_1224, %add3A_12] : memref<1000x16xi32, #tpu.memory_space<vmem>>[vector<16xi32>, vector<16xi32>], vector<16xi32>,
          %bitcast3A_1226 = vector.bitcast %gather3A_1225 : vector<16xi32> to vector<32xbf16>
          %reshape3A_1227 = vector.shape_cast %add3A_1156 : vector<16xi32> to vector<16x1xi32>
          %gather3A_1228 = vector.shape_cast %reshape3A_1227 : vector<16x1xi32> to vector<16xi32>
          %gather3A_1229 = tpu.dynamic_gather %get3A_207[%gather3A_1228] in [0] : vector<16xi32>, vector<16xi32> -> vector<16xi32>
          %gather3A_1230 = tpu.vector_load_idx %arg5[%gather3A_1229, %add3A_12] : memref<1000x16xi32, #tpu.memory_space<vmem>>[vector<16xi32>, vector<16xi32>], vector<16xi32>,
          %bitcast3A_1231 = vector.bitcast %gather3A_1230 : vector<16xi32> to vector<32xbf16>
          %reshape3A_1232 = vector.shape_cast %add3A_1156 : vector<16xi32> to vector<16x1xi32>
          %gather3A_1233 = vector.shape_cast %reshape3A_1232 : vector<16x1xi32> to vector<16xi32>
          %gather3A_1234 = tpu.dynamic_gather %get3A_215[%gather3A_1233] in [0] : vector<16xi32>, vector<16xi32> -> vector<16xi32>
          %gather3A_1235 = tpu.vector_load_idx %arg5[%gather3A_1234, %add3A_12] : memref<1000x16xi32, #tpu.memory_space<vmem>>[vector<16xi32>, vector<16xi32>], vector<16xi32>,
          %bitcast3A_1236 = vector.bitcast %gather3A_1235 : vector<16xi32> to vector<32xbf16>
          %reshape3A_1237 = vector.shape_cast %add3A_1156 : vector<16xi32> to vector<16x1xi32>
          %gather3A_1238 = vector.shape_cast %reshape3A_1237 : vector<16x1xi32> to vector<16xi32>
          %gather3A_1239 = tpu.dynamic_gather %get3A_223[%gather3A_1238] in [0] : vector<16xi32>, vector<16xi32> -> vector<16xi32>
          %gather3A_1240 = tpu.vector_load_idx %arg5[%gather3A_1239, %add3A_12] : memref<1000x16xi32, #tpu.memory_space<vmem>>[vector<16xi32>, vector<16xi32>], vector<16xi32>,
          %bitcast3A_1241 = vector.bitcast %gather3A_1240 : vector<16xi32> to vector<32xbf16>
          %reshape3A_1242 = vector.shape_cast %add3A_1156 : vector<16xi32> to vector<16x1xi32>
          %gather3A_1243 = vector.shape_cast %reshape3A_1242 : vector<16x1xi32> to vector<16xi32>
          %gather3A_1244 = tpu.dynamic_gather %get3A_231[%gather3A_1243] in [0] : vector<16xi32>, vector<16xi32> -> vector<16xi32>
          %gather3A_1245 = tpu.vector_load_idx %arg5[%gather3A_1244, %add3A_12] : memref<1000x16xi32, #tpu.memory_space<vmem>>[vector<16xi32>, vector<16xi32>], vector<16xi32>,
          %bitcast3A_1246 = vector.bitcast %gather3A_1245 : vector<16xi32> to vector<32xbf16>
          %reshape3A_1247 = vector.shape_cast %add3A_1156 : vector<16xi32> to vector<16x1xi32>
          %gather3A_1248 = vector.shape_cast %reshape3A_1247 : vector<16x1xi32> to vector<16xi32>
          %gather3A_1249 = tpu.dynamic_gather %get3A_239[%gather3A_1248] in [0] : vector<16xi32>, vector<16xi32> -> vector<16xi32>
          %gather3A_1250 = tpu.vector_load_idx %arg5[%gather3A_1249, %add3A_12] : memref<1000x16xi32, #tpu.memory_space<vmem>>[vector<16xi32>, vector<16xi32>], vector<16xi32>,
          %bitcast3A_1251 = vector.bitcast %gather3A_1250 : vector<16xi32> to vector<32xbf16>
          %reshape3A_1252 = vector.shape_cast %add3A_1156 : vector<16xi32> to vector<16x1xi32>
          %gather3A_1253 = vector.shape_cast %reshape3A_1252 : vector<16x1xi32> to vector<16xi32>
          %gather3A_1254 = tpu.dynamic_gather %get3A_247[%gather3A_1253] in [0] : vector<16xi32>, vector<16xi32> -> vector<16xi32>
          %gather3A_1255 = tpu.vector_load_idx %arg5[%gather3A_1254, %add3A_12] : memref<1000x16xi32, #tpu.memory_space<vmem>>[vector<16xi32>, vector<16xi32>], vector<16xi32>,
          %bitcast3A_1256 = vector.bitcast %gather3A_1255 : vector<16xi32> to vector<32xbf16>
          %max3A_1257 = arith.maximumf %bitcast3A_1161, %bitcast3A_1166 : vector<32xbf16>
          %max3A_1258 = arith.maximumf %bitcast3A_1171, %bitcast3A_1176 : vector<32xbf16>
          %max3A_1259 = arith.maximumf %bitcast3A_1181, %bitcast3A_1186 : vector<32xbf16>
          %max3A_1260 = arith.maximumf %bitcast3A_1191, %bitcast3A_1196 : vector<32xbf16>
          %max3A_1261 = arith.maximumf %bitcast3A_1201, %bitcast3A_1206 : vector<32xbf16>
          %max3A_1262 = arith.maximumf %bitcast3A_1211, %bitcast3A_1216 : vector<32xbf16>
          %max3A_1263 = arith.maximumf %bitcast3A_1221, %bitcast3A_1226 : vector<32xbf16>
          %max3A_1264 = arith.maximumf %bitcast3A_1231, %bitcast3A_1236 : vector<32xbf16>
          %max3A_1265 = arith.maximumf %bitcast3A_1241, %bitcast3A_1246 : vector<32xbf16>
          %max3A_1266 = arith.maximumf %bitcast3A_1251, %bitcast3A_1256 : vector<32xbf16>
          %max3A_1267 = arith.maximumf %max3A_1257, %max3A_1258 : vector<32xbf16>
          %max3A_1268 = arith.maximumf %max3A_1259, %max3A_1260 : vector<32xbf16>
          %max3A_1269 = arith.maximumf %max3A_1261, %max3A_1262 : vector<32xbf16>
          %max3A_1270 = arith.maximumf %max3A_1263, %max3A_1264 : vector<32xbf16>
          %max3A_1271 = arith.maximumf %max3A_1265, %max3A_1266 : vector<32xbf16>
          %max3A_1272 = arith.maximumf %max3A_1267, %max3A_1268 : vector<32xbf16>
          %max3A_1273 = arith.maximumf %max3A_1269, %max3A_1270 : vector<32xbf16>
          %max3A_1274 = arith.maximumf %max3A_1272, %max3A_1273 : vector<32xbf16>
          %max3A_1275 = arith.maximumf %max3A_1274, %max3A_1271 : vector<32xbf16>
          %bitcast3A_1276 = vector.bitcast %max3A_1275 : vector<32xbf16> to vector<16xi32>
          %shift_left3A_1277 = arith.constant 16 : i32
          %shift_left3A_1278 = vector.broadcast %shift_left3A_1277 : i32 to vector<16xi32>
          %shift_left3A_1279 = arith.shli %bitcast3A_1276, %shift_left3A_1278 : vector<16xi32>
          %bitcast3A_1280 = vector.bitcast %shift_left3A_1279 : vector<16xi32> to vector<16xf32>
          %and3A_1281 = vector.broadcast %scan3A : i32 to vector<16xi32>
          %and3A_1282 = arith.andi %bitcast3A_1276, %and3A_1281 : vector<16xi32>
          %bitcast3A_1283 = vector.bitcast %and3A_1282 : vector<16xi32> to vector<16xf32>
          tpu.vector_store_idx %arg8[%add3A_1156, %shift_left3A_8], %bitcast3A_1280 : memref<16x17xf32, #tpu.memory_space<vmem>>[vector<16xi32>, vector<16xi32>], vector<16xf32>,
          tpu.vector_store_idx %arg8[%add3A_1156, %add3A_11], %bitcast3A_1283 : memref<16x17xf32, #tpu.memory_space<vmem>>[vector<16xi32>, vector<16xi32>], vector<16xf32>,
          %broadcast_in_dim3A_1284 = arith.constant 0 : i32
          %broadcast_in_dim3A_1285 = vector.broadcast %broadcast_in_dim3A_1284 : i32 to vector<16xi32>
          %gather3A_1286 = tpu.vector_load_idx %arg8[%iota3A, %broadcast_in_dim3A_1285] : memref<16x17xf32, #tpu.memory_space<vmem>>[vector<16xi32>, vector<16xi32>], vector<16xf32>,
          %mul3A_1287 = arith.constant 16 : i32
          %mul3A_1288 = arith.muli %add3A_88, %mul3A_1287 : i32
          %swap3A = arith.constant 0 : i32
          %swap3A_1289 = arith.constant 0 : i32
          %swap3A_1290 = arith.constant 0 : i32
          %swap3A_1291 = arith.index_cast %add3A_78 : i32 to index
          %swap3A_1292 = arith.index_cast %swap3A : i32 to index
          %swap3A_1293 = arith.index_cast %swap3A_1289 : i32 to index
          %swap3A_1294 = arith.index_cast %swap3A_1290 : i32 to index
          %swap3A_1295 = arith.index_cast %mul3A_1288 : i32 to index
          %swap3A_1296 = tpu.vector_load %arg7[%swap3A_1291, %swap3A_1292, %swap3A_1293, %swap3A_1294, %swap3A_1295] {strides = array<i32>} : memref<10x2x1x8x128xf32, #tpu.memory_space<vmem>>, vector<16xf32>,
          tpu.vector_store %arg7[%swap3A_1291, %swap3A_1292, %swap3A_1293, %swap3A_1294, %swap3A_1295], %gather3A_1286 {strides = array<i32>} : memref<10x2x1x8x128xf32, #tpu.memory_space<vmem>>, vector<16xf32>,
          %broadcast_in_dim3A_1297 = arith.constant 1 : i32
          %broadcast_in_dim3A_1298 = vector.broadcast %broadcast_in_dim3A_1297 : i32 to vector<16xi32>
          %gather3A_1299 = tpu.vector_load_idx %arg8[%iota3A, %broadcast_in_dim3A_1298] : memref<16x17xf32, #tpu.memory_space<vmem>>[vector<16xi32>, vector<16xi32>], vector<16xf32>,
          %mul3A_1300 = arith.constant 16 : i32
          %mul3A_1301 = arith.muli %add3A_88, %mul3A_1300 : i32
          %swap3A_1302 = arith.constant 0 : i32
          %swap3A_1303 = arith.constant 0 : i32
          %swap3A_1304 = arith.constant 1 : i32
          %swap3A_1305 = arith.index_cast %add3A_78 : i32 to index
          %swap3A_1306 = arith.index_cast %swap3A_1302 : i32 to index
          %swap3A_1307 = arith.index_cast %swap3A_1303 : i32 to index
          %swap3A_1308 = arith.index_cast %swap3A_1304 : i32 to index
          %swap3A_1309 = arith.index_cast %mul3A_1301 : i32 to index
          %swap3A_1310 = tpu.vector_load %arg7[%swap3A_1305, %swap3A_1306, %swap3A_1307, %swap3A_1308, %swap3A_1309] {strides = array<i32>} : memref<10x2x1x8x128xf32, #tpu.memory_space<vmem>>, vector<16xf32>,
          tpu.vector_store %arg7[%swap3A_1305, %swap3A_1306, %swap3A_1307, %swap3A_1308, %swap3A_1309], %gather3A_1299 {strides = array<i32>} : memref<10x2x1x8x128xf32, #tpu.memory_space<vmem>>, vector<16xf32>,
          %broadcast_in_dim3A_1311 = arith.constant 2 : i32
          %broadcast_in_dim3A_1312 = vector.broadcast %broadcast_in_dim3A_1311 : i32 to vector<16xi32>
          %gather3A_1313 = tpu.vector_load_idx %arg8[%iota3A, %broadcast_in_dim3A_1312] : memref<16x17xf32, #tpu.memory_space<vmem>>[vector<16xi32>, vector<16xi32>], vector<16xf32>,
          %mul3A_1314 = arith.constant 16 : i32
          %mul3A_1315 = arith.muli %add3A_88, %mul3A_1314 : i32
          %swap3A_1316 = arith.constant 0 : i32
          %swap3A_1317 = arith.constant 0 : i32
          %swap3A_1318 = arith.constant 2 : i32
          %swap3A_1319 = arith.index_cast %add3A_78 : i32 to index
          %swap3A_1320 = arith.index_cast %swap3A_1316 : i32 to index
          %swap3A_1321 = arith.index_cast %swap3A_1317 : i32 to index
          %swap3A_1322 = arith.index_cast %swap3A_1318 : i32 to index
          %swap3A_1323 = arith.index_cast %mul3A_1315 : i32 to index
          %swap3A_1324 = tpu.vector_load %arg7[%swap3A_1319, %swap3A_1320, %swap3A_1321, %swap3A_1322, %swap3A_1323] {strides = array<i32>} : memref<10x2x1x8x128xf32, #tpu.memory_space<vmem>>, vector<16xf32>,
          tpu.vector_store %arg7[%swap3A_1319, %swap3A_1320, %swap3A_1321, %swap3A_1322, %swap3A_1323], %gather3A_1313 {strides = array<i32>} : memref<10x2x1x8x128xf32, #tpu.memory_space<vmem>>, vector<16xf32>,
          %broadcast_in_dim3A_1325 = arith.constant 3 : i32
          %broadcast_in_dim3A_1326 = vector.broadcast %broadcast_in_dim3A_1325 : i32 to vector<16xi32>
          %gather3A_1327 = tpu.vector_load_idx %arg8[%iota3A, %broadcast_in_dim3A_1326] : memref<16x17xf32, #tpu.memory_space<vmem>>[vector<16xi32>, vector<16xi32>], vector<16xf32>,
          %mul3A_1328 = arith.constant 16 : i32
          %mul3A_1329 = arith.muli %add3A_88, %mul3A_1328 : i32
          %swap3A_1330 = arith.constant 0 : i32
          %swap3A_1331 = arith.constant 0 : i32
          %swap3A_1332 = arith.constant 3 : i32
          %swap3A_1333 = arith.index_cast %add3A_78 : i32 to index
          %swap3A_1334 = arith.index_cast %swap3A_1330 : i32 to index
          %swap3A_1335 = arith.index_cast %swap3A_1331 : i32 to index
          %swap3A_1336 = arith.index_cast %swap3A_1332 : i32 to index
          %swap3A_1337 = arith.index_cast %mul3A_1329 : i32 to index
          %swap3A_1338 = tpu.vector_load %arg7[%swap3A_1333, %swap3A_1334, %swap3A_1335, %swap3A_1336, %swap3A_1337] {strides = array<i32>} : memref<10x2x1x8x128xf32, #tpu.memory_space<vmem>>, vector<16xf32>,
          tpu.vector_store %arg7[%swap3A_1333, %swap3A_1334, %swap3A_1335, %swap3A_1336, %swap3A_1337], %gather3A_1327 {strides = array<i32>} : memref<10x2x1x8x128xf32, #tpu.memory_space<vmem>>, vector<16xf32>,
          %broadcast_in_dim3A_1339 = arith.constant 4 : i32
          %broadcast_in_dim3A_1340 = vector.broadcast %broadcast_in_dim3A_1339 : i32 to vector<16xi32>
          %gather3A_1341 = tpu.vector_load_idx %arg8[%iota3A, %broadcast_in_dim3A_1340] : memref<16x17xf32, #tpu.memory_space<vmem>>[vector<16xi32>, vector<16xi32>], vector<16xf32>,
          %mul3A_1342 = arith.constant 16 : i32
          %mul3A_1343 = arith.muli %add3A_88, %mul3A_1342 : i32
          %swap3A_1344 = arith.constant 0 : i32
          %swap3A_1345 = arith.constant 0 : i32
          %swap3A_1346 = arith.constant 4 : i32
          %swap3A_1347 = arith.index_cast %add3A_78 : i32 to index
          %swap3A_1348 = arith.index_cast %swap3A_1344 : i32 to index
          %swap3A_1349 = arith.index_cast %swap3A_1345 : i32 to index
          %swap3A_1350 = arith.index_cast %swap3A_1346 : i32 to index
          %swap3A_1351 = arith.index_cast %mul3A_1343 : i32 to index
          %swap3A_1352 = tpu.vector_load %arg7[%swap3A_1347, %swap3A_1348, %swap3A_1349, %swap3A_1350, %swap3A_1351] {strides = array<i32>} : memref<10x2x1x8x128xf32, #tpu.memory_space<vmem>>, vector<16xf32>,
          tpu.vector_store %arg7[%swap3A_1347, %swap3A_1348, %swap3A_1349, %swap3A_1350, %swap3A_1351], %gather3A_1341 {strides = array<i32>} : memref<10x2x1x8x128xf32, #tpu.memory_space<vmem>>, vector<16xf32>,
          %broadcast_in_dim3A_1353 = arith.constant 5 : i32
          %broadcast_in_dim3A_1354 = vector.broadcast %broadcast_in_dim3A_1353 : i32 to vector<16xi32>
          %gather3A_1355 = tpu.vector_load_idx %arg8[%iota3A, %broadcast_in_dim3A_1354] : memref<16x17xf32, #tpu.memory_space<vmem>>[vector<16xi32>, vector<16xi32>], vector<16xf32>,
          %mul3A_1356 = arith.constant 16 : i32
          %mul3A_1357 = arith.muli %add3A_88, %mul3A_1356 : i32
          %swap3A_1358 = arith.constant 0 : i32
          %swap3A_1359 = arith.constant 0 : i32
          %swap3A_1360 = arith.constant 5 : i32
          %swap3A_1361 = arith.index_cast %add3A_78 : i32 to index
          %swap3A_1362 = arith.index_cast %swap3A_1358 : i32 to index
          %swap3A_1363 = arith.index_cast %swap3A_1359 : i32 to index
          %swap3A_1364 = arith.index_cast %swap3A_1360 : i32 to index
          %swap3A_1365 = arith.index_cast %mul3A_1357 : i32 to index
          %swap3A_1366 = tpu.vector_load %arg7[%swap3A_1361, %swap3A_1362, %swap3A_1363, %swap3A_1364, %swap3A_1365] {strides = array<i32>} : memref<10x2x1x8x128xf32, #tpu.memory_space<vmem>>, vector<16xf32>,
          tpu.vector_store %arg7[%swap3A_1361, %swap3A_1362, %swap3A_1363, %swap3A_1364, %swap3A_1365], %gather3A_1355 {strides = array<i32>} : memref<10x2x1x8x128xf32, #tpu.memory_space<vmem>>, vector<16xf32>,
          %broadcast_in_dim3A_1367 = arith.constant 6 : i32
          %broadcast_in_dim3A_1368 = vector.broadcast %broadcast_in_dim3A_1367 : i32 to vector<16xi32>
          %gather3A_1369 = tpu.vector_load_idx %arg8[%iota3A, %broadcast_in_dim3A_1368] : memref<16x17xf32, #tpu.memory_space<vmem>>[vector<16xi32>, vector<16xi32>], vector<16xf32>,
          %mul3A_1370 = arith.constant 16 : i32
          %mul3A_1371 = arith.muli %add3A_88, %mul3A_1370 : i32
          %swap3A_1372 = arith.constant 0 : i32
          %swap3A_1373 = arith.constant 0 : i32
          %swap3A_1374 = arith.constant 6 : i32
          %swap3A_1375 = arith.index_cast %add3A_78 : i32 to index
          %swap3A_1376 = arith.index_cast %swap3A_1372 : i32 to index
          %swap3A_1377 = arith.index_cast %swap3A_1373 : i32 to index
          %swap3A_1378 = arith.index_cast %swap3A_1374 : i32 to index
          %swap3A_1379 = arith.index_cast %mul3A_1371 : i32 to index
          %swap3A_1380 = tpu.vector_load %arg7[%swap3A_1375, %swap3A_1376, %swap3A_1377, %swap3A_1378, %swap3A_1379] {strides = array<i32>} : memref<10x2x1x8x128xf32, #tpu.memory_space<vmem>>, vector<16xf32>,
          tpu.vector_store %arg7[%swap3A_1375, %swap3A_1376, %swap3A_1377, %swap3A_1378, %swap3A_1379], %gather3A_1369 {strides = array<i32>} : memref<10x2x1x8x128xf32, #tpu.memory_space<vmem>>, vector<16xf32>,
          %broadcast_in_dim3A_1381 = arith.constant 7 : i32
          %broadcast_in_dim3A_1382 = vector.broadcast %broadcast_in_dim3A_1381 : i32 to vector<16xi32>
          %gather3A_1383 = tpu.vector_load_idx %arg8[%iota3A, %broadcast_in_dim3A_1382] : memref<16x17xf32, #tpu.memory_space<vmem>>[vector<16xi32>, vector<16xi32>], vector<16xf32>,
          %mul3A_1384 = arith.constant 16 : i32
          %mul3A_1385 = arith.muli %add3A_88, %mul3A_1384 : i32
          %swap3A_1386 = arith.constant 0 : i32
          %swap3A_1387 = arith.constant 0 : i32
          %swap3A_1388 = arith.constant 7 : i32
          %swap3A_1389 = arith.index_cast %add3A_78 : i32 to index
          %swap3A_1390 = arith.index_cast %swap3A_1386 : i32 to index
          %swap3A_1391 = arith.index_cast %swap3A_1387 : i32 to index
          %swap3A_1392 = arith.index_cast %swap3A_1388 : i32 to index
          %swap3A_1393 = arith.index_cast %mul3A_1385 : i32 to index
          %swap3A_1394 = tpu.vector_load %arg7[%swap3A_1389, %swap3A_1390, %swap3A_1391, %swap3A_1392, %swap3A_1393] {strides = array<i32>} : memref<10x2x1x8x128xf32, #tpu.memory_space<vmem>>, vector<16xf32>,
          tpu.vector_store %arg7[%swap3A_1389, %swap3A_1390, %swap3A_1391, %swap3A_1392, %swap3A_1393], %gather3A_1383 {strides = array<i32>} : memref<10x2x1x8x128xf32, #tpu.memory_space<vmem>>, vector<16xf32>,
          %broadcast_in_dim3A_1395 = arith.constant 8 : i32
          %broadcast_in_dim3A_1396 = vector.broadcast %broadcast_in_dim3A_1395 : i32 to vector<16xi32>
          %gather3A_1397 = tpu.vector_load_idx %arg8[%iota3A, %broadcast_in_dim3A_1396] : memref<16x17xf32, #tpu.memory_space<vmem>>[vector<16xi32>, vector<16xi32>], vector<16xf32>,
          %mul3A_1398 = arith.constant 16 : i32
          %mul3A_1399 = arith.muli %add3A_88, %mul3A_1398 : i32
          %swap3A_1400 = arith.constant 1 : i32
          %swap3A_1401 = arith.constant 0 : i32
          %swap3A_1402 = arith.constant 0 : i32
          %swap3A_1403 = arith.index_cast %add3A_78 : i32 to index
          %swap3A_1404 = arith.index_cast %swap3A_1400 : i32 to index
          %swap3A_1405 = arith.index_cast %swap3A_1401 : i32 to index
          %swap3A_1406 = arith.index_cast %swap3A_1402 : i32 to index
          %swap3A_1407 = arith.index_cast %mul3A_1399 : i32 to index
          %swap3A_1408 = tpu.vector_load %arg7[%swap3A_1403, %swap3A_1404, %swap3A_1405, %swap3A_1406, %swap3A_1407] {strides = array<i32>} : memref<10x2x1x8x128xf32, #tpu.memory_space<vmem>>, vector<16xf32>,
          tpu.vector_store %arg7[%swap3A_1403, %swap3A_1404, %swap3A_1405, %swap3A_1406, %swap3A_1407], %gather3A_1397 {strides = array<i32>} : memref<10x2x1x8x128xf32, #tpu.memory_space<vmem>>, vector<16xf32>,
          %broadcast_in_dim3A_1409 = arith.constant 9 : i32
          %broadcast_in_dim3A_1410 = vector.broadcast %broadcast_in_dim3A_1409 : i32 to vector<16xi32>
          %gather3A_1411 = tpu.vector_load_idx %arg8[%iota3A, %broadcast_in_dim3A_1410] : memref<16x17xf32, #tpu.memory_space<vmem>>[vector<16xi32>, vector<16xi32>], vector<16xf32>,
          %mul3A_1412 = arith.constant 16 : i32
          %mul3A_1413 = arith.muli %add3A_88, %mul3A_1412 : i32
          %swap3A_1414 = arith.constant 1 : i32
          %swap3A_1415 = arith.constant 0 : i32
          %swap3A_1416 = arith.constant 1 : i32
          %swap3A_1417 = arith.index_cast %add3A_78 : i32 to index
          %swap3A_1418 = arith.index_cast %swap3A_1414 : i32 to index
          %swap3A_1419 = arith.index_cast %swap3A_1415 : i32 to index
          %swap3A_1420 = arith.index_cast %swap3A_1416 : i32 to index
          %swap3A_1421 = arith.index_cast %mul3A_1413 : i32 to index
          %swap3A_1422 = tpu.vector_load %arg7[%swap3A_1417, %swap3A_1418, %swap3A_1419, %swap3A_1420, %swap3A_1421] {strides = array<i32>} : memref<10x2x1x8x128xf32, #tpu.memory_space<vmem>>, vector<16xf32>,
          tpu.vector_store %arg7[%swap3A_1417, %swap3A_1418, %swap3A_1419, %swap3A_1420, %swap3A_1421], %gather3A_1411 {strides = array<i32>} : memref<10x2x1x8x128xf32, #tpu.memory_space<vmem>>, vector<16xf32>,
          %broadcast_in_dim3A_1423 = arith.constant 10 : i32
          %broadcast_in_dim3A_1424 = vector.broadcast %broadcast_in_dim3A_1423 : i32 to vector<16xi32>
          %gather3A_1425 = tpu.vector_load_idx %arg8[%iota3A, %broadcast_in_dim3A_1424] : memref<16x17xf32, #tpu.memory_space<vmem>>[vector<16xi32>, vector<16xi32>], vector<16xf32>,
          %mul3A_1426 = arith.constant 16 : i32
          %mul3A_1427 = arith.muli %add3A_88, %mul3A_1426 : i32
          %swap3A_1428 = arith.constant 1 : i32
          %swap3A_1429 = arith.constant 0 : i32
          %swap3A_1430 = arith.constant 2 : i32
          %swap3A_1431 = arith.index_cast %add3A_78 : i32 to index
          %swap3A_1432 = arith.index_cast %swap3A_1428 : i32 to index
          %swap3A_1433 = arith.index_cast %swap3A_1429 : i32 to index
          %swap3A_1434 = arith.index_cast %swap3A_1430 : i32 to index
          %swap3A_1435 = arith.index_cast %mul3A_1427 : i32 to index
          %swap3A_1436 = tpu.vector_load %arg7[%swap3A_1431, %swap3A_1432, %swap3A_1433, %swap3A_1434, %swap3A_1435] {strides = array<i32>} : memref<10x2x1x8x128xf32, #tpu.memory_space<vmem>>, vector<16xf32>,
          tpu.vector_store %arg7[%swap3A_1431, %swap3A_1432, %swap3A_1433, %swap3A_1434, %swap3A_1435], %gather3A_1425 {strides = array<i32>} : memref<10x2x1x8x128xf32, #tpu.memory_space<vmem>>, vector<16xf32>,
          %broadcast_in_dim3A_1437 = arith.constant 11 : i32
          %broadcast_in_dim3A_1438 = vector.broadcast %broadcast_in_dim3A_1437 : i32 to vector<16xi32>
          %gather3A_1439 = tpu.vector_load_idx %arg8[%iota3A, %broadcast_in_dim3A_1438] : memref<16x17xf32, #tpu.memory_space<vmem>>[vector<16xi32>, vector<16xi32>], vector<16xf32>,
          %mul3A_1440 = arith.constant 16 : i32
          %mul3A_1441 = arith.muli %add3A_88, %mul3A_1440 : i32
          %swap3A_1442 = arith.constant 1 : i32
          %swap3A_1443 = arith.constant 0 : i32
          %swap3A_1444 = arith.constant 3 : i32
          %swap3A_1445 = arith.index_cast %add3A_78 : i32 to index
          %swap3A_1446 = arith.index_cast %swap3A_1442 : i32 to index
          %swap3A_1447 = arith.index_cast %swap3A_1443 : i32 to index
          %swap3A_1448 = arith.index_cast %swap3A_1444 : i32 to index
          %swap3A_1449 = arith.index_cast %mul3A_1441 : i32 to index
          %swap3A_1450 = tpu.vector_load %arg7[%swap3A_1445, %swap3A_1446, %swap3A_1447, %swap3A_1448, %swap3A_1449] {strides = array<i32>} : memref<10x2x1x8x128xf32, #tpu.memory_space<vmem>>, vector<16xf32>,
          tpu.vector_store %arg7[%swap3A_1445, %swap3A_1446, %swap3A_1447, %swap3A_1448, %swap3A_1449], %gather3A_1439 {strides = array<i32>} : memref<10x2x1x8x128xf32, #tpu.memory_space<vmem>>, vector<16xf32>,
          %broadcast_in_dim3A_1451 = arith.constant 12 : i32
          %broadcast_in_dim3A_1452 = vector.broadcast %broadcast_in_dim3A_1451 : i32 to vector<16xi32>
          %gather3A_1453 = tpu.vector_load_idx %arg8[%iota3A, %broadcast_in_dim3A_1452] : memref<16x17xf32, #tpu.memory_space<vmem>>[vector<16xi32>, vector<16xi32>], vector<16xf32>,
          %mul3A_1454 = arith.constant 16 : i32
          %mul3A_1455 = arith.muli %add3A_88, %mul3A_1454 : i32
          %swap3A_1456 = arith.constant 1 : i32
          %swap3A_1457 = arith.constant 0 : i32
          %swap3A_1458 = arith.constant 4 : i32
          %swap3A_1459 = arith.index_cast %add3A_78 : i32 to index
          %swap3A_1460 = arith.index_cast %swap3A_1456 : i32 to index
          %swap3A_1461 = arith.index_cast %swap3A_1457 : i32 to index
          %swap3A_1462 = arith.index_cast %swap3A_1458 : i32 to index
          %swap3A_1463 = arith.index_cast %mul3A_1455 : i32 to index
          %swap3A_1464 = tpu.vector_load %arg7[%swap3A_1459, %swap3A_1460, %swap3A_1461, %swap3A_1462, %swap3A_1463] {strides = array<i32>} : memref<10x2x1x8x128xf32, #tpu.memory_space<vmem>>, vector<16xf32>,
          tpu.vector_store %arg7[%swap3A_1459, %swap3A_1460, %swap3A_1461, %swap3A_1462, %swap3A_1463], %gather3A_1453 {strides = array<i32>} : memref<10x2x1x8x128xf32, #tpu.memory_space<vmem>>, vector<16xf32>,
          %broadcast_in_dim3A_1465 = arith.constant 13 : i32
          %broadcast_in_dim3A_1466 = vector.broadcast %broadcast_in_dim3A_1465 : i32 to vector<16xi32>
          %gather3A_1467 = tpu.vector_load_idx %arg8[%iota3A, %broadcast_in_dim3A_1466] : memref<16x17xf32, #tpu.memory_space<vmem>>[vector<16xi32>, vector<16xi32>], vector<16xf32>,
          %mul3A_1468 = arith.constant 16 : i32
          %mul3A_1469 = arith.muli %add3A_88, %mul3A_1468 : i32
          %swap3A_1470 = arith.constant 1 : i32
          %swap3A_1471 = arith.constant 0 : i32
          %swap3A_1472 = arith.constant 5 : i32
          %swap3A_1473 = arith.index_cast %add3A_78 : i32 to index
          %swap3A_1474 = arith.index_cast %swap3A_1470 : i32 to index
          %swap3A_1475 = arith.index_cast %swap3A_1471 : i32 to index
          %swap3A_1476 = arith.index_cast %swap3A_1472 : i32 to index
          %swap3A_1477 = arith.index_cast %mul3A_1469 : i32 to index
          %swap3A_1478 = tpu.vector_load %arg7[%swap3A_1473, %swap3A_1474, %swap3A_1475, %swap3A_1476, %swap3A_1477] {strides = array<i32>} : memref<10x2x1x8x128xf32, #tpu.memory_space<vmem>>, vector<16xf32>,
          tpu.vector_store %arg7[%swap3A_1473, %swap3A_1474, %swap3A_1475, %swap3A_1476, %swap3A_1477], %gather3A_1467 {strides = array<i32>} : memref<10x2x1x8x128xf32, #tpu.memory_space<vmem>>, vector<16xf32>,
          %broadcast_in_dim3A_1479 = arith.constant 14 : i32
          %broadcast_in_dim3A_1480 = vector.broadcast %broadcast_in_dim3A_1479 : i32 to vector<16xi32>
          %gather3A_1481 = tpu.vector_load_idx %arg8[%iota3A, %broadcast_in_dim3A_1480] : memref<16x17xf32, #tpu.memory_space<vmem>>[vector<16xi32>, vector<16xi32>], vector<16xf32>,
          %mul3A_1482 = arith.constant 16 : i32
          %mul3A_1483 = arith.muli %add3A_88, %mul3A_1482 : i32
          %swap3A_1484 = arith.constant 1 : i32
          %swap3A_1485 = arith.constant 0 : i32
          %swap3A_1486 = arith.constant 6 : i32
          %swap3A_1487 = arith.index_cast %add3A_78 : i32 to index
          %swap3A_1488 = arith.index_cast %swap3A_1484 : i32 to index
          %swap3A_1489 = arith.index_cast %swap3A_1485 : i32 to index
          %swap3A_1490 = arith.index_cast %swap3A_1486 : i32 to index
          %swap3A_1491 = arith.index_cast %mul3A_1483 : i32 to index
          %swap3A_1492 = tpu.vector_load %arg7[%swap3A_1487, %swap3A_1488, %swap3A_1489, %swap3A_1490, %swap3A_1491] {strides = array<i32>} : memref<10x2x1x8x128xf32, #tpu.memory_space<vmem>>, vector<16xf32>,
          tpu.vector_store %arg7[%swap3A_1487, %swap3A_1488, %swap3A_1489, %swap3A_1490, %swap3A_1491], %gather3A_1481 {strides = array<i32>} : memref<10x2x1x8x128xf32, #tpu.memory_space<vmem>>, vector<16xf32>,
          %broadcast_in_dim3A_1493 = arith.constant 15 : i32
          %broadcast_in_dim3A_1494 = vector.broadcast %broadcast_in_dim3A_1493 : i32 to vector<16xi32>
          %gather3A_1495 = tpu.vector_load_idx %arg8[%iota3A, %broadcast_in_dim3A_1494] : memref<16x17xf32, #tpu.memory_space<vmem>>[vector<16xi32>, vector<16xi32>], vector<16xf32>,
          %mul3A_1496 = arith.constant 16 : i32
          %mul3A_1497 = arith.muli %add3A_88, %mul3A_1496 : i32
          %swap3A_1498 = arith.constant 1 : i32
          %swap3A_1499 = arith.constant 0 : i32
          %swap3A_1500 = arith.constant 7 : i32
          %swap3A_1501 = arith.index_cast %add3A_78 : i32 to index
          %swap3A_1502 = arith.index_cast %swap3A_1498 : i32 to index
          %swap3A_1503 = arith.index_cast %swap3A_1499 : i32 to index
          %swap3A_1504 = arith.index_cast %swap3A_1500 : i32 to index
          %swap3A_1505 = arith.index_cast %mul3A_1497 : i32 to index
          %swap3A_1506 = tpu.vector_load %arg7[%swap3A_1501, %swap3A_1502, %swap3A_1503, %swap3A_1504, %swap3A_1505] {strides = array<i32>} : memref<10x2x1x8x128xf32, #tpu.memory_space<vmem>>, vector<16xf32>,
          tpu.vector_store %arg7[%swap3A_1501, %swap3A_1502, %swap3A_1503, %swap3A_1504, %swap3A_1505], %gather3A_1495 {strides = array<i32>} : memref<10x2x1x8x128xf32, #tpu.memory_space<vmem>>, vector<16xf32>,
        }
        %scan3A_83 = arith.constant 8 : i32
      }
      %scan3A_73 = arith.constant 10 : i32
      "tpu.region"() ({
        %run_scoped3A = tpu.sem_alloc : memref<!tpu.dma_semaphore, #tpu.memory_space<semaphore_mem>>
        %dma_start3A_74 = arith.constant 0 : i32
        %dma_start3A_75 = arith.constant 0 : i32
        %dma_start3A_76 = arith.constant 0 : i32
        %dma_start3A_77 = tpu.memref_slice %arg4[%mul3A_45, %dma_start3A_74, %add3A, %dma_start3A_75, %dma_start3A_76] : memref<50x2x32x8x128xf32, #tpu.memory_space<hbm>> -> memref<10x2x1x8x128xf32, #tpu.memory_space<hbm>>
        %dma_start3A_78 = arith.constant 0 : i32
        %dma_start3A_79 = arith.constant 0 : i32
        %dma_start3A_80 = arith.constant 0 : i32
        %dma_start3A_81 = tpu.memref_slice %arg4[%mul3A_45, %dma_start3A_78, %add3A, %dma_start3A_79, %dma_start3A_80] : memref<50x2x32x8x128xf32, #tpu.memory_space<hbm>> -> memref<10x2x1x8x128xf32, #tpu.memory_space<hbm>>
        tpu.enqueue_dma source(%arg7 : memref<10x2x1x8x128xf32, #tpu.memory_space<vmem>>) target(%dma_start3A_81 : memref<10x2x1x8x128xf32, #tpu.memory_space<hbm>>) target_semaphore(%run_scoped3A : memref<!tpu.dma_semaphore, #tpu.memory_space<semaphore_mem>>)
        %dma_wait3A_82 = arith.constant 0 : i32
        %dma_wait3A_83 = arith.constant 0 : i32
        %dma_wait3A_84 = arith.constant 0 : i32
        %dma_wait3A_85 = tpu.memref_slice %arg4[%mul3A_45, %dma_wait3A_82, %add3A, %dma_wait3A_83, %dma_wait3A_84] : memref<50x2x32x8x128xf32, #tpu.memory_space<hbm>> -> memref<10x2x1x8x128xf32, #tpu.memory_space<hbm>>
        %dma_wait3A_86 = arith.constant 0 : i32
        %dma_wait3A_87 = arith.constant 0 : i32
        %dma_wait3A_88 = arith.constant 0 : i32
        %dma_wait3A_89 = tpu.memref_slice %arg4[%mul3A_45, %dma_wait3A_86, %add3A, %dma_wait3A_87, %dma_wait3A_88] : memref<50x2x32x8x128xf32, #tpu.memory_space<hbm>> -> memref<10x2x1x8x128xf32, #tpu.memory_space<hbm>>
        tpu.wait_dma2 semaphore(%run_scoped3A : memref<!tpu.dma_semaphore, #tpu.memory_space<semaphore_mem>>) src(%arg7 : memref<10x2x1x8x128xf32, #tpu.memory_space<vmem>>) dst(%dma_wait3A_89 : memref<10x2x1x8x128xf32, #tpu.memory_space<hbm>>)
        tpu.yield
      }) : () -> ()
    }
    %scan3A_38 = arith.constant 5 : i32
    return
  }
}

</mosaic_0001>

<sc_bundles>
// kernel: _sc_embed_max.3.cloned.1.call-start
scs
__scs_entry_jumppad:
0x0: {  	(pc) =	sbr.rel $0x88, $3  }
0x1: {  	(tag) =	ssettag $0x0;
	lr =	simm.s32 $0x1  }
0x2: {  	[smem:$0x3F9F] =	sst lr;
	_ =	strace $0xD0000000  }
0x3: {  	_ = 	snop  }
0x4: {  	_ = 	snop  }
0x5: {  	_ = 	snop  }
0x6: {  	_ = 	snop  }
0x7: {  	_ = 	snop  }
__scs_overlays_trampoline_lowered:
0x8: {  	[smem:$0x3FAE] =	sst s0  }
0x9: {  	[smem:$0x3FAF] =	sst s1  }
0xa: {  	[smem:$0x3FB0] =	sst s2  }
0xb: {  	[smem:$0x3FB1] =	sst s3  }
0xc: {  	[smem:$0x3FB2] =	sst s4  }
0xd: {  	[smem:$0x3FB3] =	sst s5  }
0xe: {  	[smem:$0x3FB4] =	sst s6  }
0xf: {  	[smem:$0x3FB5] =	sst s7  }
0x10: {  	[smem:$0x3FB6] =	sst s8  }
0x11: {  	[smem:$0x3FB7] =	sst s9;
	s0 =	simm.s32 @!p0 $0x0  }
0x12: {  	s1 =	sld [smem:$0x3F9D];
	s0 =	simm.s32 @p0 $0x1  }
0x13: {  	[smem:$0x3FB8] =	sst s0;
	s0 =	simm.s32 @!p1 $0x0  }
0x14: {  	s2 =	sld [smem:$0x3F9C];
	s0 =	simm.s32 @p1 $0x1  }
0x15: {  	[smem:$0x3FB9] =	sst s0;
	s0 =	simm.s32 @!p2 $0x0  }
0x16: {  	s3 =	sld [smem:$0x3FDB];
	s0 =	simm.s32 @p2 $0x1  }
0x17: {  	s4 =	simm.s32 $0x1BF5;
	[smem:$0x3FBB] =	sst s0  }
0x18: {  	s0 =	sld [smem:$0x3F9E];
	_ =	swait.ge [sflag:s4], $0x0  }
0x19: {  	s7 =	sld [smem:$0x3F9F]  }
0x1a: {  	s8 =	sadd.s32 $0xFFFFE003, lr  }
0x1b: {  	s9 =	sadd.s32 $0xFFFFFEF7, lr;
	s5 =	simm.s32 $0xFFFFFFFF;
	p2 =	slt.u32 s8, $0xFFFFF086  }
0x1c: {  	p1 =	slt.u32 s9, $0xF7A;
	s5 =	simm.s32 @!p2 $0x0  }
0x1d: {  	s5 =	simm.s32 @p1 $0x1;
	p0 =	seq.s32 s7, s2  }
0x1e: {  	s7 =	smul.u32 @!p0 $0xF7A, s2;
	p2 =	seq.s32 @!p0 s5, $0x0  }
0x1f: {  	s9 =	smul.u32 $0xF7A, s1;
	s8 =	simm.s32 @!p0 $0x1BF5;
	p2 =	por !p2, p0  }
0x20: {  	[sflag:s8] =	ssyncset.s32 @!p0 $0xFFFFF086;
	s6 =	sadd.s32 @!p0 s3, s7;
	s7 =	simm.s32 @!p0 $0x108  }
0x21: {  	s3 =	sadd.s32 s3, s9;
	s6 =	sadd.s32 @!p0 $0x88, s6;
	s7 =	simm.s32 @p2 $0x1082  }
0x22: {  	[simem:s7], [sflag:s8] =	dma.local @!p0 [hbm:s6], $0xF7A  }
0x23: {  	s9 =	sor.u32 $0xD0000000, s2;
	s6 =	simm.s32 $0x108;
	_ =	swait.ge @!p0 [sflag:s8], $0x0  }
0x24: {  	s3 =	sadd.s32 $0x88, s3;
	s6 =	simm.s32 @!p1 $0x1082;
	[sflag:s4] =	ssyncset.s32 $0xFFFFF086  }
0x25: {  	[simem:s6], [sflag:s4] =	dma.local [hbm:s3], $0xF7A  }
0x26: {  	[smem:$0x3F9F] =	sst s1;
	(tag) =	ssettag s2;
	_ =	strace s9  }
0x27: {  	s1 =	sld [smem:$0x3FAF]  }
0x28: {  	s2 =	sld [smem:$0x3FB0]  }
0x29: {  	s4 =	sld [smem:$0x3FB2]  }
0x2a: {  	p0 =	seq.s32 s5, $0x0;
	s5 =	sld [smem:$0x3FB3]  }
0x2b: {  	s6 =	sld [smem:$0x3FB4]  }
0x2c: {  	s7 =	sld [smem:$0x3FB5]  }
0x2d: {  	s3 =	simm.s32 $0x108;
	s8 =	sld [smem:$0x3FB6]  }
0x2e: {  	s3 =	simm.s32 @!p0 $0x1082;
	s9 =	sld [smem:$0x3FB7]  }
0x2f: {  	lr =	sadd.s32 s0, s3;
	s0 =	sld [smem:$0x3FAE]  }
0x30: {  	s3 =	sld [smem:$0x3FB1]  }
0x31: {  	[smem:$0x3FBA] =	sst s10  }
0x32: {  	s10 =	sld [smem:$0x3FB8];
	_ =	sdelay $0x3  }
0x33: {  	p0 =	seq.s32 s10, $0x1;
	s10 =	sld [smem:$0x3FBA];
	_ =	sdelay $0x3  }
0x34: {  	[smem:$0x3FBA] =	sst s10  }
0x35: {  	s10 =	sld [smem:$0x3FB9];
	_ =	sdelay $0x3  }
0x36: {  	p1 =	seq.s32 s10, $0x1;
	s10 =	sld [smem:$0x3FBA];
	_ =	sdelay $0x3  }
0x37: {  	[smem:$0x3FBA] =	sst s10  }
0x38: {  	s10 =	sld [smem:$0x3FBB]  }
0x39: {  	_ = 	snop;
	(pc) =	sbr.ind lr, $3  }
0x3a: {  	_ = 	snop  }
0x3b: {  	_ = 	snop  }
0x3c: {  	p2 =	seq.s32 s10, $0x1;
	s10 =	sld [smem:$0x3FBA]  }
0x3d: {  	_ =	shalt  }
0x3e: {  	_ =	shalt  }
0x3f: {  	_ =	shalt  }
0x40: {  	_ =	shalt  }
0x41: {  	_ =	shalt  }
0x42: {  	_ =	shalt  }
0x43: {  	_ =	shalt  }
0x44: {  	_ =	shalt  }
0x45: {  	_ =	shalt  }
0x46: {  	_ =	shalt  }
0x47: {  	_ =	shalt  }
0x48: {  	_ =	shalt  }
0x49: {  	_ =	shalt  }
0x4a: {  	_ =	shalt  }
0x4b: {  	_ =	shalt  }
0x4c: {  	_ =	shalt  }
0x4d: {  	_ =	shalt  }
0x4e: {  	_ =	shalt  }
0x4f: {  	_ =	shalt  }
0x50: {  	_ =	shalt  }
0x51: {  	_ =	shalt  }
0x52: {  	_ =	shalt  }
0x53: {  	_ =	shalt  }
0x54: {  	_ =	shalt  }
0x55: {  	_ =	shalt  }
0x56: {  	_ =	shalt  }
0x57: {  	_ =	shalt  }
0x58: {  	_ =	shalt  }
0x59: {  	_ =	shalt  }
0x5a: {  	_ =	shalt  }
0x5b: {  	_ =	shalt  }
0x5c: {  	_ =	shalt  }
0x5d: {  	_ =	shalt  }
0x5e: {  	_ =	shalt  }
0x5f: {  	_ =	shalt  }
0x60: {  	_ =	shalt  }
0x61: {  	_ =	shalt  }
0x62: {  	_ =	shalt  }
0x63: {  	_ =	shalt  }
0x64: {  	_ =	shalt  }
0x65: {  	_ =	shalt  }
0x66: {  	_ =	shalt  }
0x67: {  	_ =	shalt  }
0x68: {  	_ =	shalt  }
0x69: {  	_ =	shalt  }
0x6a: {  	_ =	shalt  }
0x6b: {  	_ =	shalt  }
0x6c: {  	_ =	shalt  }
0x6d: {  	_ =	shalt  }
0x6e: {  	_ =	shalt  }
0x6f: {  	_ =	shalt  }
0x70: {  	_ =	shalt  }
0x71: {  	_ =	shalt  }
0x72: {  	_ =	shalt  }
0x73: {  	_ =	shalt  }
0x74: {  	_ =	shalt  }
0x75: {  	_ =	shalt  }
0x76: {  	_ =	shalt  }
0x77: {  	_ =	shalt  }
0x78: {  	_ =	shalt  }
0x79: {  	_ =	shalt  }
0x7a: {  	_ =	shalt  }
0x7b: {  	_ =	shalt  }
0x7c: {  	_ =	shalt  }
0x7d: {  	_ =	shalt  }
0x7e: {  	_ =	shalt  }
0x7f: {  	_ =	shalt  }
0x80: {  	_ =	shalt  }
0x81: {  	_ =	shalt  }
0x82: {  	_ =	shalt  }
0x83: {  	_ =	shalt  }
0x84: {  	_ =	shalt  }
0x85: {  	_ =	shalt  }
0x86: {  	_ =	shalt  }
0x87: {  	_ =	shalt  }
.Lfunc_end0:
.L_simem_size_0:
called_computation_lowered:
.L_overlay_start_0:
0x88: {  	s2 =	sld [smem:$0x3FD9]  }
0x89: {  	s3 =	sld [smem:$0x3FFE];
	_ =	sdelay $0x1  }
0x8a: {  	s1 =	srdreg.scid  }
0x8b: {  	s0 =	sand.u32 $0x1, s1  }
0x8c: {  	s17 =	sshll.u32 s0, $0xA;
	s2 =	sadd.s32 s3, s2  }
0x8d: {  	s2 =	sadd.s32 s2, s17  }
0x8e: {  	[smem:$0x3FC6] =	sst s2  }
0x8f: {  	_ = 	snop  }
0x90: {  	s2 =	sld [smem:$0x3FD0];
	(tm) =	ssettm $0x1  }
0x91: {  	s18 =	sld [smem:$0x3FFB];
	_ =	sdelay $0x3  }
0x92: {  	_ =	strace s18  }
0x93: {  	s3 =	sld [smem:$0x3FFC];
	_ =	sdelay $0x3  }
0x94: {  	_ =	strace s3  }
0x95: {  	s3 =	sld [smem:$0x3FFD];
	_ =	sdelay $0x3  }
0x96: {  	_ =	strace s3  }
0x97: {  	_ =	strace $0x8FFFFFFF  }
0x98: {  	s19 =	sld [smem:$0x3FDB];
	_ =	sdelay $0x1  }
0x99: {  	s4 =	simm.s32 $_scs_section_size  }
0x9a: {  	s5 =	simm.s32 $_size__tile_overlayer_lowered;
	s6 =	simm.s32 $_tile_overlayer_lowered  }
0x9b: {  	s22 =	simm.s32 $0x1BFF;
	s21 =	sshll.u32 s6, $0x1;
	s3 =	sadd.s32 s4, s19  }
0x9c: {  	s7 =	simm.s32 $0x0;
	s20 =	sshll.u32 s5, $0x1;
	s5 =	sadd.s32 s21, s3  }
0x9d: {  	[timem:s7], [sflag:s22] =	dma.local [hbm:s5], s20  }
0x9e: {  	_ =	swait.ge [sflag:s22], s20  }
0x9f: {  	s4 =	ssub.s32 $0x0, s20;
	[sflag:s22] =	ssyncset.done $0x0  }
0xa0: {  	[sflag:s22] =	ssyncadd.s32 s4;
	_ =	sdelay $0x1  }
0xa1: {  	s23 =	simm.s32 $0x1B8B  }
0xa2: {  	_ =	swait.ge [sflag:s23], $0x1  }
0xa3: {  	[sflag:s23] =	ssyncset.done $0x0  }
0xa4: {  	s25 =	simm.s32 $0x1B8E;
	s24 =	sld [smem:$0x3FFE];
	[sflag:s23] =	ssyncadd.s32 $0xFFFFFFFF  }
0xa5: {  	s26 =	simm.s32 $execute0_lowered;
	[smem:$0x3FD2] =	sst s25  }
0xa6: {  	s5 =	sshll.u32 s26, $0x1;
	_ =	strace $0x80000046;
	[dreg:$0x1] =	wrdreg $0xFFFFFFFF  }
0xa7: {  	s28 =	simm.s32 $_size_execute0_lowered;
	s3 =	sadd.s32 s3, s5;
	[dreg:$0x0] =	wrdreg $0x0  }
0xa8: {  	s5 =	sshll.u32 s28, $0x1;
	[dreg:$0x2] =	wrdreg s3  }
0xa9: {  	[dreg:$0x3] =	wrdreg s5  }
0xaa: {  	[dreg:$0x4] =	wrdreg $0xC0  }
0xab: {  	_ =	task [dreg:s7], $0x5FFFF  }
0xac: {  	[dreg:$0x1] =	wrdreg $0xFFFFFFFF  }
0xad: {  	[dreg:$0x0] =	wrdreg $0x60  }
0xae: {  	[dreg:$0x2] =	wrdreg s24  }
0xaf: {  	[dreg:$0x3] =	wrdreg s2  }
0xb0: {  	[dreg:$0x4] =	wrdreg $0x9  }
0xb1: {  	_ =	task.clear_ibuf [dreg:s7], $0x5FFFF;
	_ =	strace $0x90000046  }
0xb2: {  	s29 =	simm.s32 $0x9;
	_ =	strace $0x80000048  }
0xb3: {  	_ =	swait.ge [sflag:s29], $0x1  }
0xb4: {  	[sflag:s29] =	ssyncadd.s32 $0xFFFFFFFF  }
0xb5: {  	_ =	strace $0x90000048  }
0xb6: {  	_ =	sfence  }
0xb7: {  	s30 =	sld [smem:$0x0];
	_ =	sdelay $0x2  }
0xb8: {  	s31 =	sshll.u32 s1, $0xD;
	s1 =	sshrl.u32 s1, $0x2  }
0xb9: {  	s3 =	sand.u32 $0x4000, s31;
	s1 =	sadd.s32 s1, s30  }
0xba: {  	s0 =	sor.u32 s3, s0;
	s1 =	sshll.u32 s1, $0x11  }
0xbb: {  	s0 =	sor.u32 s1, s0  }
0xbc: {  	s0 =	sadd.s32 $0x8F2B, s0  }
0xbd: {  	[sflag:s0] =	ssyncadd.remote.s32 $0x1  }
0xbe: {  	_ =	sfence.sel $0xFFFF  }
0xbf: {  	[dreg:$0x0] =	wrdreg $0xFFFFFFFF;
	(pc) =	sbr.abs _section_cstart, $3  }
0xc0: {  	[dreg:$0x1] =	wrdreg $0xFFFFFFFF  }
0xc1: {  	_ =	task.clear_ibuf [dreg:s7], $0x2FFFF;
	_ =	strace $0x9FFFFFFF  }
0xc2: {  	(tm) =	ssettm $0x7FFFFFFF  }
0xc3: {  	_ =	shalt  }
tec
execute0_lowered:
.L_overlay_start_1:
0x0: {  	(tag) =	ssettag $0x1  }
0x1: {  	v0 =	vimm.s32 $0xECA86420;
	v1 =	vimm.s32 $0xFDB97531;
	v22 =	vlaneseq.u32  }
0x2: {  	v7 =	vimm.s32 $0x27252321;
	vm0 =	vcmask $0x1F10;
	v9 =	vimm.s32 $0x4F4D4B49  }
0x3: {  	v10 =	vimm.s32 $0x57555351;
	v11 =	vimm.s32 $0x37353331;
	v12 =	vimm.s32 $0x3F3D3B39  }
0x4: {  	v14 =	vimm.s32 $0x9E9C9A98;
	v17 =	vimm.s32 $0xCECCCAC8;
	v18 =	vimm.s32 $0xC7C5C3C1  }
0x5: {  	v19 =	vimm.s32 $0xCFCDCBC9;
	v20 =	vimm.s32 $0xF6F4F2F0;
	v21 =	vimm.s32 $0xFEFCFAF8  }
0x6: {  	vm5 =	vcmask $0xF00;
	vm4 =	vcmask $0x2320;
	vm3 =	vcmask $0x2724  }
0x7: {  	vm2 =	vcmask $0x2B28;
	vm1 =	vcmask $0x2F2C;
	vm7 =	vcmask $0x300  }
0x8: {  	vm8 =	vcmask $0x704;
	vm9 =	vcmask $0xB08;
	vm10 =	vcmask $0xF0C  }
0x9: {  	vm11 =	vcmask $0x1310;
	vm12 =	vcmask $0x1714;
	vm13 =	vcmask $0x1B18  }
0xa: {  	vm14 =	vcmask $0x1F1C;
	vm6 =	vcmask $0x3734;
	vm15 =	vcmask $0x3B38  }
0xb: {  	v23 =	vimm.s32 $0x176;
	v24 =	vimm.s32 $0x177;
	v0 =	vunpack.c.l.s4.s8 v0  }
0xc: {  	v1 =	vunpack.c.l.s4.s8 v1;
	v7 =	vunpack.c.0.s8.s32 v7;
	v9 =	vunpack.c.0.s8.s32 v9  }
0xd: {  	v10 =	vunpack.c.0.s8.s32 v10;
	v11 =	vunpack.c.0.s8.s32 v11;
	v12 =	vunpack.c.0.s8.s32 v12  }
0xe: {  	v14 =	vunpack.c.0.s8.s32 v14;
	v17 =	vunpack.c.0.s8.s32 v17;
	v18 =	vunpack.c.0.s8.s32 v18  }
0xf: {  	v19 =	vunpack.c.0.s8.s32 v19;
	v23 =	vsel vm7, $0x150, v23;
	v24 =	vsel vm7, $0x151, v24  }
0x10: {  	v20 =	vunpack.c.0.s8.s32 v20;
	v23 =	vsel vm8, $0x152, v23;
	v24 =	vsel vm8, $0x153, v24  }
0x11: {  	v2 =	vunpack.c.0.s8.s32 v0;
	v3 =	vunpack.c.0.s8.s32 v1;
	v0 =	vshrl.u32 v22, $0x3  }
0x12: {  	v1 =	vimm.s32 $0x1E1C1A18;
	v23 =	vsel vm9, $0x154, v23;
	v24 =	vsel vm9, $0x155, v24  }
0x13: {  	v5 =	vunpack.c.0.s8.s32 v1;
	v1 =	vimm.s32 $0x26242220;
	v23 =	vsel vm10, $0x156, v23  }
0x14: {  	v24 =	vsel vm10, $0x157, v24;
	v4 =	vcombine.low v2, v3;
	v6 =	vunpack.c.0.s8.s32 v1  }
0x15: {  	v1 =	vimm.s32 $0x1F1D1B19;
	v2 =	vand.u32 $0xF, v2;
	v23 =	vsel vm11, $0x158, v23  }
0x16: {  	v24 =	vsel vm11, $0x159, v24;
	v8 =	vunpack.c.0.s8.s32 v1;
	v23 =	vsel vm12, $0x15A, v23  }
0x17: {  	v24 =	vsel vm12, $0x15B, v24;
	v1 =	vand.u32 $0xF, v4;
	v4 =	vsel vm0, v6, v5  }
0x18: {  	v5 =	vimm.s32 $0x4E4C4A48;
	v6 =	vimm.s32 $0x56545250;
	v23 =	vsel vm13, $0x15C, v23  }
0x19: {  	v24 =	vsel vm13, $0x15D, v24;
	v2 =	vcombine.low v2, v4;
	v4 =	vsel vm0, v7, v8  }
0x1a: {  	v5 =	vunpack.c.0.s8.s32 v5;
	v7 =	vimm.s32 $0x36343230;
	v8 =	vimm.s32 $0x3E3C3A38  }
0x1b: {  	v6 =	vunpack.c.0.s8.s32 v6;
	v7 =	vunpack.c.0.s8.s32 v7;
	v8 =	vunpack.c.0.s8.s32 v8  }
0x1c: {  	v3 =	vand.u32 $0xF, v3;
	v23 =	vsel vm14, $0x15E, v23;
	v24 =	vsel vm14, $0x15F, v24  }
0x1d: {  	v5 =	vsel vm0, v6, v5;
	v6 =	vsel vm0, v8, v7;
	v7 =	vimm.s32 $0x7E7C7A78  }
0x1e: {  	v8 =	vsel vm0, v10, v9;
	v9 =	vsel vm0, v12, v11;
	v10 =	vimm.s32 $0x86848280  }
0x1f: {  	v11 =	vimm.s32 $0x66646260;
	v12 =	vimm.s32 $0x6E6C6A68;
	v7 =	vunpack.c.0.s8.s32 v7  }
0x20: {  	v10 =	vunpack.c.0.s8.s32 v10;
	v11 =	vunpack.c.0.s8.s32 v11;
	v12 =	vunpack.c.0.s8.s32 v12  }
0x21: {  	v5 =	vcombine.low v6, v5;
	v6 =	vcombine.low v9, v8;
	v8 =	vimm.s32 $0x7F7D7B79  }
0x22: {  	v3 =	vcombine.low v3, v4;
	v23 =	vsel vm4, $0x168, v23;
	v8 =	vunpack.c.0.s8.s32 v8  }
0x23: {  	v9 =	vsel vm0, v10, v7;
	v10 =	vsel vm0, v12, v11;
	v7 =	vimm.s32 $0x87858381  }
0x24: {  	v11 =	vimm.s32 $0x67656361;
	v12 =	vimm.s32 $0x6F6D6B69;
	v13 =	vunpack.c.0.s8.s32 v7  }
0x25: {  	v24 =	vsel vm4, $0x169, v24;
	v11 =	vunpack.c.0.s8.s32 v11;
	v12 =	vunpack.c.0.s8.s32 v12  }
0x26: {  	v9 =	vcombine.low v10, v9;
	v10 =	vimm.s32 $0xAEACAAA8;
	v13 =	vsel vm0, v13, v8  }
0x27: {  	v11 =	vsel vm0, v12, v11;
	v8 =	vimm.s32 $0xB6B4B2B0;
	v12 =	vimm.s32 $0x96949290  }
0x28: {  	v10 =	vunpack.c.0.s8.s32 v10;
	v15 =	vunpack.c.0.s8.s32 v8;
	v12 =	vunpack.c.0.s8.s32 v12  }
0x29: {  	v8 =	vand.u32 $0xFF, v9;
	v9 =	vcombine.low v11, v13;
	v11 =	vimm.s32 $0xAFADABA9  }
0x2a: {  	v11 =	vunpack.c.0.s8.s32 v11;
	v13 =	vsel vm0, v15, v10;
	v12 =	vsel vm0, v14, v12  }
0x2b: {  	v10 =	vimm.s32 $0xB7B5B3B1;
	v14 =	vimm.s32 $0x97959391;
	v15 =	vimm.s32 $0x9F9D9B99  }
0x2c: {  	v16 =	vunpack.c.0.s8.s32 v10;
	v14 =	vunpack.c.0.s8.s32 v14;
	v15 =	vunpack.c.0.s8.s32 v15  }
0x2d: {  	v4 =	vor.u32 $0x2, v0;
	v23 =	vsel vm3, $0x16A, v23;
	v24 =	vsel vm3, $0x16B, v24  }
0x2e: {  	v12 =	vcombine.low v12, v13;
	v11 =	vsel vm0, v16, v11;
	v13 =	vsel vm0, v15, v14  }
0x2f: {  	v14 =	vimm.s32 $0xDEDCDAD8;
	v13 =	vcombine.low v13, v11;
	v11 =	vimm.s32 $0xE6E4E2E0  }
0x30: {  	v16 =	vimm.s32 $0xC6C4C2C0;
	v14 =	vunpack.c.0.s8.s32 v14;
	v15 =	vunpack.c.0.s8.s32 v11  }
0x31: {  	v23 =	vsel vm2, $0x16C, v23;
	v24 =	vsel vm2, $0x16D, v24;
	v16 =	vunpack.c.0.s8.s32 v16  }
0x32: {  	v23 =	vsel vm1, $0x16E, v23;
	v24 =	vsel vm1, $0x16F, v24;
	v14 =	vsel vm0, v15, v14  }
0x33: {  	v15 =	vsel vm0, v17, v16;
	v16 =	vimm.s32 $0xDFDDDBD9;
	v17 =	vimm.s32 $0xE7E5E3E1  }
0x34: {  	v7 =	vor.u32 $0x4, v0;
	v16 =	vunpack.c.0.s8.s32 v16;
	v17 =	vunpack.c.0.s8.s32 v17  }
0x35: {  	v9 =	vand.u32 $0xFF, v9;
	v10 =	vor.u32 $0x6, v0;
	v11 =	vand.u32 $0xFF, v12  }
0x36: {  	v12 =	vand.u32 $0xFF, v13;
	v14 =	vcombine.low v15, v14;
	v15 =	vsel vm0, v17, v16  }
0x37: {  	v16 =	vunpack.c.0.s8.s32 v21;
	v17 =	vsel vm0, v19, v18;
	v18 =	vand.u32 $0xFF, v20  }
0x38: {  	v14 =	vand.u32 $0xFF, v14;
	v19 =	vimm.s32 $0x146;
	v20 =	vimm.s32 $0xFFFDFBF9  }
0x39: {  	v21 =	vimm.s32 $0x147;
	v15 =	vcombine.low v17, v15;
	v17 =	vnsel vm5, $0x116, v18  }
0x3a: {  	v18 =	vimm.s32 $0xF7F5F3F1;
	v19 =	vsel vm7, $0x120, v19;
	v20 =	vunpack.c.0.s8.s32 v20  }
0x3b: {  	v21 =	vsel vm7, $0x121, v21;
	v16 =	vand.u32 $0xFF, v16;
	v18 =	vunpack.c.0.s8.s32 v18  }
0x3c: {  	v19 =	vsel vm8, $0x122, v19;
	v21 =	vsel vm8, $0x123, v21;
	v16 =	vsel vm0, v16, v17  }
0x3d: {  	v15 =	vand.u32 $0xFF, v15;
	v19 =	vsel vm9, $0x124, v19;
	v20 =	vand.u32 $0xFF, v20  }
0x3e: {  	v21 =	vsel vm9, $0x125, v21;
	v17 =	vsel vm4, $0x108, v16;
	v18 =	vand.u32 $0xFF, v18  }
0x3f: {  	s5 =	rddreg [dreg:$0x0];
	v19 =	vsel vm10, $0x126, v19;
	v21 =	vsel vm10, $0x127, v21;
	v17 =	vsel vm3, $0x10A, v17  }
0x40: {  	s1 =	rddreg [dreg:$0x1];
	s2 =	simm.s32 $0x0;
	v18 =	vnsel vm5, $0x117, v18;
	v19 =	vsel vm11, $0x128, v19;
	v21 =	vsel vm11, $0x129, v21  }
0x41: {  	[smem:$0x7FF] =	sst s2;
	v17 =	vsel vm2, $0x10C, v17;
	v19 =	vsel vm12, $0x12A, v19;
	v18 =	vsel vm0, v20, v18  }
0x42: {  	s0 =	rddreg [dreg:$0x2];
	_ =	strace $0x80000047;
	[tilespmem:$0x1FED0] =	vst v2;
	vm0 =	vcmask $0x3330;
	v21 =	vsel vm12, $0x12B, v21;
	v17 =	vsel vm1, $0x10E, v17  }
0x43: {  	[tilespmem:$0x1FEE0] =	vst v3;
	v19 =	vsel vm13, $0x12C, v19;
	v18 =	vsel vm4, $0x109, v18;
	v21 =	vsel vm13, $0x12D, v21  }
0x44: {  	[tilespmem:$0x1FEF0] =	vst v5;
	v23 =	vsel vm0, $0x170, v23;
	v24 =	vsel vm0, $0x171, v24;
	v19 =	vsel vm14, $0x12E, v19  }
0x45: {  	[tilespmem:$0x1FF00] =	vst v6;
	v17 =	vsel vm0, $0x110, v17;
	v18 =	vsel vm3, $0x10B, v18;
	v21 =	vsel vm14, $0x12F, v21  }
0x46: {  	[tilespmem:$0x1FF10] =	vst v8;
	v25 =	vsel vm6, $0x172, v23;
	v19 =	vsel vm4, $0x138, v19;
	v18 =	vsel vm2, $0x10D, v18  }
0x47: {  	[tilespmem:$0x1FF20] =	vst v9;
	v17 =	vsel vm6, $0x112, v17;
	v21 =	vsel vm4, $0x139, v21;
	v19 =	vsel vm3, $0x13A, v19  }
0x48: {  	[tilespmem:$0x1FF30] =	vst v11;
	v18 =	vsel vm1, $0x10F, v18;
	v21 =	vsel vm3, $0x13B, v21;
	v19 =	vsel vm2, $0x13C, v19  }
0x49: {  	[tilespmem:$0x1FF40] =	vst v12;
	v17 =	vsel vm15, $0x114, v17;
	v21 =	vsel vm2, $0x13D, v21;
	v19 =	vsel vm1, $0x13E, v19  }
0x4a: {  	[tilespmem:$0x1FF50] =	vst v14;
	v18 =	vsel vm0, $0x111, v18;
	v21 =	vsel vm1, $0x13F, v21;
	v19 =	vsel vm0, $0x140, v19  }
0x4b: {  	[tilespmem:$0x1FF60] =	vst v15;
	v18 =	vsel vm6, $0x113, v18;
	v21 =	vsel vm0, $0x141, v21;
	v20 =	vsel vm6, $0x142, v19  }
0x4c: {  	[tilespmem:$0x1FF70] =	vst v17;
	v18 =	vsel vm15, $0x115, v18;
	v21 =	vsel vm6, $0x143, v21;
	v40 =	vsel vm15, $0x144, v20  }
0x4d: {  	s4 =	srdreg.scid;
	s3 =	stileid.u32;
	[tilespmem:$0x1FF80] =	vst v18;
	v28 =	vsel vm15, $0x145, v21;
	v20 =	vmul.u32 $0x18, v22;
	v21 =	vsel vm15, $0x174, v25  }
0x4e: {  	s10 =	simm.s32 $0x3;
	s12 =	simm.s32 $0x1000;
	s13 =	simm.s32 $0x15680;
	v13 =	vor.u32 $0x8, v0;
	v16 =	vor.u32 $0xA, v0;
	v26 =	vsel vm6, $0x173, v24;
	[tilespmem:$0x1FFA0] =	vst v21  }
0x4f: {  	s11 =	simm.s32 $0x80;
	s14 =	simm.s32 $0x400;
	s15 =	simm.s32 $0x8000;
	v23 =	vor.u32 $0xE, v0;
	v31 =	vsel vm15, $0x175, v26;
	v22 =	vadd.s32 $0xB, v20;
	[tilespmem:$0x1FF90] =	vst v20  }
0x50: {  	s16 =	simm.s32 $0x10680;
	s17 =	simm.s32 $0x0;
	s6 =	sand.u32 $0x1, s4;
	v19 =	vor.u32 $0xC, v0;
	v32 =	vor.u32 $0x1, v20;
	v61 =	vadd.s32 $0xC, v20;
	[tilespmem:$0x1FFB0] =	vst v22  }
0x51: {  	s8 =	sshll.u32 s3, $0x1;
	s4 =	sadd.s32 $0xC00, s5;
	s7 =	ssub.s32 $0x2, s6;
	v33 =	vor.u32 $0x2, v20;
	v34 =	vor.u32 $0x3, v20;
	v62 =	vadd.s32 $0xD, v20;
	[tilespmem:$0x1FFC0] =	vst v61  }
0x52: {  	s5 =	sadd.s32 $0x400, s5;
	s8 =	sor.u32 s6, s8;
	s9 =	sshrl.u32 s7, $0x1;
	v35 =	vor.u32 $0x4, v20;
	v36 =	vor.u32 $0x5, v20;
	v63 =	vadd.s32 $0xE, v20;
	[tilespmem:$0x1FFD0] =	vst v62  }
0x53: {  	s31 =	sshll.u32 s8, $0x4;
	s6 =	sshll.u32 s8, $0x7;
	s9 =	ssub.s32 s7, s9;
	v37 =	vor.u32 $0x6, v20;
	v38 =	vor.u32 $0x7, v20;
	v27 =	vadd.s32 $0xF, v20;
	[tilespmem:$0x1FFE0] =	vst v63  }
0x54: {  	s8 =	sshll.u32 s8, $0xA;
	s7 =	sadd.s32 s4, s31;
	s9 =	smax.u32 s9, $0x1;
	v39 =	vadd.s32 $0x8, v20;
	v30 =	vadd.s32 $0x9, v20;
	v29 =	vadd.s32 $0xA, v20;
	[tilespmem:$0x1FFF0] =	vst v27  }
.LBB2_1:
0x55: {  	[tilespmem:s2], [sflag:$0x3] =	stream.linear.gather [hbm4b:s5+s2], $0x3E80, $0x38;
	[tilespmem:$0x15800] =	vst v63  }
0x56: {  	_ =	swait.ge [sflag:s10], $0x3E80  }
0x57: {  	[sflag:s10] =	ssyncset.done $0x0  }
0x58: {  	s18 =	smov.u32 s7;
	s19 =	simm.s32 $0x0;
	[sflag:s10] =	ssyncadd.s32 $0xFFFFC180  }
.LBB2_2:
0x59: {  	p0 =	sne.s32 s19, $0x17C00  }
.Ltmp0:
0x5a: {  	_ = 	snop;
	(pc) =	sbr.rel @p0 .LBB2_2-.Ltmp0, $4  }
0x5b: {  	s20 =	sshra.s32 s19, $0x2  }
0x5c: {  	s20 =	sadd.s32 $0x3E80, s20  }
0x5d: {  	[tilespmem:s20], [sflag:$0x1] =	stream.strided.gather [hbm4b:s18+s11], $0x500, s12, s11, $0x38;
	[tilespmem:$0x15800] =	vst v63  }
0x5e: {  	s19 =	sadd.s32 $0x1400, s19;
	s18 =	sadd.s32 $0x6400, s18  }
0x5f: {  	s19 =	simm.s32 $0x0;
	p0 =	por $0x1, $0x1;
	p1 =	por $0x0, $0x0  }
.LBB2_4:
0x60: {  	p2 =	seq.s32 s19, $0x4  }
.Ltmp1:
0x61: {  	_ = 	snop;
	(pc) =	sbr.rel @p2 .LBB2_7-.Ltmp1, $2  }
0x62: {  	_ =	sdelay $0x2  }
0x63: {  	s20 =	sand.u32 $0x1, s19;
	s18 =	sadd.s32 $0x1, s19  }
0x64: {  	s21 =	simm.s32 $0x1  }
0x65: {  	s22 =	smul.u32 $0xA000, s18;
	s21 =	simm.s32 @!p0 $0x0  }
0x66: {  	s21 =	smul.u32 $0x19000, s21;
	_ =	sdelay $0x1  }
0x67: {  	s23 =	sxor.u32 $0x1, s20;
	s22 =	sor.u32 s6, s22;
	s21 =	sshrl.u32 s21, $0x2  }
0x68: {  	s24 =	sshrl.u32 s22, $0x3;
	s22 =	sadd.s32 $0x1, s23;
	s21 =	sadd.s32 $0x3E80, s21  }
0x69: {  	s23 =	sadd.s32 s4, s24;
	s24 =	simm.s32 $0x1400;
	s31 =	sadd.s32 $0x0, s21  }
0x6a: {  	[tilespmem:s31], [sflag:s22] =	stream.strided.gather [hbm4b:s23+s11], $0x500, s12, s11, $0x38;
	[tilespmem:$0x15800] =	vst v63  }
.LBB2_6:
0x6b: {  	p2 =	sne.s32 s24, $0x17C00  }
.Ltmp2:
0x6c: {  	_ = 	snop;
	(pc) =	sbr.rel @p2 .LBB2_6-.Ltmp2, $4  }
0x6d: {  	_ = 	snop  }
0x6e: {  	s25 =	sshra.s32 s24, $0x2;
	s24 =	sadd.s32 $0x1400, s24  }
0x6f: {  	s23 =	sadd.s32 $0x6400, s23;
	s25 =	sadd.s32 s25, s21  }
0x70: {  	[tilespmem:s25], [sflag:s22] =	stream.strided.gather [hbm4b:s23+s11], $0x500, s12, s11, $0x38;
	[tilespmem:$0x15800] =	vst v63  }
.LBB2_7:
0x71: {  	s21 =	simm.s32 $0x1  }
0x72: {  	s22 =	sadd.s32 $0x1, s20;
	s21 =	simm.s32 @!p1 $0x0  }
0x73: {  	_ =	swait.ge [sflag:s22], $0x6400;
	s21 =	smul.u32 $0x19000, s21  }
0x74: {  	[sflag:s22] =	ssyncset.done $0x0  }
0x75: {  	[sflag:s22] =	ssyncadd.s32 $0xFFFF9C00;
	s31 =	sshrl.u32 s21, $0x2  }
0x76: {  	s22 =	simm.s32 $0x10680;
	s21 =	simm.s32 $0x0;
	s20 =	sadd.s32 $0x3E80, s31  }
.LBB2_8:
0x77: {  	v41 =	vmov s20;
	_ =	sdelay $0x2  }
0x78: {  	v42 =	vmov s22;
	s23 =	simm.s32 $0x0  }
.LBB2_9:
0x79: {  	s24 =	sshra.s32 s23, $0x2  }
0x7a: {  	v62 =	vld.idx.msk [tilespmem:v41+s24+$0x0 ss:$0x1], $0xffff  }
0x7b: {  	v61 =	vld.idx.msk [tilespmem:v41+s24+$0x500 ss:$0x1], $0xffff  }
0x7c: {  	v60 =	vld.idx.msk [tilespmem:v41+s24+$0xA00 ss:$0x1], $0xffff  }
0x7d: {  	v59 =	vld.idx.msk [tilespmem:v41+s24+$0xF00 ss:$0x1], $0xffff  }
0x7e: {  	v58 =	vld.idx.msk [tilespmem:v41+s24+$0x1400 ss:$0x1], $0xffff  }
0x7f: {  	v57 =	vld.idx.msk [tilespmem:v41+s24+$0x1900 ss:$0x1], $0xffff  }
0x80: {  	v56 =	vld.idx.msk [tilespmem:v41+s24+$0x1E00 ss:$0x1], $0xffff  }
0x81: {  	v55 =	vld.idx.msk [tilespmem:v41+s24+$0x2300 ss:$0x1], $0xffff  }
0x82: {  	v54 =	vld.idx.msk [tilespmem:v41+s24+$0x2800 ss:$0x1], $0xffff  }
0x83: {  	v53 =	vld.idx.msk [tilespmem:v41+s24+$0x2D00 ss:$0x1], $0xffff  }
0x84: {  	v52 =	vld.idx.msk [tilespmem:v41+s24+$0x3200 ss:$0x1], $0xffff  }
0x85: {  	v51 =	vld.idx.msk [tilespmem:v41+s24+$0x3700 ss:$0x1], $0xffff  }
0x86: {  	v50 =	vld.idx.msk [tilespmem:v41+s24+$0x3C00 ss:$0x1], $0xffff;
	v43 =	vperm.xlane v62, v0  }
0x87: {  	v49 =	vld.idx.msk [tilespmem:v41+s24+$0x4100 ss:$0x1], $0xffff;
	v44 =	vperm.xlane v61, v0  }
0x88: {  	v48 =	vld.idx.msk [tilespmem:v41+s24+$0x4600 ss:$0x1], $0xffff;
	v46 =	vperm.xlane v60, v0;
	v45 =	vshll.u32 v43, $0x4  }
0x89: {  	v47 =	vperm.xlane v59, v0;
	v43 =	vld.idx.msk [tilespmem:v41+s24+$0x4B00 ss:$0x1], $0xffff;
	v26 =	vshll.u32 v44, $0x4;
	v63 =	vor.u32 v1, v45  }
0x8a: {  	v3 =	vperm.xlane v58, v0;
	v44 =	vld.idx.msk [tilespmem:v41+s24+$0x5000 ss:$0x1], $0xffff;
	v46 =	vshll.u32 v46, $0x4;
	v2 =	vor.u32 v1, v26  }
0x8b: {  	v6 =	vperm.xlane v57, v0;
	v47 =	vshll.u32 v47, $0x4;
	v45 =	vld.idx.msk [tilespmem:v41+s24+$0x5500 ss:$0x1], $0xffff;
	v5 =	vor.u32 v1, v46  }
0x8c: {  	v9 =	vperm.xlane v56, v0;
	v3 =	vshll.u32 v3, $0x4;
	v46 =	vld.idx.msk [tilespmem:v41+s24+$0x5A00 ss:$0x1], $0xffff;
	v8 =	vor.u32 v1, v47  }
0x8d: {  	v11 =	vperm.xlane v55, v0;
	v6 =	vshll.u32 v6, $0x4;
	v47 =	vld.idx.msk [tilespmem:v41+s24+$0x5F00 ss:$0x1], $0xffff;
	v3 =	vor.u32 v1, v3  }
0x8e: {  	v12 =	vperm.xlane v54, v0;
	v9 =	vshll.u32 v9, $0x4;
	v6 =	vor.u32 v1, v6;
	v63 =	vld.idx.msk [tilespmem:v63+s2+$0x0], $0xffff  }
0x8f: {  	v14 =	vperm.xlane v53, v0;
	v11 =	vshll.u32 v11, $0x4;
	v9 =	vor.u32 v1, v9;
	v2 =	vld.idx.msk [tilespmem:v2+s2+$0x0], $0xffff  }
0x90: {  	v15 =	vperm.xlane v52, v0;
	v12 =	vshll.u32 v12, $0x4;
	v11 =	vor.u32 v1, v11;
	v5 =	vld.idx.msk [tilespmem:v5+s2+$0x0], $0xffff  }
0x91: {  	v17 =	vperm.xlane v51, v0;
	v14 =	vshll.u32 v14, $0x4;
	v12 =	vor.u32 v1, v12;
	v8 =	vld.idx.msk [tilespmem:v8+s2+$0x0], $0xffff  }
0x92: {  	v18 =	vperm.xlane v50, v0;
	v15 =	vshll.u32 v15, $0x4;
	v14 =	vor.u32 v1, v14;
	v3 =	vld.idx.msk [tilespmem:v3+s2+$0x0], $0xffff  }
0x93: {  	v20 =	vperm.xlane v49, v0;
	v17 =	vshll.u32 v17, $0x4;
	v15 =	vor.u32 v1, v15;
	v6 =	vld.idx.msk [tilespmem:v6+s2+$0x0], $0xffff  }
0x94: {  	v21 =	vperm.xlane v48, v0;
	v18 =	vshll.u32 v18, $0x4;
	v17 =	vor.u32 v1, v17;
	v9 =	vld.idx.msk [tilespmem:v9+s2+$0x0], $0xffff  }
0x95: {  	v20 =	vshll.u32 v20, $0x4;
	v18 =	vor.u32 v1, v18;
	v22 =	vperm.xlane v43, v0;
	v11 =	vld.idx.msk [tilespmem:v11+s2+$0x0], $0xffff  }
0x96: {  	v21 =	vshll.u32 v21, $0x4;
	v20 =	vor.u32 v1, v20;
	v24 =	vperm.xlane v44, v0;
	v12 =	vld.idx.msk [tilespmem:v12+s2+$0x0], $0xffff  }
0x97: {  	v21 =	vor.u32 v1, v21;
	v14 =	vld.idx.msk [tilespmem:v14+s2+$0x0], $0xffff;
	v25 =	vperm.xlane v45, v0;
	v22 =	vshll.u32 v22, $0x4  }
0x98: {  	v15 =	vld.idx.msk [tilespmem:v15+s2+$0x0], $0xffff;
	v26 =	vperm.xlane v46, v0;
	v24 =	vshll.u32 v24, $0x4;
	v22 =	vor.u32 v1, v22  }
0x99: {  	v17 =	vld.idx.msk [tilespmem:v17+s2+$0x0], $0xffff;
	v27 =	vperm.xlane v47, v0;
	v24 =	vor.u32 v1, v24;
	v25 =	vshll.u32 v25, $0x4  }
0x9a: {  	v18 =	vld.idx.msk [tilespmem:v18+s2+$0x0], $0xffff;
	v26 =	vshll.u32 v26, $0x4;
	v25 =	vor.u32 v1, v25  }
0x9b: {  	v20 =	vld.idx.msk [tilespmem:v20+s2+$0x0], $0xffff;
	v27 =	vshll.u32 v27, $0x4;
	v26 =	vor.u32 v1, v26  }
0x9c: {  	v21 =	vld.idx.msk [tilespmem:v21+s2+$0x0], $0xffff;
	v27 =	vor.u32 v1, v27  }
0x9d: {  	v22 =	vld.idx.msk [tilespmem:v22+s2+$0x0], $0xffff  }
0x9e: {  	v24 =	vld.idx.msk [tilespmem:v24+s2+$0x0], $0xffff  }
0x9f: {  	v25 =	vld.idx.msk [tilespmem:v25+s2+$0x0], $0xffff  }
0xa0: {  	v26 =	vld.idx.msk [tilespmem:v26+s2+$0x0], $0xffff  }
0xa1: {  	v27 =	vld.idx.msk [tilespmem:v27+s2+$0x0], $0xffff  }
0xa2: {  	v2 =	vmax.bf16 v63, v2;
	v5 =	vmax.bf16 v5, v8  }
0xa3: {  	v3 =	vmax.bf16 v3, v6;
	v6 =	vmax.bf16 v9, v11;
	v8 =	vmax.bf16 v12, v14  }
0xa4: {  	v9 =	vmax.bf16 v15, v17;
	v11 =	vmax.bf16 v18, v20;
	v2 =	vmax.bf16 v2, v5  }
0xa5: {  	v3 =	vmax.bf16 v3, v6;
	v5 =	vmax.bf16 v8, v9;
	v12 =	vmax.bf16 v21, v22  }
0xa6: {  	v14 =	vmax.bf16 v24, v25;
	v6 =	vmax.bf16 v11, v12;
	v8 =	vmax.bf16 v26, v27  }
0xa7: {  	v2 =	vmax.bf16 v2, v3;
	v3 =	vmax.bf16 v5, v6;
	v5 =	vmax.bf16 v14, v8;
	v14 =	vld [tilespmem:$0x1FED0];
	_ =	sdelay $0x4  }
0xa8: {  	v2 =	vmax.bf16 v2, v3  }
0xa9: {  	v2 =	vmax.bf16 v2, v5  }
0xaa: {  	v5 =	vshll.u32 v2, $0x10  }
0xab: {  	v9 =	vperm.xlane v59, v4;
	[tilespmem:v14+s13+$0x0] =	vst.idx.msk $0xffff, v5;
	v14 =	vld [tilespmem:$0x1FEE0]  }
0xac: {  	v6 =	vperm.xlane v61, v4;
	v3 =	vperm.xlane v62, v4  }
0xad: {  	v15 =	vperm.xlane v53, v4;
	v9 =	vshll.u32 v9, $0x4;
	v8 =	vperm.xlane v60, v4  }
0xae: {  	v11 =	vperm.xlane v58, v4;
	v6 =	vshll.u32 v6, $0x4;
	v3 =	vshll.u32 v3, $0x4  }
0xaf: {  	v8 =	vshll.u32 v8, $0x4;
	v6 =	vor.u32 v1, v6;
	v3 =	vor.u32 v1, v3  }
0xb0: {  	v5 =	vor.u32 v1, v9;
	v9 =	vshll.u32 v11, $0x4;
	v11 =	vperm.xlane v56, v4  }
0xb1: {  	v17 =	vperm.xlane v52, v4;
	v18 =	vperm.xlane v51, v4;
	v8 =	vor.u32 v1, v8  }
0xb2: {  	v20 =	vperm.xlane v50, v4;
	v2 =	vand.u32 $0xFFFF0000, v2;
	v11 =	vshll.u32 v11, $0x4  }
0xb3: {  	v63 =	vperm.xlane v43, v4;
	v15 =	vshll.u32 v15, $0x4;
	v11 =	vor.u32 v1, v11;
	[tilespmem:v14+s13+$0x0] =	vst.idx.msk $0xffff, v2  }
0xb4: {  	v17 =	vshll.u32 v17, $0x4;
	v18 =	vshll.u32 v18, $0x4;
	v15 =	vor.u32 v1, v15;
	v3 =	vld.idx.msk [tilespmem:v3+s2+$0x0], $0xffff  }
0xb5: {  	v20 =	vshll.u32 v20, $0x4;
	v17 =	vor.u32 v1, v17;
	v21 =	vperm.xlane v49, v4;
	v6 =	vld.idx.msk [tilespmem:v6+s2+$0x0], $0xffff  }
0xb6: {  	v18 =	vor.u32 v1, v18;
	v20 =	vor.u32 v1, v20;
	v22 =	vperm.xlane v48, v4;
	v8 =	vld.idx.msk [tilespmem:v8+s2+$0x0], $0xffff  }
0xb7: {  	v25 =	vperm.xlane v44, v4;
	v24 =	vshll.u32 v63, $0x4;
	v21 =	vshll.u32 v21, $0x4;
	v5 =	vld.idx.msk [tilespmem:v5+s2+$0x0], $0xffff  }
0xb8: {  	v63 =	vperm.xlane v45, v4;
	v22 =	vshll.u32 v22, $0x4;
	v21 =	vor.u32 v1, v21;
	v11 =	vld.idx.msk [tilespmem:v11+s2+$0x0], $0xffff  }
0xb9: {  	v12 =	vperm.xlane v57, v4;
	v22 =	vor.u32 v1, v22;
	v15 =	vld.idx.msk [tilespmem:v15+s2+$0x0], $0xffff  }
0xba: {  	v24 =	vor.u32 v1, v24;
	v25 =	vshll.u32 v25, $0x4;
	v26 =	vshll.u32 v63, $0x4;
	v17 =	vld.idx.msk [tilespmem:v17+s2+$0x0], $0xffff  }
0xbb: {  	v25 =	vor.u32 v1, v25;
	v26 =	vor.u32 v1, v26;
	v18 =	vld.idx.msk [tilespmem:v18+s2+$0x0], $0xffff  }
0xbc: {  	v2 =	vor.u32 v1, v9;
	v9 =	vshll.u32 v12, $0x4;
	v12 =	vperm.xlane v55, v4;
	v20 =	vld.idx.msk [tilespmem:v20+s2+$0x0], $0xffff  }
0xbd: {  	v14 =	vperm.xlane v54, v4;
	v21 =	vld.idx.msk [tilespmem:v21+s2+$0x0], $0xffff  }
0xbe: {  	v27 =	vperm.xlane v46, v4;
	v9 =	vor.u32 v1, v9;
	v22 =	vld.idx.msk [tilespmem:v22+s2+$0x0], $0xffff;
	v12 =	vshll.u32 v12, $0x4  }
0xbf: {  	v63 =	vperm.xlane v47, v4;
	v24 =	vld.idx.msk [tilespmem:v24+s2+$0x0], $0xffff;
	v14 =	vshll.u32 v14, $0x4;
	v12 =	vor.u32 v1, v12  }
0xc0: {  	v27 =	vshll.u32 v27, $0x4;
	v25 =	vld.idx.msk [tilespmem:v25+s2+$0x0], $0xffff;
	v14 =	vor.u32 v1, v14  }
0xc1: {  	v27 =	vor.u32 v1, v27;
	v63 =	vshll.u32 v63, $0x4;
	v26 =	vld.idx.msk [tilespmem:v26+s2+$0x0], $0xffff  }
0xc2: {  	v63 =	vor.u32 v1, v63;
	v2 =	vld.idx.msk [tilespmem:v2+s2+$0x0], $0xffff  }
0xc3: {  	v9 =	vld.idx.msk [tilespmem:v9+s2+$0x0], $0xffff  }
0xc4: {  	v12 =	vld.idx.msk [tilespmem:v12+s2+$0x0], $0xffff  }
0xc5: {  	v14 =	vld.idx.msk [tilespmem:v14+s2+$0x0], $0xffff  }
0xc6: {  	v27 =	vld.idx.msk [tilespmem:v27+s2+$0x0], $0xffff  }
0xc7: {  	v63 =	vld.idx.msk [tilespmem:v63+s2+$0x0], $0xffff  }
0xc8: {  	v3 =	vmax.bf16 v3, v6;
	v5 =	vmax.bf16 v8, v5  }
0xc9: {  	v3 =	vmax.bf16 v3, v5;
	v2 =	vmax.bf16 v2, v9;
	v9 =	vmax.bf16 v17, v18  }
0xca: {  	v6 =	vmax.bf16 v11, v12;
	v8 =	vmax.bf16 v14, v15;
	v11 =	vmax.bf16 v20, v21  }
0xcb: {  	v12 =	vmax.bf16 v22, v24;
	v14 =	vmax.bf16 v25, v26;
	v2 =	vmax.bf16 v2, v6  }
0xcc: {  	v5 =	vmax.bf16 v8, v9;
	v6 =	vmax.bf16 v11, v12;
	v8 =	vmax.bf16 v27, v63  }
0xcd: {  	v2 =	vmax.bf16 v3, v2;
	v3 =	vmax.bf16 v5, v6;
	v5 =	vmax.bf16 v14, v8;
	v14 =	vld [tilespmem:$0x1FEF0];
	_ =	sdelay $0x4  }
0xce: {  	v2 =	vmax.bf16 v2, v3  }
0xcf: {  	v2 =	vmax.bf16 v2, v5  }
0xd0: {  	v5 =	vshll.u32 v2, $0x10  }
0xd1: {  	v17 =	vperm.xlane v52, v7;
	v9 =	vperm.xlane v59, v7;
	[tilespmem:v14+s13+$0x0] =	vst.idx.msk $0xffff, v5;
	v14 =	vld [tilespmem:$0x1FF00]  }
0xd2: {  	v6 =	vperm.xlane v61, v7;
	v3 =	vperm.xlane v62, v7  }
0xd3: {  	v11 =	vperm.xlane v58, v7;
	v8 =	vperm.xlane v60, v7  }
0xd4: {  	v9 =	vshll.u32 v9, $0x4;
	v6 =	vshll.u32 v6, $0x4;
	v3 =	vshll.u32 v3, $0x4  }
0xd5: {  	v8 =	vshll.u32 v8, $0x4;
	v6 =	vor.u32 v1, v6;
	v3 =	vor.u32 v1, v3  }
0xd6: {  	v5 =	vor.u32 v1, v9;
	v9 =	vshll.u32 v11, $0x4;
	v11 =	vperm.xlane v56, v7  }
0xd7: {  	v18 =	vperm.xlane v51, v7;
	v15 =	vperm.xlane v53, v7;
	v8 =	vor.u32 v1, v8  }
0xd8: {  	v17 =	vshll.u32 v17, $0x4;
	v2 =	vand.u32 $0xFFFF0000, v2;
	v11 =	vshll.u32 v11, $0x4  }
0xd9: {  	v20 =	vperm.xlane v50, v7;
	v15 =	vshll.u32 v15, $0x4;
	v11 =	vor.u32 v1, v11;
	[tilespmem:v14+s13+$0x0] =	vst.idx.msk $0xffff, v2  }
0xda: {  	v18 =	vshll.u32 v18, $0x4;
	v21 =	vperm.xlane v49, v7;
	v15 =	vor.u32 v1, v15;
	v3 =	vld.idx.msk [tilespmem:v3+s2+$0x0], $0xffff  }
0xdb: {  	v22 =	vperm.xlane v48, v7;
	v25 =	vperm.xlane v44, v7;
	v17 =	vor.u32 v1, v17;
	v6 =	vld.idx.msk [tilespmem:v6+s2+$0x0], $0xffff  }
0xdc: {  	v18 =	vor.u32 v1, v18;
	v63 =	vperm.xlane v43, v7;
	v20 =	vshll.u32 v20, $0x4;
	v8 =	vld.idx.msk [tilespmem:v8+s2+$0x0], $0xffff  }
0xdd: {  	v21 =	vshll.u32 v21, $0x4;
	v22 =	vshll.u32 v22, $0x4;
	v20 =	vor.u32 v1, v20;
	v5 =	vld.idx.msk [tilespmem:v5+s2+$0x0], $0xffff  }
0xde: {  	v21 =	vor.u32 v1, v21;
	v24 =	vshll.u32 v63, $0x4;
	v63 =	vperm.xlane v45, v7;
	v11 =	vld.idx.msk [tilespmem:v11+s2+$0x0], $0xffff  }
0xdf: {  	v12 =	vperm.xlane v57, v7;
	v22 =	vor.u32 v1, v22;
	v15 =	vld.idx.msk [tilespmem:v15+s2+$0x0], $0xffff  }
0xe0: {  	v25 =	vshll.u32 v25, $0x4;
	v24 =	vor.u32 v1, v24;
	v26 =	vshll.u32 v63, $0x4;
	v17 =	vld.idx.msk [tilespmem:v17+s2+$0x0], $0xffff  }
0xe1: {  	v25 =	vor.u32 v1, v25;
	v26 =	vor.u32 v1, v26;
	v18 =	vld.idx.msk [tilespmem:v18+s2+$0x0], $0xffff  }
0xe2: {  	v2 =	vor.u32 v1, v9;
	v9 =	vshll.u32 v12, $0x4;
	v12 =	vperm.xlane v55, v7;
	v20 =	vld.idx.msk [tilespmem:v20+s2+$0x0], $0xffff  }
0xe3: {  	v14 =	vperm.xlane v54, v7;
	v21 =	vld.idx.msk [tilespmem:v21+s2+$0x0], $0xffff  }
0xe4: {  	v27 =	vperm.xlane v46, v7;
	v9 =	vor.u32 v1, v9;
	v22 =	vld.idx.msk [tilespmem:v22+s2+$0x0], $0xffff;
	v12 =	vshll.u32 v12, $0x4  }
0xe5: {  	v63 =	vperm.xlane v47, v7;
	v24 =	vld.idx.msk [tilespmem:v24+s2+$0x0], $0xffff;
	v14 =	vshll.u32 v14, $0x4;
	v12 =	vor.u32 v1, v12  }
0xe6: {  	v27 =	vshll.u32 v27, $0x4;
	v25 =	vld.idx.msk [tilespmem:v25+s2+$0x0], $0xffff;
	v14 =	vor.u32 v1, v14  }
0xe7: {  	v27 =	vor.u32 v1, v27;
	v63 =	vshll.u32 v63, $0x4;
	v26 =	vld.idx.msk [tilespmem:v26+s2+$0x0], $0xffff  }
0xe8: {  	v63 =	vor.u32 v1, v63;
	v2 =	vld.idx.msk [tilespmem:v2+s2+$0x0], $0xffff  }
0xe9: {  	v9 =	vld.idx.msk [tilespmem:v9+s2+$0x0], $0xffff  }
0xea: {  	v12 =	vld.idx.msk [tilespmem:v12+s2+$0x0], $0xffff  }
0xeb: {  	v14 =	vld.idx.msk [tilespmem:v14+s2+$0x0], $0xffff  }
0xec: {  	v27 =	vld.idx.msk [tilespmem:v27+s2+$0x0], $0xffff  }
0xed: {  	v63 =	vld.idx.msk [tilespmem:v63+s2+$0x0], $0xffff  }
0xee: {  	v3 =	vmax.bf16 v3, v6;
	v5 =	vmax.bf16 v8, v5  }
0xef: {  	v3 =	vmax.bf16 v3, v5;
	v2 =	vmax.bf16 v2, v9;
	v9 =	vmax.bf16 v17, v18  }
0xf0: {  	v6 =	vmax.bf16 v11, v12;
	v8 =	vmax.bf16 v14, v15;
	v11 =	vmax.bf16 v20, v21  }
0xf1: {  	v12 =	vmax.bf16 v22, v24;
	v14 =	vmax.bf16 v25, v26;
	v2 =	vmax.bf16 v2, v6  }
0xf2: {  	v5 =	vmax.bf16 v8, v9;
	v6 =	vmax.bf16 v11, v12;
	v8 =	vmax.bf16 v27, v63  }
0xf3: {  	v2 =	vmax.bf16 v3, v2;
	v3 =	vmax.bf16 v5, v6;
	v5 =	vmax.bf16 v14, v8;
	v14 =	vld [tilespmem:$0x1FF10];
	_ =	sdelay $0x4  }
0xf4: {  	v2 =	vmax.bf16 v2, v3  }
0xf5: {  	v2 =	vmax.bf16 v2, v5  }
0xf6: {  	v5 =	vshll.u32 v2, $0x10  }
0xf7: {  	v17 =	vperm.xlane v52, v10;
	v9 =	vperm.xlane v59, v10;
	[tilespmem:v14+s13+$0x0] =	vst.idx.msk $0xffff, v5;
	v14 =	vld [tilespmem:$0x1FF20]  }
0xf8: {  	v6 =	vperm.xlane v61, v10;
	v3 =	vperm.xlane v62, v10  }
0xf9: {  	v11 =	vperm.xlane v58, v10;
	v8 =	vperm.xlane v60, v10  }
0xfa: {  	v9 =	vshll.u32 v9, $0x4;
	v6 =	vshll.u32 v6, $0x4;
	v3 =	vshll.u32 v3, $0x4  }
0xfb: {  	v8 =	vshll.u32 v8, $0x4;
	v6 =	vor.u32 v1, v6;
	v3 =	vor.u32 v1, v3  }
0xfc: {  	v5 =	vor.u32 v1, v9;
	v9 =	vshll.u32 v11, $0x4;
	v11 =	vperm.xlane v56, v10  }
0xfd: {  	v18 =	vperm.xlane v51, v10;
	v15 =	vperm.xlane v53, v10;
	v8 =	vor.u32 v1, v8  }
0xfe: {  	v17 =	vshll.u32 v17, $0x4;
	v2 =	vand.u32 $0xFFFF0000, v2;
	v11 =	vshll.u32 v11, $0x4  }
0xff: {  	v20 =	vperm.xlane v50, v10;
	v15 =	vshll.u32 v15, $0x4;
	v11 =	vor.u32 v1, v11;
	[tilespmem:v14+s13+$0x0] =	vst.idx.msk $0xffff, v2  }
0x100: {  	v18 =	vshll.u32 v18, $0x4;
	v21 =	vperm.xlane v49, v10;
	v15 =	vor.u32 v1, v15;
	v3 =	vld.idx.msk [tilespmem:v3+s2+$0x0], $0xffff  }
0x101: {  	v22 =	vperm.xlane v48, v10;
	v25 =	vperm.xlane v44, v10;
	v17 =	vor.u32 v1, v17;
	v6 =	vld.idx.msk [tilespmem:v6+s2+$0x0], $0xffff  }
0x102: {  	v18 =	vor.u32 v1, v18;
	v63 =	vperm.xlane v43, v10;
	v20 =	vshll.u32 v20, $0x4;
	v8 =	vld.idx.msk [tilespmem:v8+s2+$0x0], $0xffff  }
0x103: {  	v21 =	vshll.u32 v21, $0x4;
	v22 =	vshll.u32 v22, $0x4;
	v20 =	vor.u32 v1, v20;
	v5 =	vld.idx.msk [tilespmem:v5+s2+$0x0], $0xffff  }
0x104: {  	v21 =	vor.u32 v1, v21;
	v24 =	vshll.u32 v63, $0x4;
	v63 =	vperm.xlane v45, v10;
	v11 =	vld.idx.msk [tilespmem:v11+s2+$0x0], $0xffff  }
0x105: {  	v12 =	vperm.xlane v57, v10;
	v22 =	vor.u32 v1, v22;
	v15 =	vld.idx.msk [tilespmem:v15+s2+$0x0], $0xffff  }
0x106: {  	v25 =	vshll.u32 v25, $0x4;
	v24 =	vor.u32 v1, v24;
	v26 =	vshll.u32 v63, $0x4;
	v17 =	vld.idx.msk [tilespmem:v17+s2+$0x0], $0xffff  }
0x107: {  	v25 =	vor.u32 v1, v25;
	v26 =	vor.u32 v1, v26;
	v18 =	vld.idx.msk [tilespmem:v18+s2+$0x0], $0xffff  }
0x108: {  	v2 =	vor.u32 v1, v9;
	v9 =	vshll.u32 v12, $0x4;
	v12 =	vperm.xlane v55, v10;
	v20 =	vld.idx.msk [tilespmem:v20+s2+$0x0], $0xffff  }
0x109: {  	v14 =	vperm.xlane v54, v10;
	v21 =	vld.idx.msk [tilespmem:v21+s2+$0x0], $0xffff  }
0x10a: {  	v27 =	vperm.xlane v46, v10;
	v9 =	vor.u32 v1, v9;
	v22 =	vld.idx.msk [tilespmem:v22+s2+$0x0], $0xffff;
	v12 =	vshll.u32 v12, $0x4  }
0x10b: {  	v63 =	vperm.xlane v47, v10;
	v24 =	vld.idx.msk [tilespmem:v24+s2+$0x0], $0xffff;
	v14 =	vshll.u32 v14, $0x4;
	v12 =	vor.u32 v1, v12  }
0x10c: {  	v27 =	vshll.u32 v27, $0x4;
	v25 =	vld.idx.msk [tilespmem:v25+s2+$0x0], $0xffff;
	v14 =	vor.u32 v1, v14  }
0x10d: {  	v27 =	vor.u32 v1, v27;
	v63 =	vshll.u32 v63, $0x4;
	v26 =	vld.idx.msk [tilespmem:v26+s2+$0x0], $0xffff  }
0x10e: {  	v63 =	vor.u32 v1, v63;
	v2 =	vld.idx.msk [tilespmem:v2+s2+$0x0], $0xffff  }
0x10f: {  	v9 =	vld.idx.msk [tilespmem:v9+s2+$0x0], $0xffff  }
0x110: {  	v12 =	vld.idx.msk [tilespmem:v12+s2+$0x0], $0xffff  }
0x111: {  	v14 =	vld.idx.msk [tilespmem:v14+s2+$0x0], $0xffff  }
0x112: {  	v27 =	vld.idx.msk [tilespmem:v27+s2+$0x0], $0xffff  }
0x113: {  	v63 =	vld.idx.msk [tilespmem:v63+s2+$0x0], $0xffff  }
0x114: {  	v3 =	vmax.bf16 v3, v6;
	v5 =	vmax.bf16 v8, v5  }
0x115: {  	v3 =	vmax.bf16 v3, v5;
	v2 =	vmax.bf16 v2, v9;
	v9 =	vmax.bf16 v17, v18  }
0x116: {  	v6 =	vmax.bf16 v11, v12;
	v8 =	vmax.bf16 v14, v15;
	v11 =	vmax.bf16 v20, v21  }
0x117: {  	v12 =	vmax.bf16 v22, v24;
	v14 =	vmax.bf16 v25, v26;
	v2 =	vmax.bf16 v2, v6  }
0x118: {  	v5 =	vmax.bf16 v8, v9;
	v6 =	vmax.bf16 v11, v12;
	v8 =	vmax.bf16 v27, v63  }
0x119: {  	v2 =	vmax.bf16 v3, v2;
	v3 =	vmax.bf16 v5, v6;
	v5 =	vmax.bf16 v14, v8;
	v14 =	vld [tilespmem:$0x1FF30];
	_ =	sdelay $0x4  }
0x11a: {  	v2 =	vmax.bf16 v2, v3  }
0x11b: {  	v2 =	vmax.bf16 v2, v5  }
0x11c: {  	v5 =	vshll.u32 v2, $0x10  }
0x11d: {  	v17 =	vperm.xlane v52, v13;
	v9 =	vperm.xlane v59, v13;
	[tilespmem:v14+s13+$0x0] =	vst.idx.msk $0xffff, v5;
	v14 =	vld [tilespmem:$0x1FF40]  }
0x11e: {  	v6 =	vperm.xlane v61, v13;
	v3 =	vperm.xlane v62, v13  }
0x11f: {  	v11 =	vperm.xlane v58, v13;
	v8 =	vperm.xlane v60, v13  }
0x120: {  	v9 =	vshll.u32 v9, $0x4;
	v6 =	vshll.u32 v6, $0x4;
	v3 =	vshll.u32 v3, $0x4  }
0x121: {  	v8 =	vshll.u32 v8, $0x4;
	v6 =	vor.u32 v1, v6;
	v3 =	vor.u32 v1, v3  }
0x122: {  	v5 =	vor.u32 v1, v9;
	v9 =	vshll.u32 v11, $0x4;
	v11 =	vperm.xlane v56, v13  }
0x123: {  	v18 =	vperm.xlane v51, v13;
	v15 =	vperm.xlane v53, v13;
	v8 =	vor.u32 v1, v8  }
0x124: {  	v17 =	vshll.u32 v17, $0x4;
	v2 =	vand.u32 $0xFFFF0000, v2;
	v11 =	vshll.u32 v11, $0x4  }
0x125: {  	v20 =	vperm.xlane v50, v13;
	v15 =	vshll.u32 v15, $0x4;
	v11 =	vor.u32 v1, v11;
	[tilespmem:v14+s13+$0x0] =	vst.idx.msk $0xffff, v2  }
0x126: {  	v18 =	vshll.u32 v18, $0x4;
	v21 =	vperm.xlane v49, v13;
	v15 =	vor.u32 v1, v15;
	v3 =	vld.idx.msk [tilespmem:v3+s2+$0x0], $0xffff  }
0x127: {  	v22 =	vperm.xlane v48, v13;
	v25 =	vperm.xlane v44, v13;
	v17 =	vor.u32 v1, v17;
	v6 =	vld.idx.msk [tilespmem:v6+s2+$0x0], $0xffff  }
0x128: {  	v18 =	vor.u32 v1, v18;
	v63 =	vperm.xlane v43, v13;
	v20 =	vshll.u32 v20, $0x4;
	v8 =	vld.idx.msk [tilespmem:v8+s2+$0x0], $0xffff  }
0x129: {  	v21 =	vshll.u32 v21, $0x4;
	v22 =	vshll.u32 v22, $0x4;
	v20 =	vor.u32 v1, v20;
	v5 =	vld.idx.msk [tilespmem:v5+s2+$0x0], $0xffff  }
0x12a: {  	v21 =	vor.u32 v1, v21;
	v24 =	vshll.u32 v63, $0x4;
	v63 =	vperm.xlane v45, v13;
	v11 =	vld.idx.msk [tilespmem:v11+s2+$0x0], $0xffff  }
0x12b: {  	v12 =	vperm.xlane v57, v13;
	v22 =	vor.u32 v1, v22;
	v15 =	vld.idx.msk [tilespmem:v15+s2+$0x0], $0xffff  }
0x12c: {  	v25 =	vshll.u32 v25, $0x4;
	v24 =	vor.u32 v1, v24;
	v26 =	vshll.u32 v63, $0x4;
	v17 =	vld.idx.msk [tilespmem:v17+s2+$0x0], $0xffff  }
0x12d: {  	v25 =	vor.u32 v1, v25;
	v26 =	vor.u32 v1, v26;
	v18 =	vld.idx.msk [tilespmem:v18+s2+$0x0], $0xffff  }
0x12e: {  	v2 =	vor.u32 v1, v9;
	v9 =	vshll.u32 v12, $0x4;
	v12 =	vperm.xlane v55, v13;
	v20 =	vld.idx.msk [tilespmem:v20+s2+$0x0], $0xffff  }
0x12f: {  	v14 =	vperm.xlane v54, v13;
	v21 =	vld.idx.msk [tilespmem:v21+s2+$0x0], $0xffff  }
0x130: {  	v27 =	vperm.xlane v46, v13;
	v9 =	vor.u32 v1, v9;
	v22 =	vld.idx.msk [tilespmem:v22+s2+$0x0], $0xffff;
	v12 =	vshll.u32 v12, $0x4  }
0x131: {  	v63 =	vperm.xlane v47, v13;
	v24 =	vld.idx.msk [tilespmem:v24+s2+$0x0], $0xffff;
	v14 =	vshll.u32 v14, $0x4;
	v12 =	vor.u32 v1, v12  }
0x132: {  	v27 =	vshll.u32 v27, $0x4;
	v25 =	vld.idx.msk [tilespmem:v25+s2+$0x0], $0xffff;
	v14 =	vor.u32 v1, v14  }
0x133: {  	v27 =	vor.u32 v1, v27;
	v63 =	vshll.u32 v63, $0x4;
	v26 =	vld.idx.msk [tilespmem:v26+s2+$0x0], $0xffff  }
0x134: {  	v63 =	vor.u32 v1, v63;
	v2 =	vld.idx.msk [tilespmem:v2+s2+$0x0], $0xffff  }
0x135: {  	v9 =	vld.idx.msk [tilespmem:v9+s2+$0x0], $0xffff  }
0x136: {  	v12 =	vld.idx.msk [tilespmem:v12+s2+$0x0], $0xffff  }
0x137: {  	v14 =	vld.idx.msk [tilespmem:v14+s2+$0x0], $0xffff  }
0x138: {  	v27 =	vld.idx.msk [tilespmem:v27+s2+$0x0], $0xffff  }
0x139: {  	v63 =	vld.idx.msk [tilespmem:v63+s2+$0x0], $0xffff  }
0x13a: {  	v3 =	vmax.bf16 v3, v6;
	v5 =	vmax.bf16 v8, v5  }
0x13b: {  	v3 =	vmax.bf16 v3, v5;
	v2 =	vmax.bf16 v2, v9;
	v9 =	vmax.bf16 v17, v18  }
0x13c: {  	v6 =	vmax.bf16 v11, v12;
	v8 =	vmax.bf16 v14, v15;
	v11 =	vmax.bf16 v20, v21  }
0x13d: {  	v12 =	vmax.bf16 v22, v24;
	v14 =	vmax.bf16 v25, v26;
	v2 =	vmax.bf16 v2, v6  }
0x13e: {  	v5 =	vmax.bf16 v8, v9;
	v6 =	vmax.bf16 v11, v12;
	v8 =	vmax.bf16 v27, v63  }
0x13f: {  	v2 =	vmax.bf16 v3, v2;
	v3 =	vmax.bf16 v5, v6;
	v5 =	vmax.bf16 v14, v8;
	v14 =	vld [tilespmem:$0x1FF50];
	_ =	sdelay $0x4  }
0x140: {  	v2 =	vmax.bf16 v2, v3  }
0x141: {  	v2 =	vmax.bf16 v2, v5  }
0x142: {  	v5 =	vshll.u32 v2, $0x10  }
0x143: {  	v17 =	vperm.xlane v52, v16;
	v9 =	vperm.xlane v59, v16;
	[tilespmem:v14+s13+$0x0] =	vst.idx.msk $0xffff, v5;
	v14 =	vld [tilespmem:$0x1FF60]  }
0x144: {  	v6 =	vperm.xlane v61, v16;
	v3 =	vperm.xlane v62, v16  }
0x145: {  	v11 =	vperm.xlane v58, v16;
	v8 =	vperm.xlane v60, v16  }
0x146: {  	v9 =	vshll.u32 v9, $0x4;
	v6 =	vshll.u32 v6, $0x4;
	v3 =	vshll.u32 v3, $0x4  }
0x147: {  	v8 =	vshll.u32 v8, $0x4;
	v6 =	vor.u32 v1, v6;
	v3 =	vor.u32 v1, v3  }
0x148: {  	v5 =	vor.u32 v1, v9;
	v9 =	vshll.u32 v11, $0x4;
	v11 =	vperm.xlane v56, v16  }
0x149: {  	v18 =	vperm.xlane v51, v16;
	v15 =	vperm.xlane v53, v16;
	v8 =	vor.u32 v1, v8  }
0x14a: {  	v17 =	vshll.u32 v17, $0x4;
	v2 =	vand.u32 $0xFFFF0000, v2;
	v11 =	vshll.u32 v11, $0x4  }
0x14b: {  	v20 =	vperm.xlane v50, v16;
	v15 =	vshll.u32 v15, $0x4;
	v11 =	vor.u32 v1, v11;
	[tilespmem:v14+s13+$0x0] =	vst.idx.msk $0xffff, v2  }
0x14c: {  	v18 =	vshll.u32 v18, $0x4;
	v21 =	vperm.xlane v49, v16;
	v15 =	vor.u32 v1, v15;
	v3 =	vld.idx.msk [tilespmem:v3+s2+$0x0], $0xffff  }
0x14d: {  	v22 =	vperm.xlane v48, v16;
	v25 =	vperm.xlane v44, v16;
	v17 =	vor.u32 v1, v17;
	v6 =	vld.idx.msk [tilespmem:v6+s2+$0x0], $0xffff  }
0x14e: {  	v18 =	vor.u32 v1, v18;
	v63 =	vperm.xlane v43, v16;
	v20 =	vshll.u32 v20, $0x4;
	v8 =	vld.idx.msk [tilespmem:v8+s2+$0x0], $0xffff  }
0x14f: {  	v21 =	vshll.u32 v21, $0x4;
	v22 =	vshll.u32 v22, $0x4;
	v20 =	vor.u32 v1, v20;
	v5 =	vld.idx.msk [tilespmem:v5+s2+$0x0], $0xffff  }
0x150: {  	v21 =	vor.u32 v1, v21;
	v24 =	vshll.u32 v63, $0x4;
	v63 =	vperm.xlane v45, v16;
	v11 =	vld.idx.msk [tilespmem:v11+s2+$0x0], $0xffff  }
0x151: {  	v12 =	vperm.xlane v57, v16;
	v22 =	vor.u32 v1, v22;
	v15 =	vld.idx.msk [tilespmem:v15+s2+$0x0], $0xffff  }
0x152: {  	v25 =	vshll.u32 v25, $0x4;
	v24 =	vor.u32 v1, v24;
	v26 =	vshll.u32 v63, $0x4;
	v17 =	vld.idx.msk [tilespmem:v17+s2+$0x0], $0xffff  }
0x153: {  	v25 =	vor.u32 v1, v25;
	v26 =	vor.u32 v1, v26;
	v18 =	vld.idx.msk [tilespmem:v18+s2+$0x0], $0xffff  }
0x154: {  	v2 =	vor.u32 v1, v9;
	v9 =	vshll.u32 v12, $0x4;
	v12 =	vperm.xlane v55, v16;
	v20 =	vld.idx.msk [tilespmem:v20+s2+$0x0], $0xffff  }
0x155: {  	v14 =	vperm.xlane v54, v16;
	v21 =	vld.idx.msk [tilespmem:v21+s2+$0x0], $0xffff  }
0x156: {  	v27 =	vperm.xlane v46, v16;
	v9 =	vor.u32 v1, v9;
	v22 =	vld.idx.msk [tilespmem:v22+s2+$0x0], $0xffff;
	v12 =	vshll.u32 v12, $0x4  }
0x157: {  	v63 =	vperm.xlane v47, v16;
	v24 =	vld.idx.msk [tilespmem:v24+s2+$0x0], $0xffff;
	v14 =	vshll.u32 v14, $0x4;
	v12 =	vor.u32 v1, v12  }
0x158: {  	v27 =	vshll.u32 v27, $0x4;
	v25 =	vld.idx.msk [tilespmem:v25+s2+$0x0], $0xffff;
	v14 =	vor.u32 v1, v14  }
0x159: {  	v27 =	vor.u32 v1, v27;
	v63 =	vshll.u32 v63, $0x4;
	v26 =	vld.idx.msk [tilespmem:v26+s2+$0x0], $0xffff  }
0x15a: {  	v63 =	vor.u32 v1, v63;
	v2 =	vld.idx.msk [tilespmem:v2+s2+$0x0], $0xffff  }
0x15b: {  	v9 =	vld.idx.msk [tilespmem:v9+s2+$0x0], $0xffff  }
0x15c: {  	v12 =	vld.idx.msk [tilespmem:v12+s2+$0x0], $0xffff  }
0x15d: {  	v14 =	vld.idx.msk [tilespmem:v14+s2+$0x0], $0xffff  }
0x15e: {  	v27 =	vld.idx.msk [tilespmem:v27+s2+$0x0], $0xffff  }
0x15f: {  	v63 =	vld.idx.msk [tilespmem:v63+s2+$0x0], $0xffff  }
0x160: {  	v3 =	vmax.bf16 v3, v6;
	v5 =	vmax.bf16 v8, v5  }
0x161: {  	v3 =	vmax.bf16 v3, v5;
	v2 =	vmax.bf16 v2, v9;
	v9 =	vmax.bf16 v17, v18  }
0x162: {  	v6 =	vmax.bf16 v11, v12;
	v8 =	vmax.bf16 v14, v15;
	v11 =	vmax.bf16 v20, v21  }
0x163: {  	v12 =	vmax.bf16 v22, v24;
	v14 =	vmax.bf16 v25, v26;
	v2 =	vmax.bf16 v2, v6  }
0x164: {  	v5 =	vmax.bf16 v8, v9;
	v6 =	vmax.bf16 v11, v12;
	v8 =	vmax.bf16 v27, v63  }
0x165: {  	v2 =	vmax.bf16 v3, v2;
	v3 =	vmax.bf16 v5, v6;
	v5 =	vmax.bf16 v14, v8;
	v14 =	vld [tilespmem:$0x1FF70];
	_ =	sdelay $0x4  }
0x166: {  	v2 =	vmax.bf16 v2, v3  }
0x167: {  	v2 =	vmax.bf16 v2, v5  }
0x168: {  	v5 =	vshll.u32 v2, $0x10  }
0x169: {  	v17 =	vperm.xlane v52, v19;
	v9 =	vperm.xlane v59, v19;
	[tilespmem:v14+s13+$0x0] =	vst.idx.msk $0xffff, v5;
	v14 =	vld [tilespmem:$0x1FF80]  }
0x16a: {  	v6 =	vperm.xlane v61, v19;
	v3 =	vperm.xlane v62, v19  }
0x16b: {  	v11 =	vperm.xlane v58, v19;
	v8 =	vperm.xlane v60, v19  }
0x16c: {  	v9 =	vshll.u32 v9, $0x4;
	v6 =	vshll.u32 v6, $0x4;
	v3 =	vshll.u32 v3, $0x4  }
0x16d: {  	v8 =	vshll.u32 v8, $0x4;
	v6 =	vor.u32 v1, v6;
	v3 =	vor.u32 v1, v3  }
0x16e: {  	v5 =	vor.u32 v1, v9;
	v9 =	vshll.u32 v11, $0x4;
	v11 =	vperm.xlane v56, v19  }
0x16f: {  	v18 =	vperm.xlane v51, v19;
	v15 =	vperm.xlane v53, v19;
	v8 =	vor.u32 v1, v8  }
0x170: {  	v17 =	vshll.u32 v17, $0x4;
	v2 =	vand.u32 $0xFFFF0000, v2;
	v11 =	vshll.u32 v11, $0x4  }
0x171: {  	v20 =	vperm.xlane v50, v19;
	v15 =	vshll.u32 v15, $0x4;
	v11 =	vor.u32 v1, v11;
	[tilespmem:v14+s13+$0x0] =	vst.idx.msk $0xffff, v2  }
0x172: {  	v18 =	vshll.u32 v18, $0x4;
	v21 =	vperm.xlane v49, v19;
	v15 =	vor.u32 v1, v15;
	v3 =	vld.idx.msk [tilespmem:v3+s2+$0x0], $0xffff  }
0x173: {  	v22 =	vperm.xlane v48, v19;
	v17 =	vor.u32 v1, v17;
	v18 =	vor.u32 v1, v18;
	v6 =	vld.idx.msk [tilespmem:v6+s2+$0x0], $0xffff  }
0x174: {  	v63 =	vperm.xlane v43, v19;
	v27 =	vperm.xlane v46, v19;
	v20 =	vshll.u32 v20, $0x4;
	v8 =	vld.idx.msk [tilespmem:v8+s2+$0x0], $0xffff  }
0x175: {  	v21 =	vshll.u32 v21, $0x4;
	v22 =	vshll.u32 v22, $0x4;
	v20 =	vor.u32 v1, v20;
	v5 =	vld.idx.msk [tilespmem:v5+s2+$0x0], $0xffff  }
0x176: {  	v21 =	vor.u32 v1, v21;
	v24 =	vshll.u32 v63, $0x4;
	v63 =	vperm.xlane v45, v19;
	v11 =	vld.idx.msk [tilespmem:v11+s2+$0x0], $0xffff  }
0x177: {  	v12 =	vperm.xlane v57, v19;
	v22 =	vor.u32 v1, v22;
	v27 =	vshll.u32 v27, $0x4;
	v15 =	vld.idx.msk [tilespmem:v15+s2+$0x0], $0xffff  }
0x178: {  	v27 =	vor.u32 v1, v27;
	v26 =	vshll.u32 v63, $0x4;
	v63 =	vperm.xlane v47, v19;
	v17 =	vld.idx.msk [tilespmem:v17+s2+$0x0], $0xffff  }
0x179: {  	v2 =	vor.u32 v1, v9;
	v9 =	vshll.u32 v12, $0x4;
	v12 =	vperm.xlane v55, v19;
	v18 =	vld.idx.msk [tilespmem:v18+s2+$0x0], $0xffff  }
0x17a: {  	v63 =	vshll.u32 v63, $0x4;
	v14 =	vperm.xlane v54, v19;
	v9 =	vor.u32 v1, v9;
	v20 =	vld.idx.msk [tilespmem:v20+s2+$0x0], $0xffff  }
0x17b: {  	v63 =	vor.u32 v1, v63;
	v21 =	vld.idx.msk [tilespmem:v21+s2+$0x0], $0xffff;
	v12 =	vshll.u32 v12, $0x4  }
0x17c: {  	v25 =	vperm.xlane v44, v19;
	v22 =	vld.idx.msk [tilespmem:v22+s2+$0x0], $0xffff;
	v14 =	vshll.u32 v14, $0x4;
	v12 =	vor.u32 v1, v12  }
0x17d: {  	v27 =	vld.idx.msk [tilespmem:v27+s2+$0x0], $0xffff;
	v14 =	vor.u32 v1, v14  }
0x17e: {  	v25 =	vshll.u32 v25, $0x4;
	v24 =	vor.u32 v1, v24;
	v2 =	vld.idx.msk [tilespmem:v2+s2+$0x0], $0xffff  }
0x17f: {  	v25 =	vor.u32 v1, v25;
	v9 =	vld.idx.msk [tilespmem:v9+s2+$0x0], $0xffff  }
0x180: {  	v26 =	vor.u32 v1, v26;
	v3 =	vmax.bf16 v3, v6;
	v6 =	vld.idx.msk [tilespmem:v63+s2+$0x0], $0xffff  }
0x181: {  	v12 =	vld.idx.msk [tilespmem:v12+s2+$0x0], $0xffff  }
0x182: {  	v14 =	vld.idx.msk [tilespmem:v14+s2+$0x0], $0xffff  }
0x183: {  	v24 =	vld.idx.msk [tilespmem:v24+s2+$0x0], $0xffff  }
0x184: {  	v25 =	vld.idx.msk [tilespmem:v25+s2+$0x0], $0xffff  }
0x185: {  	v26 =	vld.idx.msk [tilespmem:v26+s2+$0x0], $0xffff;
	v5 =	vmax.bf16 v8, v5  }
0x186: {  	v3 =	vmax.bf16 v3, v5;
	v2 =	vmax.bf16 v2, v9  }
0x187: {  	v6 =	vmax.bf16 v27, v6;
	v8 =	vmax.bf16 v11, v12;
	v9 =	vmax.bf16 v14, v15  }
0x188: {  	v11 =	vmax.bf16 v17, v18;
	v12 =	vmax.bf16 v20, v21;
	v17 =	vperm.xlane v52, v23  }
0x189: {  	v14 =	vmax.bf16 v22, v24;
	v18 =	vperm.xlane v51, v23;
	v20 =	vperm.xlane v50, v23  }
0x18a: {  	v15 =	vmax.bf16 v25, v26;
	v21 =	vperm.xlane v49, v23;
	v22 =	vperm.xlane v48, v23  }
0x18b: {  	v2 =	vmax.bf16 v2, v8;
	v5 =	vmax.bf16 v9, v11;
	v11 =	vperm.xlane v58, v23  }
0x18c: {  	v8 =	vmax.bf16 v12, v14;
	v12 =	vperm.xlane v57, v23;
	v14 =	vperm.xlane v54, v23  }
0x18d: {  	v57 =	vperm.xlane v43, v23;
	v58 =	vperm.xlane v44, v23;
	v2 =	vmax.bf16 v3, v2  }
0x18e: {  	v3 =	vmax.bf16 v5, v8;
	v5 =	vmax.bf16 v15, v6;
	v17 =	vshll.u32 v17, $0x4  }
0x18f: {  	v18 =	vshll.u32 v18, $0x4;
	v2 =	vmax.bf16 v2, v3;
	v17 =	vor.u32 v1, v17  }
0x190: {  	v20 =	vshll.u32 v20, $0x4;
	v18 =	vor.u32 v1, v18;
	v2 =	vmax.bf16 v2, v5  }
0x191: {  	v21 =	vshll.u32 v21, $0x4;
	v20 =	vor.u32 v1, v20;
	v5 =	vshll.u32 v2, $0x10  }
0x192: {  	v22 =	vshll.u32 v22, $0x4;
	v21 =	vor.u32 v1, v21;
	v2 =	vand.u32 $0xFFFF0000, v2;
	[tilespmem:v40+s13+$0x0] =	vst.idx.msk $0xffff, v5  }
0x193: {  	v6 =	vperm.xlane v61, v23;
	v14 =	vshll.u32 v14, $0x4;
	v22 =	vor.u32 v1, v22;
	[tilespmem:v28+s13+$0x0] =	vst.idx.msk $0xffff, v2  }
0x194: {  	v8 =	vperm.xlane v60, v23;
	v24 =	vshll.u32 v57, $0x4;
	v14 =	vor.u32 v1, v14;
	v17 =	vld.idx.msk [tilespmem:v17+s2+$0x0], $0xffff  }
0x195: {  	v15 =	vperm.xlane v53, v23;
	v25 =	vshll.u32 v58, $0x4;
	v24 =	vor.u32 v1, v24;
	v18 =	vld.idx.msk [tilespmem:v18+s2+$0x0], $0xffff  }
0x196: {  	v3 =	vperm.xlane v62, v23;
	v6 =	vshll.u32 v6, $0x4;
	v25 =	vor.u32 v1, v25;
	v20 =	vld.idx.msk [tilespmem:v20+s2+$0x0], $0xffff  }
0x197: {  	v9 =	vperm.xlane v59, v23;
	v8 =	vshll.u32 v8, $0x4;
	v6 =	vor.u32 v1, v6;
	v21 =	vld.idx.msk [tilespmem:v21+s2+$0x0], $0xffff  }
0x198: {  	v15 =	vshll.u32 v15, $0x4;
	v3 =	vshll.u32 v3, $0x4;
	v8 =	vor.u32 v1, v8;
	v22 =	vld.idx.msk [tilespmem:v22+s2+$0x0], $0xffff  }
0x199: {  	v9 =	vshll.u32 v9, $0x4;
	v15 =	vor.u32 v1, v15;
	v3 =	vor.u32 v1, v3;
	v14 =	vld.idx.msk [tilespmem:v14+s2+$0x0], $0xffff  }
0x19a: {  	v5 =	vor.u32 v1, v9;
	v9 =	vshll.u32 v11, $0x4;
	v11 =	vperm.xlane v56, v23;
	v24 =	vld.idx.msk [tilespmem:v24+s2+$0x0], $0xffff  }
0x19b: {  	v2 =	vor.u32 v1, v9;
	v9 =	vshll.u32 v12, $0x4;
	v12 =	vperm.xlane v55, v23;
	v25 =	vld.idx.msk [tilespmem:v25+s2+$0x0], $0xffff  }
0x19c: {  	v11 =	vshll.u32 v11, $0x4;
	v6 =	vld.idx.msk [tilespmem:v6+s2+$0x0], $0xffff  }
0x19d: {  	v59 =	vperm.xlane v45, v23;
	v11 =	vor.u32 v1, v11;
	v12 =	vshll.u32 v12, $0x4;
	v8 =	vld.idx.msk [tilespmem:v8+s2+$0x0], $0xffff  }
0x19e: {  	v27 =	vperm.xlane v46, v23;
	v12 =	vor.u32 v1, v12;
	v15 =	vld.idx.msk [tilespmem:v15+s2+$0x0], $0xffff  }
0x19f: {  	v60 =	vperm.xlane v47, v23;
	v26 =	vshll.u32 v59, $0x4;
	v9 =	vor.u32 v1, v9;
	v3 =	vld.idx.msk [tilespmem:v3+s2+$0x0], $0xffff  }
0x1a0: {  	v27 =	vshll.u32 v27, $0x4;
	v26 =	vor.u32 v1, v26;
	v5 =	vld.idx.msk [tilespmem:v5+s2+$0x0], $0xffff  }
0x1a1: {  	v27 =	vor.u32 v1, v27;
	v43 =	vshll.u32 v60, $0x4;
	v2 =	vld.idx.msk [tilespmem:v2+s2+$0x0], $0xffff  }
0x1a2: {  	v43 =	vor.u32 v1, v43;
	v11 =	vld.idx.msk [tilespmem:v11+s2+$0x0], $0xffff  }
0x1a3: {  	v12 =	vld.idx.msk [tilespmem:v12+s2+$0x0], $0xffff  }
0x1a4: {  	v9 =	vld.idx.msk [tilespmem:v9+s2+$0x0], $0xffff  }
0x1a5: {  	v26 =	vld.idx.msk [tilespmem:v26+s2+$0x0], $0xffff  }
0x1a6: {  	v27 =	vld.idx.msk [tilespmem:v27+s2+$0x0], $0xffff  }
0x1a7: {  	v3 =	vmax.bf16 v3, v6;
	v6 =	vld.idx.msk [tilespmem:v43+s2+$0x0], $0xffff  }
0x1a8: {  	v5 =	vmax.bf16 v8, v5;
	v8 =	vmax.bf16 v11, v12;
	v12 =	vmax.bf16 v20, v21;
	v21 =	vld [tilespmem:$0x1FFA0]  }
0x1a9: {  	v3 =	vmax.bf16 v3, v5;
	v2 =	vmax.bf16 v2, v9;
	v9 =	vmax.bf16 v14, v15  }
0x1aa: {  	v14 =	vmax.bf16 v22, v24;
	v15 =	vmax.bf16 v25, v26;
	v11 =	vmax.bf16 v17, v18;
	v20 =	vld [tilespmem:$0x1FF90]  }
0x1ab: {  	v2 =	vmax.bf16 v2, v8;
	v5 =	vmax.bf16 v9, v11;
	v8 =	vmax.bf16 v12, v14  }
0x1ac: {  	v6 =	vmax.bf16 v27, v6;
	v2 =	vmax.bf16 v3, v2;
	v3 =	vmax.bf16 v5, v8  }
0x1ad: {  	v5 =	vmax.bf16 v15, v6;
	v2 =	vmax.bf16 v2, v3  }
0x1ae: {  	v2 =	vmax.bf16 v2, v5  }
0x1af: {  	v3 =	vshll.u32 v2, $0x10  }
0x1b0: {  	v2 =	vand.u32 $0xFFFF0000, v2;
	[tilespmem:v21+s13+$0x0] =	vst.idx.msk $0xffff, v3  }
0x1b1: {  	[tilespmem:v31+s13+$0x0] =	vst.idx.msk $0xffff, v2  }
0x1b2: {  	v2 =	vld.idx.msk [tilespmem:v20+s13+$0x0], $0xffff;
	_ =	sdelay $0x4  }
0x1b3: {  	[tilespmem:v42+s24+$0x0 ss:$0x1] =	vst.idx.msk $0xffff, v2  }
0x1b4: {  	v2 =	vld.idx.msk [tilespmem:v32+s13+$0x0], $0xffff;
	_ =	sdelay $0x4  }
0x1b5: {  	[tilespmem:v42+s24+$0x80 ss:$0x1] =	vst.idx.msk $0xffff, v2  }
0x1b6: {  	v2 =	vld.idx.msk [tilespmem:v33+s13+$0x0], $0xffff;
	_ =	sdelay $0x4  }
0x1b7: {  	[tilespmem:v42+s24+$0x100 ss:$0x1] =	vst.idx.msk $0xffff, v2  }
0x1b8: {  	v2 =	vld.idx.msk [tilespmem:v34+s13+$0x0], $0xffff;
	_ =	sdelay $0x4  }
0x1b9: {  	[tilespmem:v42+s24+$0x180 ss:$0x1] =	vst.idx.msk $0xffff, v2  }
0x1ba: {  	v2 =	vld.idx.msk [tilespmem:v35+s13+$0x0], $0xffff;
	_ =	sdelay $0x4  }
0x1bb: {  	[tilespmem:v42+s24+$0x200 ss:$0x1] =	vst.idx.msk $0xffff, v2  }
0x1bc: {  	v2 =	vld.idx.msk [tilespmem:v36+s13+$0x0], $0xffff;
	_ =	sdelay $0x4  }
0x1bd: {  	[tilespmem:v42+s24+$0x280 ss:$0x1] =	vst.idx.msk $0xffff, v2  }
0x1be: {  	v2 =	vld.idx.msk [tilespmem:v37+s13+$0x0], $0xffff;
	_ =	sdelay $0x4  }
0x1bf: {  	[tilespmem:v42+s24+$0x300 ss:$0x1] =	vst.idx.msk $0xffff, v2  }
0x1c0: {  	v2 =	vld.idx.msk [tilespmem:v38+s13+$0x0], $0xffff;
	_ =	sdelay $0x4  }
0x1c1: {  	[tilespmem:v42+s24+$0x380 ss:$0x1] =	vst.idx.msk $0xffff, v2  }
0x1c2: {  	v2 =	vld.idx.msk [tilespmem:v39+s13+$0x0], $0xffff;
	_ =	sdelay $0x4  }
0x1c3: {  	[tilespmem:v42+s24+$0x400 ss:$0x1] =	vst.idx.msk $0xffff, v2  }
0x1c4: {  	v2 =	vld.idx.msk [tilespmem:v30+s13+$0x0], $0xffff;
	_ =	sdelay $0x3  }
0x1c5: {  	v22 =	vld [tilespmem:$0x1FFB0]  }
0x1c6: {  	[tilespmem:v42+s24+$0x480 ss:$0x1] =	vst.idx.msk $0xffff, v2  }
0x1c7: {  	v2 =	vld.idx.msk [tilespmem:v29+s13+$0x0], $0xffff;
	_ =	sdelay $0x3  }
0x1c8: {  	v61 =	vld [tilespmem:$0x1FFC0]  }
0x1c9: {  	[tilespmem:v42+s24+$0x500 ss:$0x1] =	vst.idx.msk $0xffff, v2  }
0x1ca: {  	v2 =	vld.idx.msk [tilespmem:v22+s13+$0x0], $0xffff;
	_ =	sdelay $0x3  }
0x1cb: {  	v63 =	vld [tilespmem:$0x1FFD0]  }
0x1cc: {  	[tilespmem:v42+s24+$0x580 ss:$0x1] =	vst.idx.msk $0xffff, v2  }
0x1cd: {  	v2 =	vld.idx.msk [tilespmem:v61+s13+$0x0], $0xffff;
	_ =	sdelay $0x3  }
0x1ce: {  	v62 =	vld [tilespmem:$0x1FFE0]  }
0x1cf: {  	[tilespmem:v42+s24+$0x600 ss:$0x1] =	vst.idx.msk $0xffff, v2  }
0x1d0: {  	v2 =	vld.idx.msk [tilespmem:v63+s13+$0x0], $0xffff;
	_ =	sdelay $0x3  }
0x1d1: {  	v27 =	vld [tilespmem:$0x1FFF0]  }
0x1d2: {  	[tilespmem:v42+s24+$0x680 ss:$0x1] =	vst.idx.msk $0xffff, v2  }
0x1d3: {  	v2 =	vld.idx.msk [tilespmem:v62+s13+$0x0], $0xffff;
	_ =	sdelay $0x4  }
0x1d4: {  	[tilespmem:v42+s24+$0x700 ss:$0x1] =	vst.idx.msk $0xffff, v2  }
0x1d5: {  	p2 =	sne.s32 s23, $0x1C0;
	v2 =	vld.idx.msk [tilespmem:v27+s13+$0x0], $0xffff  }
.Ltmp3:
0x1d6: {  	_ = 	snop;
	(pc) =	sbr.rel @p2 .LBB2_9-.Ltmp3, $2  }
0x1d7: {  	_ =	sdelay $0x2  }
0x1d8: {  	s23 =	sadd.s32 $0x40, s23;
	[tilespmem:v42+s24+$0x780 ss:$0x1] =	vst.idx.msk $0xffff, v2  }
0x1d9: {  	s21 =	sadd.s32 $0x1, s21  }
0x1da: {  	p2 =	sne.s32 s21, $0xA  }
.Ltmp4:
0x1db: {  	_ = 	snop;
	(pc) =	sbr.rel @p2 .LBB2_8-.Ltmp4, $2  }
0x1dc: {  	_ =	sdelay $0x2  }
0x1dd: {  	s20 =	sadd.s32 $0x80, s20;
	s22 =	sadd.s32 $0x800, s22  }
0x1de: {  	s19 =	smul.u32 $0xA0000, s19;
	_ =	sdelay $0x1  }
0x1df: {  	s19 =	sor.u32 s8, s19  }
0x1e0: {  	p2 =	sne.s32 s18, $0x5;
	s19 =	sshrl.u32 s19, $0x3  }
.Ltmp5:
0x1e1: {  	s19 =	sadd.s32 s1, s19;
	(pc) =	sbr.rel @p2 .LBB2_4-.Ltmp5, $4  }
0x1e2: {  	[hbm4b:s19+s14] =	stream.strided.scatter [tilespmem:s16], [sflag:$0x3], $0x5000, s15, s14, $0x38;
	[tilespmem:$0x15800] =	vst v63  }
0x1e3: {  	_ =	swait.ge [sflag:s10], $0x5000  }
0x1e4: {  	p0 =	por !p0, !p0;
	[sflag:s10] =	ssyncset.done $0x0  }
0x1e5: {  	p1 =	por !p1, !p1;
	s19 =	smov.u32 s18;
	[sflag:s10] =	ssyncadd.s32 $0xFFFFB000  }
0x1e6: {  	s17 =	sadd.s32 $0x1, s17  }
0x1e7: {  	p0 =	sne.s32 s17, s9  }
.Ltmp6:
0x1e8: {  	_ = 	snop;
	(pc) =	sbr.rel @p0 .LBB2_1-.Ltmp6, $1  }
0x1e9: {  	_ =	sdelay $0x3  }
0x1ea: {  	_ =	sfence.sel $0x180000  }
0x1eb: {  	[bflag:$0x0] =	sbarrier.arrive $0xFFFF  }
0x1ec: {  	p0 =	sne.s32 s3, $0x0;
	_ =	strace $0x90000047  }
0x1ed: {  	s0 =	sadd.s32 @!p0 $0x100000, s0;
	[bflag:$0x2] =	sbarrier.arrive $0xFFFF  }
0x1ee: {  	[sflag:s0] =	ssyncadd.tile.s32 @!p0 $0x1;
	_ =	shalt  }
.Lfunc_end2:
_tile_overlayer_lowered:
.L_overlay_start_2:
0x1ef: {  	(tag) =	ssettag $0x2  }
0x1f0: {  	s0 =	rddreg [dreg:$0x0];
	s2 =	stileid.u32  }
0x1f1: {  	s1 =	rddreg [dreg:$0x1];
	p0 =	sne.s32 s2, $0x0  }
0x1f2: {  	s3 =	rddreg [dreg:$0x2];
	[bflag:$0x3] =	sbarrier.arrive $0xFFFF;
	s2 =	simm.s32 @!p0 $0x1C03  }
0x1f3: {  	[timem:s3], [sflag:s2] =	dma.local @!p0 [hbm:s0], s1  }
0x1f4: {  	s0 =	simm.s32 @!p0 $0x3  }
0x1f5: {  	_ =	swait.ge @!p0 [sflag:s0], s1  }
0x1f6: {  	s1 =	ssub.s32 @!p0 $0x0, s1;
	[sflag:s0] =	ssyncset.done @!p0 $0x0  }
0x1f7: {  	[sflag:s0] =	ssyncadd.s32 @!p0 s1  }
0x1f8: {  	[bflag:$0x3] =	sbarrier.arrive $0xFFFF  }
0x1f9: {  	_ =	shalt  }

</sc_bundles>
